<compile_context>
chip_gen: v7x
topology: tpu7x:2x2x1
jax: 0.10.2.dev20260603
libtpu: 0.0.44.dev20260713+nightly
codegen_flags: <defaults>
</compile_context>

<pallas_src>
import functools

import jax
import jax.numpy as jnp
from jax import lax
from jax.experimental import pallas as pl
from jax.experimental.pallas import tpu as pltpu
from jax.experimental.pallas import tpu_sc as plsc

LAT = 128
N_NODES_K = 10000
N_EDGES_K = 320000

NC, NS = 2, 16
NW = NC * NS
CHUNK = 128
N_CHUNKS = N_EDGES_K // CHUNK
CPW = (N_CHUNKS + NW - 1) // NW
NFULL = N_NODES_K // CHUNK
NTAIL = N_NODES_K - NFULL * CHUNK
NSLICE = NFULL + 1
SPS = (NSLICE + NS - 1) // NS
ZROWS = 16
NZ = N_NODES_K // ZROWS
ZPS = (NZ + NS - 1) // NS

_SC_MESH = plsc.VectorSubcoreMesh(
    core_axis_name="c", subcore_axis_name="s", num_cores=NC, num_subcores=NS)


def _pre_body(x_ref, wa_ref, wb_ref, b1_ref, xa_ref, xb_ref):
    x = x_ref[...].astype(jnp.bfloat16)
    xa_ref[...] = jnp.dot(x, wa_ref[...].astype(jnp.bfloat16),
                          preferred_element_type=jnp.float32)
    xb_ref[...] = (jnp.dot(x, wb_ref[...].astype(jnp.bfloat16),
                           preferred_element_type=jnp.float32)
                   + b1_ref[...])


_pre_call = pl.pallas_call(
    _pre_body,
    out_shape=(jax.ShapeDtypeStruct((N_NODES_K, LAT), jnp.float32),
               jax.ShapeDtypeStruct((N_NODES_K, LAT), jnp.float32)),
)


LROWS = 640
LTAIL = N_NODES_K - 15 * LROWS


PCH = 80
HW = PCH // 2


def _gather_body(xa_hbm, xb_hbm, row_hbm, col_hbm, g_hbm,
                 xa_sh, ridx, cidx, b0, b1, s0, s1, sw):
    sid = lax.axis_index("s")
    wid = sid * NC + lax.axis_index("c")

    c0 = jnp.minimum(wid * CPW, N_CHUNKS - PCH)

    r0 = jnp.minimum(sid * LROWS, N_NODES_K - LROWS)
    stage = pltpu.async_copy(xa_hbm.at[pl.ds(r0, LROWS)],
                             xa_sh.at[pl.ds(r0, LROWS)], sw)

    bufs = (b0, b1)
    sems = (s0, s1)

    for h in range(2):
        ch = c0 + h * HW
        pltpu.sync_copy(row_hbm.at[pl.ds(ch * CHUNK, HW * CHUNK)], ridx)
        pltpu.sync_copy(col_hbm.at[pl.ds(ch * CHUNK, HW * CHUNK)], cidx)
        if h == 0:
            stage.wait()
            plsc.subcore_barrier()

        def j_body(j, carry):
            adds = []
            for b in range(2):
                i = j * 2 + b
                ri = ridx.at[pl.ds(i * CHUNK, CHUNK)]
                ci = cidx.at[pl.ds(i * CHUNK, CHUNK)]
                pltpu.sync_copy(xa_sh.at[ri], bufs[b])
                adds.append(pltpu.async_copy(xb_hbm.at[ci], bufs[b],
                                             sems[b], add=True))
            adds[0].wait()
            base0 = (ch + j * 2) * CHUNK
            w0 = pltpu.async_copy(b0, g_hbm.at[pl.ds(base0, CHUNK)], sw)
            adds[1].wait()
            pltpu.sync_copy(b1, g_hbm.at[pl.ds(base0 + CHUNK, CHUNK)])
            w0.wait()
            return carry

        lax.fori_loop(0, HW // 2, j_body, 0)


_gather_call = pl.kernel(
    _gather_body,
    out_type=jax.ShapeDtypeStruct((N_EDGES_K, LAT), jnp.float32),
    mesh=_SC_MESH,
    scratch_types=(
        pltpu.VMEM_SHARED((N_NODES_K, LAT), jnp.float32),
        pltpu.VMEM((HW * CHUNK,), jnp.int32),
        pltpu.VMEM((HW * CHUNK,), jnp.int32),
        pltpu.VMEM((CHUNK, LAT), jnp.float32),
        pltpu.VMEM((CHUNK, LAT), jnp.float32),
        pltpu.SemaphoreType.DMA,
        pltpu.SemaphoreType.DMA,
        pltpu.SemaphoreType.DMA,
    ),
)


EBLK = 4000


def _edge_body(g_ref, e_ref, w1c_ref, w2_ref, b2_ref, out_ref):
    e = e_ref[...]
    h = jnp.dot(e.astype(jnp.bfloat16), w1c_ref[...].astype(jnp.bfloat16),
                preferred_element_type=jnp.float32)
    h = jnp.maximum(h + g_ref[...].astype(jnp.float32), 0.0)
    out_ref[...] = (e + jnp.dot(h.astype(jnp.bfloat16),
                                w2_ref[...].astype(jnp.bfloat16),
                                preferred_element_type=jnp.float32)
                    + b2_ref[...])


_edge_call = pl.pallas_call(
    _edge_body,
    grid=(N_EDGES_K // EBLK,),
    in_specs=[
        pl.BlockSpec((EBLK, LAT), lambda i: (i, 0)),
        pl.BlockSpec((EBLK, LAT), lambda i: (i, 0)),
        pl.BlockSpec((LAT, LAT), lambda i: (0, 0)),
        pl.BlockSpec((LAT, LAT), lambda i: (0, 0)),
        pl.BlockSpec((1, LAT), lambda i: (0, 0)),
    ],
    out_specs=pl.BlockSpec((EBLK, LAT), lambda i: (i, 0)),
    out_shape=jax.ShapeDtypeStruct((N_EDGES_K, LAT), jnp.float32),
    compiler_params=pltpu.CompilerParams(
        dimension_semantics=("parallel",)),
)


def _scatter_body(en_hbm, col2_hbm, out_hbm, acc_shared, cidx,
                  d0, d1, zbuf, t0, t1):
    cid = lax.axis_index("c")
    sid = lax.axis_index("s")
    wid = sid * NC + cid

    def zrow(r, carry):
        for j in range(LAT // 16):
            zbuf[r, pl.ds(j * 16, 16)] = jnp.zeros((16,), jnp.float32)
        return carry

    lax.fori_loop(0, ZROWS, zrow, 0)

    def zslice(i, carry):
        j = i * NS + sid

        @pl.when(j < NZ)
        def _():
            pltpu.sync_copy(zbuf, acc_shared.at[pl.ds(j * ZROWS, ZROWS)])

        return carry

    lax.fori_loop(0, ZPS, zslice, 0)

    c0 = jnp.minimum(wid * CPW, N_CHUNKS - CPW)
    off = wid * CPW - c0
    pltpu.sync_copy(col2_hbm.at[pl.ds(c0 * CHUNK, CPW * CHUNK)], cidx)
    plsc.subcore_barrier()

    dbufs = (d0, d1)
    dsems = (t0, t1)

    def j_body(j, carry):
        loads = []
        for b in range(2):
            c = wid * CPW + j * 2 + b
            base = jnp.minimum(c, N_CHUNKS - 1) * CHUNK
            loads.append(pltpu.async_copy(en_hbm.at[pl.ds(base, CHUNK)],
                                          dbufs[b], dsems[b]))
        for b in range(2):
            i = j * 2 + b
            c = wid * CPW + i
            loads[b].wait()

            @pl.when((i < CPW) & (c < N_CHUNKS))
            def _(b=b, i=i):
                pltpu.sync_copy(
                    dbufs[b],
                    acc_shared.at[cidx.at[pl.ds((off + i) * CHUNK, CHUNK)]],
                    add=True)

        return carry

    lax.fori_loop(0, (CPW + 1) // 2, j_body, 0)
    plsc.subcore_barrier()

    def oslice(i, carry):
        j = i * NS + sid

        @pl.when(j < NFULL)
        def _():
            pltpu.sync_copy(acc_shared.at[pl.ds(j * CHUNK, CHUNK)],
                            out_hbm.at[cid, pl.ds(j * CHUNK, CHUNK)])

        @pl.when(j == NFULL)
        def _():
            pltpu.sync_copy(acc_shared.at[pl.ds(NFULL * CHUNK, NTAIL)],
                            out_hbm.at[cid, pl.ds(NFULL * CHUNK, NTAIL)])

        return carry

    lax.fori_loop(0, SPS, oslice, 0)


_scatter_call = pl.kernel(
    _scatter_body,
    out_type=jax.ShapeDtypeStruct((NC, N_NODES_K, LAT), jnp.float32),
    mesh=_SC_MESH,
    scratch_types=(
        pltpu.VMEM_SHARED((N_NODES_K, LAT), jnp.float32),
        pltpu.VMEM((CPW * CHUNK,), jnp.int32),
        pltpu.VMEM((CHUNK, LAT), jnp.float32),
        pltpu.VMEM((CHUNK, LAT), jnp.float32),
        pltpu.VMEM((ZROWS, LAT), jnp.float32),
        pltpu.SemaphoreType.DMA,
        pltpu.SemaphoreType.DMA,
    ),
)


def _node_body(x_ref, agg_ref, w1a_ref, w1b_ref, b1_ref, w2_ref, b2_ref,
               out_ref):
    x = x_ref[...]
    s = agg_ref[0] + agg_ref[1]
    h = (jnp.dot(x.astype(jnp.bfloat16), w1a_ref[...].astype(jnp.bfloat16),
                 preferred_element_type=jnp.float32)
         + jnp.dot(s.astype(jnp.bfloat16), w1b_ref[...].astype(jnp.bfloat16),
                   preferred_element_type=jnp.float32)
         + b1_ref[...])
    h = jnp.maximum(h, 0.0)
    out_ref[...] = (x + jnp.dot(h.astype(jnp.bfloat16),
                                w2_ref[...].astype(jnp.bfloat16),
                                preferred_element_type=jnp.float32)
                    + b2_ref[...])


_node_call = pl.pallas_call(
    _node_body,
    out_shape=jax.ShapeDtypeStruct((N_NODES_K, LAT), jnp.float32),
)


def kernel(x, edge_index, edge_attr, eW1, eb1, eW2, eb2, nW1, nb1, nW2, nb2):
    row2 = edge_index[0]
    col2 = edge_index[1]
    for l in range(2):
        w1a = eW1[l, :LAT]
        w1b = eW1[l, LAT:2 * LAT]
        w1c = eW1[l, 2 * LAT:]
        xa, xb = _pre_call(x, w1a, w1b, eb1[l].reshape(1, LAT))
        g = _gather_call(xa, xb, row2, col2)
        edge_attr = _edge_call(g, edge_attr, w1c, eW2[l],
                               eb2[l].reshape(1, LAT))
        agg2 = _scatter_call(edge_attr, col2)
        x = _node_call(x, agg2, nW1[l, :LAT], nW1[l, LAT:],
                       nb1[l].reshape(1, LAT), nW2[l],
                       nb2[l].reshape(1, LAT))
    return (x, edge_attr)

# --- scband reference (transcript-rebuilt; emitter-appended) ---
"""Pipeline reference for scband-graph-processor-88828513615949 (READ-ONLY COPY).

The authoritative reference and input builder live on the scoring server;
editing this copy changes nothing except your own understanding.
"""

import jax, jax.numpy as jnp
import numpy as np

LATENT = 128
HIDDEN = 128
NUM_LAYERS = 2
N_NODES = 10000
N_EDGES = 320000


def _mlp(h, W1, b1, W2, b2):
    # MLP with num_mlp_layers=2: Linear -> ReLU -> Linear
    h = jax.nn.relu(h @ W1 + b1)
    return h @ W2 + b2


def setup_inputs(seed: int = 0) -> dict:
    key = jax.random.key(seed)
    ks = jax.random.split(key, 16)
    x = jax.random.normal(ks[0], (N_NODES, LATENT), dtype=jnp.float32)
    edge_index = jax.random.randint(ks[1], (2, N_EDGES), 0, N_NODES, dtype=jnp.int32)
    edge_attr = jax.random.normal(ks[2], (N_EDGES, LATENT), dtype=jnp.float32)

    def init_lin(k, fan_in, fan_out):
        return jax.random.normal(k, (NUM_LAYERS, fan_in, fan_out), dtype=jnp.float32) / np.sqrt(fan_in)

    eW1 = init_lin(ks[3], 3 * LATENT, HIDDEN)
    eb1 = jnp.zeros((NUM_LAYERS, HIDDEN), dtype=jnp.float32)
    eW2 = init_lin(ks[4], HIDDEN, LATENT)
    eb2 = jnp.zeros((NUM_LAYERS, LATENT), dtype=jnp.float32)
    nW1 = init_lin(ks[5], 2 * LATENT, HIDDEN)
    nb1 = jnp.zeros((NUM_LAYERS, HIDDEN), dtype=jnp.float32)
    nW2 = init_lin(ks[6], HIDDEN, LATENT)
    nb2 = jnp.zeros((NUM_LAYERS, LATENT), dtype=jnp.float32)

    return {
        "x": x,
        "edge_index": edge_index,
        "edge_attr": edge_attr,
        "eW1": eW1, "eb1": eb1, "eW2": eW2, "eb2": eb2,
        "nW1": nW1, "nb1": nb1, "nW2": nW2, "nb2": nb2,
    }


def reference(x, edge_index, edge_attr, eW1, eb1, eW2, eb2, nW1, nb1, nW2, nb2):
    row, col = edge_index[0], edge_index[1]
    for l in range(NUM_LAYERS):
        # Edge update: e'_ij = e_ij + EdgeMLP([h_i, h_j, e_ij])
        edge_input = jnp.concatenate([x[row], x[col], edge_attr], axis=-1)
        edge_attr = edge_attr + _mlp(edge_input, eW1[l], eb1[l], eW2[l], eb2[l])
        # Aggregate messages (edge_attr) at target nodes via scatter-add
        aggr_out = jax.ops.segment_sum(edge_attr, col, num_segments=x.shape[0])
        # Node update: h'_i = h_i + NodeMLP([h_i, sum_j e'_ij])
        node_input = jnp.concatenate([x, aggr_out], axis=-1)
        x = x + _mlp(node_input, nW1[l], nb1[l], nW2[l], nb2[l])
    return (x, edge_attr)

if __name__ == "__main__":
    import jax
    _d = setup_inputs()
    print(jax.jit(kernel)(*tuple(_d.values())))

</pallas_src>

<mosaic_0001>
#map = affine_map<(d0, d1) -> (0, 0)>
#map1 = affine_map<(d0, d1) -> (0)>
#map2 = affine_map<(d0, d1) -> (0, 0, 0)>
module attributes {stable_mosaic.version = 14 : i64} {
  func.func @_scatter_body(%arg0: i32, %arg1: i32, %arg2: memref<320000x128xf32, #tpu.memory_space<hbm>>, %arg3: memref<320000xi32, #tpu.memory_space<hbm>>, %arg4: memref<2x10000x128xf32, #tpu.memory_space<hbm>>, %arg5: memref<10000x128xf32, #tpu.memory_space<vmem_shared>>, %arg6: memref<10112xi32, #tpu.memory_space<vmem>>, %arg7: memref<128x128xf32, #tpu.memory_space<vmem>>, %arg8: memref<128x128xf32, #tpu.memory_space<vmem>>, %arg9: memref<16x128xf32, #tpu.memory_space<vmem>>, %arg10: memref<!tpu.dma_semaphore, #tpu.memory_space<semaphore_mem>>, %arg11: memref<!tpu.dma_semaphore, #tpu.memory_space<semaphore_mem>>) attributes {dimension_semantics = [#tpu.dimension_semantics<core_parallel>, #tpu.dimension_semantics<subcore_parallel>], iteration_bounds = array<i64: 2, 16>, scalar_prefetch = 0 : i64, scratch_operands = 7 : i64, tpu.core_type = #tpu.core_type<sc_vector_subcore>, window_params = [{transform_indices = #map}, {transform_indices = #map1}, {transform_indices = #map2}]} {
    %mul3A = arith.constant 2 : i32
    %mul3A_0 = arith.muli %arg1, %mul3A : i32
    %add3A = arith.addi %mul3A_0, %arg0 : i32
    %scan3A = arith.constant 0 : i32
    %scan3A_1 = arith.constant 0 : i32
    %scan3A_2 = arith.constant 16 : i32
    %scan3A_3 = arith.addi %scan3A_1, %scan3A_2 : i32
    %scan3A_4 = arith.constant 1 : i32
    scf.for %scan3A_32 = %scan3A_1 to %scan3A_3 step %scan3A_4  : i32 {
      %broadcast_in_dim3A = arith.constant 0.000000e+00 : f32
      %broadcast_in_dim3A_33 = vector.broadcast %broadcast_in_dim3A : f32 to vector<16xf32>
      %swap3A = arith.index_cast %scan3A_32 : i32 to index
      %swap3A_34 = arith.constant 0 : index
      %swap3A_35 = tpu.vector_load %arg9[%swap3A, %swap3A_34] {strides = array<i32>} : memref<16x128xf32, #tpu.memory_space<vmem>>, vector<1x16xf32>,
      %swap3A_36 = vector.shape_cast %swap3A_35 : vector<1x16xf32> to vector<16xf32>
      %swap3A_37 = vector.shape_cast %broadcast_in_dim3A_33 : vector<16xf32> to vector<1x16xf32>
      tpu.vector_store %arg9[%swap3A, %swap3A_34], %swap3A_37 {strides = array<i32>} : memref<16x128xf32, #tpu.memory_space<vmem>>, vector<1x16xf32>,
      %broadcast_in_dim3A_38 = arith.constant 0.000000e+00 : f32
      %broadcast_in_dim3A_39 = vector.broadcast %broadcast_in_dim3A_38 : f32 to vector<16xf32>
      %swap3A_40 = arith.index_cast %scan3A_32 : i32 to index
      %swap3A_41 = arith.constant 16 : index
      %swap3A_42 = tpu.vector_load %arg9[%swap3A_40, %swap3A_41] {strides = array<i32>} : memref<16x128xf32, #tpu.memory_space<vmem>>, vector<1x16xf32>,
      %swap3A_43 = vector.shape_cast %swap3A_42 : vector<1x16xf32> to vector<16xf32>
      %swap3A_44 = vector.shape_cast %broadcast_in_dim3A_39 : vector<16xf32> to vector<1x16xf32>
      tpu.vector_store %arg9[%swap3A_40, %swap3A_41], %swap3A_44 {strides = array<i32>} : memref<16x128xf32, #tpu.memory_space<vmem>>, vector<1x16xf32>,
      %broadcast_in_dim3A_45 = arith.constant 0.000000e+00 : f32
      %broadcast_in_dim3A_46 = vector.broadcast %broadcast_in_dim3A_45 : f32 to vector<16xf32>
      %swap3A_47 = arith.index_cast %scan3A_32 : i32 to index
      %swap3A_48 = arith.constant 32 : index
      %swap3A_49 = tpu.vector_load %arg9[%swap3A_47, %swap3A_48] {strides = array<i32>} : memref<16x128xf32, #tpu.memory_space<vmem>>, vector<1x16xf32>,
      %swap3A_50 = vector.shape_cast %swap3A_49 : vector<1x16xf32> to vector<16xf32>
      %swap3A_51 = vector.shape_cast %broadcast_in_dim3A_46 : vector<16xf32> to vector<1x16xf32>
      tpu.vector_store %arg9[%swap3A_47, %swap3A_48], %swap3A_51 {strides = array<i32>} : memref<16x128xf32, #tpu.memory_space<vmem>>, vector<1x16xf32>,
      %broadcast_in_dim3A_52 = arith.constant 0.000000e+00 : f32
      %broadcast_in_dim3A_53 = vector.broadcast %broadcast_in_dim3A_52 : f32 to vector<16xf32>
      %swap3A_54 = arith.index_cast %scan3A_32 : i32 to index
      %swap3A_55 = arith.constant 48 : index
      %swap3A_56 = tpu.vector_load %arg9[%swap3A_54, %swap3A_55] {strides = array<i32>} : memref<16x128xf32, #tpu.memory_space<vmem>>, vector<1x16xf32>,
      %swap3A_57 = vector.shape_cast %swap3A_56 : vector<1x16xf32> to vector<16xf32>
      %swap3A_58 = vector.shape_cast %broadcast_in_dim3A_53 : vector<16xf32> to vector<1x16xf32>
      tpu.vector_store %arg9[%swap3A_54, %swap3A_55], %swap3A_58 {strides = array<i32>} : memref<16x128xf32, #tpu.memory_space<vmem>>, vector<1x16xf32>,
      %broadcast_in_dim3A_59 = arith.constant 0.000000e+00 : f32
      %broadcast_in_dim3A_60 = vector.broadcast %broadcast_in_dim3A_59 : f32 to vector<16xf32>
      %swap3A_61 = arith.index_cast %scan3A_32 : i32 to index
      %swap3A_62 = arith.constant 64 : index
      %swap3A_63 = tpu.vector_load %arg9[%swap3A_61, %swap3A_62] {strides = array<i32>} : memref<16x128xf32, #tpu.memory_space<vmem>>, vector<1x16xf32>,
      %swap3A_64 = vector.shape_cast %swap3A_63 : vector<1x16xf32> to vector<16xf32>
      %swap3A_65 = vector.shape_cast %broadcast_in_dim3A_60 : vector<16xf32> to vector<1x16xf32>
      tpu.vector_store %arg9[%swap3A_61, %swap3A_62], %swap3A_65 {strides = array<i32>} : memref<16x128xf32, #tpu.memory_space<vmem>>, vector<1x16xf32>,
      %broadcast_in_dim3A_66 = arith.constant 0.000000e+00 : f32
      %broadcast_in_dim3A_67 = vector.broadcast %broadcast_in_dim3A_66 : f32 to vector<16xf32>
      %swap3A_68 = arith.index_cast %scan3A_32 : i32 to index
      %swap3A_69 = arith.constant 80 : index
      %swap3A_70 = tpu.vector_load %arg9[%swap3A_68, %swap3A_69] {strides = array<i32>} : memref<16x128xf32, #tpu.memory_space<vmem>>, vector<1x16xf32>,
      %swap3A_71 = vector.shape_cast %swap3A_70 : vector<1x16xf32> to vector<16xf32>
      %swap3A_72 = vector.shape_cast %broadcast_in_dim3A_67 : vector<16xf32> to vector<1x16xf32>
      tpu.vector_store %arg9[%swap3A_68, %swap3A_69], %swap3A_72 {strides = array<i32>} : memref<16x128xf32, #tpu.memory_space<vmem>>, vector<1x16xf32>,
      %broadcast_in_dim3A_73 = arith.constant 0.000000e+00 : f32
      %broadcast_in_dim3A_74 = vector.broadcast %broadcast_in_dim3A_73 : f32 to vector<16xf32>
      %swap3A_75 = arith.index_cast %scan3A_32 : i32 to index
      %swap3A_76 = arith.constant 96 : index
      %swap3A_77 = tpu.vector_load %arg9[%swap3A_75, %swap3A_76] {strides = array<i32>} : memref<16x128xf32, #tpu.memory_space<vmem>>, vector<1x16xf32>,
      %swap3A_78 = vector.shape_cast %swap3A_77 : vector<1x16xf32> to vector<16xf32>
      %swap3A_79 = vector.shape_cast %broadcast_in_dim3A_74 : vector<16xf32> to vector<1x16xf32>
      tpu.vector_store %arg9[%swap3A_75, %swap3A_76], %swap3A_79 {strides = array<i32>} : memref<16x128xf32, #tpu.memory_space<vmem>>, vector<1x16xf32>,
      %broadcast_in_dim3A_80 = arith.constant 0.000000e+00 : f32
      %broadcast_in_dim3A_81 = vector.broadcast %broadcast_in_dim3A_80 : f32 to vector<16xf32>
      %swap3A_82 = arith.index_cast %scan3A_32 : i32 to index
      %swap3A_83 = arith.constant 112 : index
      %swap3A_84 = tpu.vector_load %arg9[%swap3A_82, %swap3A_83] {strides = array<i32>} : memref<16x128xf32, #tpu.memory_space<vmem>>, vector<1x16xf32>,
      %swap3A_85 = vector.shape_cast %swap3A_84 : vector<1x16xf32> to vector<16xf32>
      %swap3A_86 = vector.shape_cast %broadcast_in_dim3A_81 : vector<16xf32> to vector<1x16xf32>
      tpu.vector_store %arg9[%swap3A_82, %swap3A_83], %swap3A_86 {strides = array<i32>} : memref<16x128xf32, #tpu.memory_space<vmem>>, vector<1x16xf32>,
    }
    %scan3A_5 = arith.constant 16 : i32
    %scan3A_6 = arith.constant 0 : i32
    %scan3A_7 = arith.constant 0 : i32
    %scan3A_8 = arith.constant 40 : i32
    %scan3A_9 = arith.addi %scan3A_7, %scan3A_8 : i32
    %scan3A_10 = arith.constant 1 : i32
    scf.for %scan3A_32 = %scan3A_7 to %scan3A_9 step %scan3A_10  : i32 {
      %mul3A_33 = arith.constant 16 : i32
      %mul3A_34 = arith.muli %scan3A_32, %mul3A_33 : i32
      %add3A_35 = arith.addi %mul3A_34, %arg1 : i32
      %lt3A = arith.constant 625 : i32
      %lt3A_36 = arith.cmpi slt, %add3A_35, %lt3A : i32
      %convert_element_type3A = arith.extui %lt3A_36 : i1 to i32
      %cond3A = arith.constant 0 : i32
      %cond3A_37 = arith.cmpi ne, %convert_element_type3A, %cond3A : i32
      scf.if %cond3A_37 {
        %mul3A_38 = arith.constant 16 : i32
        %mul3A_39 = arith.muli %add3A_35, %mul3A_38 : i32
        "tpu.region"() ({
          %run_scoped3A = tpu.sem_alloc : memref<!tpu.dma_semaphore, #tpu.memory_space<semaphore_mem>>
          %dma_start3A = arith.constant 0 : i32
          %dma_start3A_40 = tpu.memref_slice %arg5[%mul3A_39, %dma_start3A] : memref<10000x128xf32, #tpu.memory_space<vmem_shared>> -> memref<16x128xf32, #tpu.memory_space<vmem_shared>>
          %dma_start3A_41 = arith.constant 0 : i32
          %dma_start3A_42 = tpu.memref_slice %arg5[%mul3A_39, %dma_start3A_41] : memref<10000x128xf32, #tpu.memory_space<vmem_shared>> -> memref<16x128xf32, #tpu.memory_space<vmem_shared>>
          tpu.enqueue_dma source(%arg9 : memref<16x128xf32, #tpu.memory_space<vmem>>) target(%dma_start3A_42 : memref<16x128xf32, #tpu.memory_space<vmem_shared>>) target_semaphore(%run_scoped3A : memref<!tpu.dma_semaphore, #tpu.memory_space<semaphore_mem>>)
          %dma_wait3A = arith.constant 0 : i32
          %dma_wait3A_43 = tpu.memref_slice %arg5[%mul3A_39, %dma_wait3A] : memref<10000x128xf32, #tpu.memory_space<vmem_shared>> -> memref<16x128xf32, #tpu.memory_space<vmem_shared>>
          %dma_wait3A_44 = arith.constant 0 : i32
          %dma_wait3A_45 = tpu.memref_slice %arg5[%mul3A_39, %dma_wait3A_44] : memref<10000x128xf32, #tpu.memory_space<vmem_shared>> -> memref<16x128xf32, #tpu.memory_space<vmem_shared>>
          tpu.wait_dma2 semaphore(%run_scoped3A : memref<!tpu.dma_semaphore, #tpu.memory_space<semaphore_mem>>) src(%arg9 : memref<16x128xf32, #tpu.memory_space<vmem>>) dst(%dma_wait3A_45 : memref<16x128xf32, #tpu.memory_space<vmem_shared>>)
          tpu.yield
        }) : () -> ()
      } else {
      }
    }
    %scan3A_11 = arith.constant 40 : i32
    %mul3A_12 = arith.constant 79 : i32
    %mul3A_13 = arith.muli %add3A, %mul3A_12 : i32
    %min3A = arith.constant 2421 : i32
    %min3A_14 = arith.minsi %mul3A_13, %min3A : i32
    %mul3A_15 = arith.constant 79 : i32
    %mul3A_16 = arith.muli %add3A, %mul3A_15 : i32
    %sub3A = arith.subi %mul3A_16, %min3A_14 : i32
    %mul3A_17 = arith.constant 128 : i32
    %mul3A_18 = arith.muli %min3A_14, %mul3A_17 : i32
    "tpu.region"() ({
      %run_scoped3A = tpu.sem_alloc : memref<!tpu.dma_semaphore, #tpu.memory_space<semaphore_mem>>
      %dma_start3A = tpu.memref_slice %arg3[%mul3A_18] : memref<320000xi32, #tpu.memory_space<hbm>> -> memref<10112xi32, #tpu.memory_space<hbm>>
      %dma_start3A_32 = tpu.memref_slice %arg3[%mul3A_18] : memref<320000xi32, #tpu.memory_space<hbm>> -> memref<10112xi32, #tpu.memory_space<hbm>>
      tpu.enqueue_dma source(%dma_start3A_32 : memref<10112xi32, #tpu.memory_space<hbm>>) target(%arg6 : memref<10112xi32, #tpu.memory_space<vmem>>) target_semaphore(%run_scoped3A : memref<!tpu.dma_semaphore, #tpu.memory_space<semaphore_mem>>)
      %dma_wait3A = tpu.memref_slice %arg3[%mul3A_18] : memref<320000xi32, #tpu.memory_space<hbm>> -> memref<10112xi32, #tpu.memory_space<hbm>>
      %dma_wait3A_33 = tpu.memref_slice %arg3[%mul3A_18] : memref<320000xi32, #tpu.memory_space<hbm>> -> memref<10112xi32, #tpu.memory_space<hbm>>
      tpu.wait_dma2 semaphore(%run_scoped3A : memref<!tpu.dma_semaphore, #tpu.memory_space<semaphore_mem>>) src(%dma_wait3A_33 : memref<10112xi32, #tpu.memory_space<hbm>>) dst(%arg6 : memref<10112xi32, #tpu.memory_space<vmem>>)
      tpu.yield
    }) : () -> ()
    %barrier3A = arith.constant 0 : index
    tpu.barrier barrier_id(%barrier3A)
    %scan3A_19 = arith.constant 0 : i32
    %scan3A_20 = arith.constant 0 : i32
    %scan3A_21 = arith.constant 40 : i32
    %scan3A_22 = arith.addi %scan3A_20, %scan3A_21 : i32
    %scan3A_23 = arith.constant 1 : i32
    scf.for %scan3A_32 = %scan3A_20 to %scan3A_22 step %scan3A_23  : i32 {
      %mul3A_33 = arith.constant 79 : i32
      %mul3A_34 = arith.muli %add3A, %mul3A_33 : i32
      %mul3A_35 = arith.constant 2 : i32
      %mul3A_36 = arith.muli %scan3A_32, %mul3A_35 : i32
      %add3A_37 = arith.addi %mul3A_34, %mul3A_36 : i32
      %add3A_38 = arith.constant 0 : i32
      %add3A_39 = arith.addi %add3A_37, %add3A_38 : i32
      %min3A_40 = arith.constant 2499 : i32
      %min3A_41 = arith.minsi %add3A_39, %min3A_40 : i32
      %mul3A_42 = arith.constant 128 : i32
      %mul3A_43 = arith.muli %min3A_41, %mul3A_42 : i32
      %dma_start3A = arith.constant 0 : i32
      %dma_start3A_44 = tpu.memref_slice %arg2[%mul3A_43, %dma_start3A] : memref<320000x128xf32, #tpu.memory_space<hbm>> -> memref<128x128xf32, #tpu.memory_space<hbm>>
      %dma_start3A_45 = arith.constant 0 : i32
      %dma_start3A_46 = tpu.memref_slice %arg2[%mul3A_43, %dma_start3A_45] : memref<320000x128xf32, #tpu.memory_space<hbm>> -> memref<128x128xf32, #tpu.memory_space<hbm>>
      tpu.enqueue_dma source(%dma_start3A_46 : memref<128x128xf32, #tpu.memory_space<hbm>>) target(%arg7 : memref<128x128xf32, #tpu.memory_space<vmem>>) target_semaphore(%arg10 : memref<!tpu.dma_semaphore, #tpu.memory_space<semaphore_mem>>)
      %mul3A_47 = arith.constant 79 : i32
      %mul3A_48 = arith.muli %add3A, %mul3A_47 : i32
      %mul3A_49 = arith.constant 2 : i32
      %mul3A_50 = arith.muli %scan3A_32, %mul3A_49 : i32
      %add3A_51 = arith.addi %mul3A_48, %mul3A_50 : i32
      %add3A_52 = arith.constant 1 : i32
      %add3A_53 = arith.addi %add3A_51, %add3A_52 : i32
      %min3A_54 = arith.constant 2499 : i32
      %min3A_55 = arith.minsi %add3A_53, %min3A_54 : i32
      %mul3A_56 = arith.constant 128 : i32
      %mul3A_57 = arith.muli %min3A_55, %mul3A_56 : i32
      %dma_start3A_58 = arith.constant 0 : i32
      %dma_start3A_59 = tpu.memref_slice %arg2[%mul3A_57, %dma_start3A_58] : memref<320000x128xf32, #tpu.memory_space<hbm>> -> memref<128x128xf32, #tpu.memory_space<hbm>>
      %dma_start3A_60 = arith.constant 0 : i32
      %dma_start3A_61 = tpu.memref_slice %arg2[%mul3A_57, %dma_start3A_60] : memref<320000x128xf32, #tpu.memory_space<hbm>> -> memref<128x128xf32, #tpu.memory_space<hbm>>
      tpu.enqueue_dma source(%dma_start3A_61 : memref<128x128xf32, #tpu.memory_space<hbm>>) target(%arg8 : memref<128x128xf32, #tpu.memory_space<vmem>>) target_semaphore(%arg11 : memref<!tpu.dma_semaphore, #tpu.memory_space<semaphore_mem>>)
      %mul3A_62 = arith.constant 2 : i32
      %mul3A_63 = arith.muli %scan3A_32, %mul3A_62 : i32
      %add3A_64 = arith.constant 0 : i32
      %add3A_65 = arith.addi %mul3A_63, %add3A_64 : i32
      %mul3A_66 = arith.constant 79 : i32
      %mul3A_67 = arith.muli %add3A, %mul3A_66 : i32
      %add3A_68 = arith.addi %mul3A_67, %add3A_65 : i32
      %dma_wait3A = arith.constant 0 : i32
      %dma_wait3A_69 = tpu.memref_slice %arg2[%mul3A_43, %dma_wait3A] : memref<320000x128xf32, #tpu.memory_space<hbm>> -> memref<128x128xf32, #tpu.memory_space<hbm>>
      %dma_wait3A_70 = arith.constant 0 : i32
      %dma_wait3A_71 = tpu.memref_slice %arg2[%mul3A_43, %dma_wait3A_70] : memref<320000x128xf32, #tpu.memory_space<hbm>> -> memref<128x128xf32, #tpu.memory_space<hbm>>
      tpu.wait_dma2 semaphore(%arg10 : memref<!tpu.dma_semaphore, #tpu.memory_space<semaphore_mem>>) src(%dma_wait3A_71 : memref<128x128xf32, #tpu.memory_space<hbm>>) dst(%arg7 : memref<128x128xf32, #tpu.memory_space<vmem>>)
      %lt3A = arith.constant 79 : i32
      %lt3A_72 = arith.cmpi slt, %add3A_65, %lt3A : i32
      %lt3A_73 = arith.constant 2500 : i32
      %lt3A_74 = arith.cmpi slt, %add3A_68, %lt3A_73 : i32
      %and3A = arith.andi %lt3A_72, %lt3A_74 : i1
      %convert_element_type3A = arith.extui %and3A : i1 to i32
      %cond3A = arith.constant 0 : i32
      %cond3A_75 = arith.cmpi ne, %convert_element_type3A, %cond3A : i32
      scf.if %cond3A_75 {
        %add3A_95 = arith.addi %sub3A, %add3A_65 : i32
        %mul3A_96 = arith.constant 128 : i32
        %mul3A_97 = arith.muli %add3A_95, %mul3A_96 : i32
        "tpu.region"() ({
          %run_scoped3A = tpu.sem_alloc : memref<!tpu.dma_semaphore, #tpu.memory_space<semaphore_mem>>
          %dma_start3A_98 = tpu.memref_slice %arg6[%mul3A_97] : memref<10112xi32, #tpu.memory_space<vmem>> -> memref<128xi32, #tpu.memory_space<vmem>>
          %dma_start3A_99 = arith.constant 0 : i32
          %dma_start3A_100 = arith.constant 0 : i32
          %dma_start3A_101 = tpu.memref_slice %arg5[%dma_start3A_99, %dma_start3A_100] : memref<10000x128xf32, #tpu.memory_space<vmem_shared>> -> memref<10000x128xf32, #tpu.memory_space<vmem_shared>>
          tpu.enqueue_indirect_dma source(%arg7 : memref<128x128xf32, #tpu.memory_space<vmem>>) target(%dma_start3A_101 : memref<10000x128xf32, #tpu.memory_space<vmem_shared>>) offsets(%dma_start3A_98 : memref<128xi32, #tpu.memory_space<vmem>>) semaphore(%run_scoped3A : memref<!tpu.dma_semaphore, #tpu.memory_space<semaphore_mem>>) {add = true}
          %dma_wait3A_102 = tpu.memref_slice %arg6[%mul3A_97] : memref<10112xi32, #tpu.memory_space<vmem>> -> memref<128xi32, #tpu.memory_space<vmem>>
          %dma_wait3A_103 = arith.constant 0 : i32
          %dma_wait3A_104 = arith.constant 0 : i32
          %dma_wait3A_105 = tpu.memref_slice %arg5[%dma_wait3A_103, %dma_wait3A_104] : memref<10000x128xf32, #tpu.memory_space<vmem_shared>> -> memref<10000x128xf32, #tpu.memory_space<vmem_shared>>
          tpu.wait_indirect_dma semaphore(%run_scoped3A : memref<!tpu.dma_semaphore, #tpu.memory_space<semaphore_mem>>) src(%arg7 : memref<128x128xf32, #tpu.memory_space<vmem>>) dst(%dma_wait3A_105 : memref<10000x128xf32, #tpu.memory_space<vmem_shared>>)
          tpu.yield
        }) : () -> ()
      } else {
      }
      %mul3A_76 = arith.constant 2 : i32
      %mul3A_77 = arith.muli %scan3A_32, %mul3A_76 : i32
      %add3A_78 = arith.constant 1 : i32
      %add3A_79 = arith.addi %mul3A_77, %add3A_78 : i32
      %mul3A_80 = arith.constant 79 : i32
      %mul3A_81 = arith.muli %add3A, %mul3A_80 : i32
      %add3A_82 = arith.addi %mul3A_81, %add3A_79 : i32
      %dma_wait3A_83 = arith.constant 0 : i32
      %dma_wait3A_84 = tpu.memref_slice %arg2[%mul3A_57, %dma_wait3A_83] : memref<320000x128xf32, #tpu.memory_space<hbm>> -> memref<128x128xf32, #tpu.memory_space<hbm>>
      %dma_wait3A_85 = arith.constant 0 : i32
      %dma_wait3A_86 = tpu.memref_slice %arg2[%mul3A_57, %dma_wait3A_85] : memref<320000x128xf32, #tpu.memory_space<hbm>> -> memref<128x128xf32, #tpu.memory_space<hbm>>
      tpu.wait_dma2 semaphore(%arg11 : memref<!tpu.dma_semaphore, #tpu.memory_space<semaphore_mem>>) src(%dma_wait3A_86 : memref<128x128xf32, #tpu.memory_space<hbm>>) dst(%arg8 : memref<128x128xf32, #tpu.memory_space<vmem>>)
      %lt3A_87 = arith.constant 79 : i32
      %lt3A_88 = arith.cmpi slt, %add3A_79, %lt3A_87 : i32
      %lt3A_89 = arith.constant 2500 : i32
      %lt3A_90 = arith.cmpi slt, %add3A_82, %lt3A_89 : i32
      %and3A_91 = arith.andi %lt3A_88, %lt3A_90 : i1
      %convert_element_type3A_92 = arith.extui %and3A_91 : i1 to i32
      %cond3A_93 = arith.constant 0 : i32
      %cond3A_94 = arith.cmpi ne, %convert_element_type3A_92, %cond3A_93 : i32
      scf.if %cond3A_94 {
        %add3A_95 = arith.addi %sub3A, %add3A_79 : i32
        %mul3A_96 = arith.constant 128 : i32
        %mul3A_97 = arith.muli %add3A_95, %mul3A_96 : i32
        "tpu.region"() ({
          %run_scoped3A = tpu.sem_alloc : memref<!tpu.dma_semaphore, #tpu.memory_space<semaphore_mem>>
          %dma_start3A_98 = tpu.memref_slice %arg6[%mul3A_97] : memref<10112xi32, #tpu.memory_space<vmem>> -> memref<128xi32, #tpu.memory_space<vmem>>
          %dma_start3A_99 = arith.constant 0 : i32
          %dma_start3A_100 = arith.constant 0 : i32
          %dma_start3A_101 = tpu.memref_slice %arg5[%dma_start3A_99, %dma_start3A_100] : memref<10000x128xf32, #tpu.memory_space<vmem_shared>> -> memref<10000x128xf32, #tpu.memory_space<vmem_shared>>
          tpu.enqueue_indirect_dma source(%arg8 : memref<128x128xf32, #tpu.memory_space<vmem>>) target(%dma_start3A_101 : memref<10000x128xf32, #tpu.memory_space<vmem_shared>>) offsets(%dma_start3A_98 : memref<128xi32, #tpu.memory_space<vmem>>) semaphore(%run_scoped3A : memref<!tpu.dma_semaphore, #tpu.memory_space<semaphore_mem>>) {add = true}
          %dma_wait3A_102 = tpu.memref_slice %arg6[%mul3A_97] : memref<10112xi32, #tpu.memory_space<vmem>> -> memref<128xi32, #tpu.memory_space<vmem>>
          %dma_wait3A_103 = arith.constant 0 : i32
          %dma_wait3A_104 = arith.constant 0 : i32
          %dma_wait3A_105 = tpu.memref_slice %arg5[%dma_wait3A_103, %dma_wait3A_104] : memref<10000x128xf32, #tpu.memory_space<vmem_shared>> -> memref<10000x128xf32, #tpu.memory_space<vmem_shared>>
          tpu.wait_indirect_dma semaphore(%run_scoped3A : memref<!tpu.dma_semaphore, #tpu.memory_space<semaphore_mem>>) src(%arg8 : memref<128x128xf32, #tpu.memory_space<vmem>>) dst(%dma_wait3A_105 : memref<10000x128xf32, #tpu.memory_space<vmem_shared>>)
          tpu.yield
        }) : () -> ()
      } else {
      }
    }
    %scan3A_24 = arith.constant 40 : i32
    %barrier3A_25 = arith.constant 0 : index
    tpu.barrier barrier_id(%barrier3A_25)
    %scan3A_26 = arith.constant 0 : i32
    %scan3A_27 = arith.constant 0 : i32
    %scan3A_28 = arith.constant 5 : i32
    %scan3A_29 = arith.addi %scan3A_27, %scan3A_28 : i32
    %scan3A_30 = arith.constant 1 : i32
    scf.for %scan3A_32 = %scan3A_27 to %scan3A_29 step %scan3A_30  : i32 {
      %mul3A_33 = arith.constant 16 : i32
      %mul3A_34 = arith.muli %scan3A_32, %mul3A_33 : i32
      %add3A_35 = arith.addi %mul3A_34, %arg1 : i32
      %lt3A = arith.constant 78 : i32
      %lt3A_36 = arith.cmpi slt, %add3A_35, %lt3A : i32
      %convert_element_type3A = arith.extui %lt3A_36 : i1 to i32
      %cond3A = arith.constant 0 : i32
      %cond3A_37 = arith.cmpi ne, %convert_element_type3A, %cond3A : i32
      scf.if %cond3A_37 {
        %mul3A_42 = arith.constant 128 : i32
        %mul3A_43 = arith.muli %add3A_35, %mul3A_42 : i32
        %mul3A_44 = arith.constant 128 : i32
        %mul3A_45 = arith.muli %add3A_35, %mul3A_44 : i32
        "tpu.region"() ({
          %run_scoped3A = tpu.sem_alloc : memref<!tpu.dma_semaphore, #tpu.memory_space<semaphore_mem>>
          %dma_start3A = arith.constant 0 : i32
          %dma_start3A_46 = tpu.memref_slice %arg4[%arg0, %mul3A_45, %dma_start3A] : memref<2x10000x128xf32, #tpu.memory_space<hbm>> -> memref<1x128x128xf32, #tpu.memory_space<hbm>>
          %dma_start3A_47 = tpu.memref_squeeze %dma_start3A_46 : memref<1x128x128xf32, #tpu.memory_space<hbm>> -> memref<128x128xf32, #tpu.memory_space<hbm>>
          %dma_start3A_48 = arith.constant 0 : i32
          %dma_start3A_49 = tpu.memref_slice %arg5[%mul3A_43, %dma_start3A_48] : memref<10000x128xf32, #tpu.memory_space<vmem_shared>> -> memref<128x128xf32, #tpu.memory_space<vmem_shared>>
          tpu.enqueue_dma source(%dma_start3A_49 : memref<128x128xf32, #tpu.memory_space<vmem_shared>>) target(%dma_start3A_47 : memref<128x128xf32, #tpu.memory_space<hbm>>) target_semaphore(%run_scoped3A : memref<!tpu.dma_semaphore, #tpu.memory_space<semaphore_mem>>)
          %dma_wait3A = arith.constant 0 : i32
          %dma_wait3A_50 = tpu.memref_slice %arg4[%arg0, %mul3A_45, %dma_wait3A] : memref<2x10000x128xf32, #tpu.memory_space<hbm>> -> memref<1x128x128xf32, #tpu.memory_space<hbm>>
          %dma_wait3A_51 = tpu.memref_squeeze %dma_wait3A_50 : memref<1x128x128xf32, #tpu.memory_space<hbm>> -> memref<128x128xf32, #tpu.memory_space<hbm>>
          %dma_wait3A_52 = arith.constant 0 : i32
          %dma_wait3A_53 = tpu.memref_slice %arg5[%mul3A_43, %dma_wait3A_52] : memref<10000x128xf32, #tpu.memory_space<vmem_shared>> -> memref<128x128xf32, #tpu.memory_space<vmem_shared>>
          tpu.wait_dma2 semaphore(%run_scoped3A : memref<!tpu.dma_semaphore, #tpu.memory_space<semaphore_mem>>) src(%dma_wait3A_53 : memref<128x128xf32, #tpu.memory_space<vmem_shared>>) dst(%dma_wait3A_51 : memref<128x128xf32, #tpu.memory_space<hbm>>)
          tpu.yield
        }) : () -> ()
      } else {
      }
      %eq3A = arith.constant 78 : i32
      %eq3A_38 = arith.cmpi eq, %add3A_35, %eq3A : i32
      %convert_element_type3A_39 = arith.extui %eq3A_38 : i1 to i32
      %cond3A_40 = arith.constant 0 : i32
      %cond3A_41 = arith.cmpi ne, %convert_element_type3A_39, %cond3A_40 : i32
      scf.if %cond3A_41 {
        "tpu.region"() ({
          %run_scoped3A = tpu.sem_alloc : memref<!tpu.dma_semaphore, #tpu.memory_space<semaphore_mem>>
          %dma_start3A = arith.constant 9984 : i32
          %dma_start3A_42 = arith.constant 0 : i32
          %dma_start3A_43 = tpu.memref_slice %arg4[%arg0, %dma_start3A, %dma_start3A_42] : memref<2x10000x128xf32, #tpu.memory_space<hbm>> -> memref<1x16x128xf32, #tpu.memory_space<hbm>>
          %dma_start3A_44 = tpu.memref_squeeze %dma_start3A_43 : memref<1x16x128xf32, #tpu.memory_space<hbm>> -> memref<16x128xf32, #tpu.memory_space<hbm>>
          %dma_start3A_45 = arith.constant 9984 : i32
          %dma_start3A_46 = arith.constant 0 : i32
          %dma_start3A_47 = tpu.memref_slice %arg5[%dma_start3A_45, %dma_start3A_46] : memref<10000x128xf32, #tpu.memory_space<vmem_shared>> -> memref<16x128xf32, #tpu.memory_space<vmem_shared>>
          tpu.enqueue_dma source(%dma_start3A_47 : memref<16x128xf32, #tpu.memory_space<vmem_shared>>) target(%dma_start3A_44 : memref<16x128xf32, #tpu.memory_space<hbm>>) target_semaphore(%run_scoped3A : memref<!tpu.dma_semaphore, #tpu.memory_space<semaphore_mem>>)
          %dma_wait3A = arith.constant 9984 : i32
          %dma_wait3A_48 = arith.constant 0 : i32
          %dma_wait3A_49 = tpu.memref_slice %arg4[%arg0, %dma_wait3A, %dma_wait3A_48] : memref<2x10000x128xf32, #tpu.memory_space<hbm>> -> memref<1x16x128xf32, #tpu.memory_space<hbm>>
          %dma_wait3A_50 = tpu.memref_squeeze %dma_wait3A_49 : memref<1x16x128xf32, #tpu.memory_space<hbm>> -> memref<16x128xf32, #tpu.memory_space<hbm>>
          %dma_wait3A_51 = arith.constant 9984 : i32
          %dma_wait3A_52 = arith.constant 0 : i32
          %dma_wait3A_53 = tpu.memref_slice %arg5[%dma_wait3A_51, %dma_wait3A_52] : memref<10000x128xf32, #tpu.memory_space<vmem_shared>> -> memref<16x128xf32, #tpu.memory_space<vmem_shared>>
          tpu.wait_dma2 semaphore(%run_scoped3A : memref<!tpu.dma_semaphore, #tpu.memory_space<semaphore_mem>>) src(%dma_wait3A_53 : memref<16x128xf32, #tpu.memory_space<vmem_shared>>) dst(%dma_wait3A_50 : memref<16x128xf32, #tpu.memory_space<hbm>>)
          tpu.yield
        }) : () -> ()
      } else {
      }
    }
    %scan3A_31 = arith.constant 5 : i32
    return
  }
}

#map = affine_map<(d0, d1) -> (0, 0)>
#map1 = affine_map<(d0, d1) -> (0)>
module attributes {stable_mosaic.version = 14 : i64} {
  func.func @_gather_body(%arg0: i32, %arg1: i32, %arg2: memref<10000x128xf32, #tpu.memory_space<hbm>>, %arg3: memref<10000x128xf32, #tpu.memory_space<hbm>>, %arg4: memref<320000xi32, #tpu.memory_space<hbm>>, %arg5: memref<320000xi32, #tpu.memory_space<hbm>>, %arg6: memref<320000x128xf32, #tpu.memory_space<hbm>>, %arg7: memref<10000x128xf32, #tpu.memory_space<vmem_shared>>, %arg8: memref<5120xi32, #tpu.memory_space<vmem>>, %arg9: memref<5120xi32, #tpu.memory_space<vmem>>, %arg10: memref<128x128xf32, #tpu.memory_space<vmem>>, %arg11: memref<128x128xf32, #tpu.memory_space<vmem>>, %arg12: memref<!tpu.dma_semaphore, #tpu.memory_space<semaphore_mem>>, %arg13: memref<!tpu.dma_semaphore, #tpu.memory_space<semaphore_mem>>, %arg14: memref<!tpu.dma_semaphore, #tpu.memory_space<semaphore_mem>>) attributes {dimension_semantics = [#tpu.dimension_semantics<core_parallel>, #tpu.dimension_semantics<subcore_parallel>], iteration_bounds = array<i64: 2, 16>, scalar_prefetch = 0 : i64, scratch_operands = 8 : i64, tpu.core_type = #tpu.core_type<sc_vector_subcore>, window_params = [{transform_indices = #map}, {transform_indices = #map}, {transform_indices = #map1}, {transform_indices = #map1}, {transform_indices = #map}]} {
    %mul3A = arith.constant 2 : i32
    %mul3A_0 = arith.muli %arg1, %mul3A : i32
    %add3A = arith.addi %mul3A_0, %arg0 : i32
    %mul3A_1 = arith.constant 79 : i32
    %mul3A_2 = arith.muli %add3A, %mul3A_1 : i32
    %min3A = arith.constant 2420 : i32
    %min3A_3 = arith.minsi %mul3A_2, %min3A : i32
    %mul3A_4 = arith.constant 640 : i32
    %mul3A_5 = arith.muli %arg1, %mul3A_4 : i32
    %min3A_6 = arith.constant 9360 : i32
    %min3A_7 = arith.minsi %mul3A_5, %min3A_6 : i32
    %dma_start3A = arith.constant 0 : i32
    %dma_start3A_8 = tpu.memref_slice %arg7[%min3A_7, %dma_start3A] : memref<10000x128xf32, #tpu.memory_space<vmem_shared>> -> memref<640x128xf32, #tpu.memory_space<vmem_shared>>
    %dma_start3A_9 = arith.constant 0 : i32
    %dma_start3A_10 = tpu.memref_slice %arg2[%min3A_7, %dma_start3A_9] : memref<10000x128xf32, #tpu.memory_space<hbm>> -> memref<640x128xf32, #tpu.memory_space<hbm>>
    tpu.enqueue_dma source(%dma_start3A_10 : memref<640x128xf32, #tpu.memory_space<hbm>>) target(%dma_start3A_8 : memref<640x128xf32, #tpu.memory_space<vmem_shared>>) target_semaphore(%arg14 : memref<!tpu.dma_semaphore, #tpu.memory_space<semaphore_mem>>)
    %add3A_11 = arith.constant 0 : i32
    %add3A_12 = arith.addi %min3A_3, %add3A_11 : i32
    %mul3A_13 = arith.constant 128 : i32
    %mul3A_14 = arith.muli %add3A_12, %mul3A_13 : i32
    "tpu.region"() ({
      %run_scoped3A = tpu.sem_alloc : memref<!tpu.dma_semaphore, #tpu.memory_space<semaphore_mem>>
      %dma_start3A_37 = tpu.memref_slice %arg4[%mul3A_14] : memref<320000xi32, #tpu.memory_space<hbm>> -> memref<5120xi32, #tpu.memory_space<hbm>>
      %dma_start3A_38 = tpu.memref_slice %arg4[%mul3A_14] : memref<320000xi32, #tpu.memory_space<hbm>> -> memref<5120xi32, #tpu.memory_space<hbm>>
      tpu.enqueue_dma source(%dma_start3A_38 : memref<5120xi32, #tpu.memory_space<hbm>>) target(%arg8 : memref<5120xi32, #tpu.memory_space<vmem>>) target_semaphore(%run_scoped3A : memref<!tpu.dma_semaphore, #tpu.memory_space<semaphore_mem>>)
      %dma_wait3A_39 = tpu.memref_slice %arg4[%mul3A_14] : memref<320000xi32, #tpu.memory_space<hbm>> -> memref<5120xi32, #tpu.memory_space<hbm>>
      %dma_wait3A_40 = tpu.memref_slice %arg4[%mul3A_14] : memref<320000xi32, #tpu.memory_space<hbm>> -> memref<5120xi32, #tpu.memory_space<hbm>>
      tpu.wait_dma2 semaphore(%run_scoped3A : memref<!tpu.dma_semaphore, #tpu.memory_space<semaphore_mem>>) src(%dma_wait3A_40 : memref<5120xi32, #tpu.memory_space<hbm>>) dst(%arg8 : memref<5120xi32, #tpu.memory_space<vmem>>)
      tpu.yield
    }) : () -> ()
    %mul3A_15 = arith.constant 128 : i32
    %mul3A_16 = arith.muli %add3A_12, %mul3A_15 : i32
    "tpu.region"() ({
      %run_scoped3A = tpu.sem_alloc : memref<!tpu.dma_semaphore, #tpu.memory_space<semaphore_mem>>
      %dma_start3A_37 = tpu.memref_slice %arg5[%mul3A_16] : memref<320000xi32, #tpu.memory_space<hbm>> -> memref<5120xi32, #tpu.memory_space<hbm>>
      %dma_start3A_38 = tpu.memref_slice %arg5[%mul3A_16] : memref<320000xi32, #tpu.memory_space<hbm>> -> memref<5120xi32, #tpu.memory_space<hbm>>
      tpu.enqueue_dma source(%dma_start3A_38 : memref<5120xi32, #tpu.memory_space<hbm>>) target(%arg9 : memref<5120xi32, #tpu.memory_space<vmem>>) target_semaphore(%run_scoped3A : memref<!tpu.dma_semaphore, #tpu.memory_space<semaphore_mem>>)
      %dma_wait3A_39 = tpu.memref_slice %arg5[%mul3A_16] : memref<320000xi32, #tpu.memory_space<hbm>> -> memref<5120xi32, #tpu.memory_space<hbm>>
      %dma_wait3A_40 = tpu.memref_slice %arg5[%mul3A_16] : memref<320000xi32, #tpu.memory_space<hbm>> -> memref<5120xi32, #tpu.memory_space<hbm>>
      tpu.wait_dma2 semaphore(%run_scoped3A : memref<!tpu.dma_semaphore, #tpu.memory_space<semaphore_mem>>) src(%dma_wait3A_40 : memref<5120xi32, #tpu.memory_space<hbm>>) dst(%arg9 : memref<5120xi32, #tpu.memory_space<vmem>>)
      tpu.yield
    }) : () -> ()
    %dma_wait3A = arith.constant 0 : i32
    %dma_wait3A_17 = tpu.memref_slice %arg7[%min3A_7, %dma_wait3A] : memref<10000x128xf32, #tpu.memory_space<vmem_shared>> -> memref<640x128xf32, #tpu.memory_space<vmem_shared>>
    %dma_wait3A_18 = arith.constant 0 : i32
    %dma_wait3A_19 = tpu.memref_slice %arg2[%min3A_7, %dma_wait3A_18] : memref<10000x128xf32, #tpu.memory_space<hbm>> -> memref<640x128xf32, #tpu.memory_space<hbm>>
    tpu.wait_dma2 semaphore(%arg14 : memref<!tpu.dma_semaphore, #tpu.memory_space<semaphore_mem>>) src(%dma_wait3A_19 : memref<640x128xf32, #tpu.memory_space<hbm>>) dst(%dma_wait3A_17 : memref<640x128xf32, #tpu.memory_space<vmem_shared>>)
    %barrier3A = arith.constant 0 : index
    tpu.barrier barrier_id(%barrier3A)
    %scan3A = arith.constant 0 : i32
    %scan3A_20 = arith.constant 0 : i32
    %scan3A_21 = arith.constant 20 : i32
    %scan3A_22 = arith.addi %scan3A_20, %scan3A_21 : i32
    %scan3A_23 = arith.constant 1 : i32
    scf.for %scan3A_37 = %scan3A_20 to %scan3A_22 step %scan3A_23  : i32 {
      %mul3A_38 = arith.constant 2 : i32
      %mul3A_39 = arith.muli %scan3A_37, %mul3A_38 : i32
      %add3A_40 = arith.constant 0 : i32
      %add3A_41 = arith.addi %mul3A_39, %add3A_40 : i32
      %mul3A_42 = arith.constant 128 : i32
      %mul3A_43 = arith.muli %add3A_41, %mul3A_42 : i32
      %mul3A_44 = arith.constant 128 : i32
      %mul3A_45 = arith.muli %add3A_41, %mul3A_44 : i32
      "tpu.region"() ({
        %run_scoped3A = tpu.sem_alloc : memref<!tpu.dma_semaphore, #tpu.memory_space<semaphore_mem>>
        %dma_start3A_85 = tpu.memref_slice %arg8[%mul3A_43] : memref<5120xi32, #tpu.memory_space<vmem>> -> memref<128xi32, #tpu.memory_space<vmem>>
        %dma_start3A_86 = arith.constant 0 : i32
        %dma_start3A_87 = arith.constant 0 : i32
        %dma_start3A_88 = tpu.memref_slice %arg7[%dma_start3A_86, %dma_start3A_87] : memref<10000x128xf32, #tpu.memory_space<vmem_shared>> -> memref<10000x128xf32, #tpu.memory_space<vmem_shared>>
        tpu.enqueue_indirect_dma source(%dma_start3A_88 : memref<10000x128xf32, #tpu.memory_space<vmem_shared>>) target(%arg10 : memref<128x128xf32, #tpu.memory_space<vmem>>) offsets(%dma_start3A_85 : memref<128xi32, #tpu.memory_space<vmem>>) semaphore(%run_scoped3A : memref<!tpu.dma_semaphore, #tpu.memory_space<semaphore_mem>>)
        %dma_wait3A_89 = tpu.memref_slice %arg8[%mul3A_43] : memref<5120xi32, #tpu.memory_space<vmem>> -> memref<128xi32, #tpu.memory_space<vmem>>
        %dma_wait3A_90 = arith.constant 0 : i32
        %dma_wait3A_91 = arith.constant 0 : i32
        %dma_wait3A_92 = tpu.memref_slice %arg7[%dma_wait3A_90, %dma_wait3A_91] : memref<10000x128xf32, #tpu.memory_space<vmem_shared>> -> memref<10000x128xf32, #tpu.memory_space<vmem_shared>>
        tpu.wait_indirect_dma semaphore(%run_scoped3A : memref<!tpu.dma_semaphore, #tpu.memory_space<semaphore_mem>>) src(%dma_wait3A_92 : memref<10000x128xf32, #tpu.memory_space<vmem_shared>>) dst(%arg10 : memref<128x128xf32, #tpu.memory_space<vmem>>)
        tpu.yield
      }) : () -> ()
      %dma_start3A_46 = tpu.memref_slice %arg9[%mul3A_45] : memref<5120xi32, #tpu.memory_space<vmem>> -> memref<128xi32, #tpu.memory_space<vmem>>
      %dma_start3A_47 = arith.constant 0 : i32
      %dma_start3A_48 = arith.constant 0 : i32
      %dma_start3A_49 = tpu.memref_slice %arg3[%dma_start3A_47, %dma_start3A_48] : memref<10000x128xf32, #tpu.memory_space<hbm>> -> memref<10000x128xf32, #tpu.memory_space<hbm>>
      tpu.enqueue_indirect_dma source(%dma_start3A_49 : memref<10000x128xf32, #tpu.memory_space<hbm>>) target(%arg10 : memref<128x128xf32, #tpu.memory_space<vmem>>) offsets(%dma_start3A_46 : memref<128xi32, #tpu.memory_space<vmem>>) semaphore(%arg12 : memref<!tpu.dma_semaphore, #tpu.memory_space<semaphore_mem>>) {add = true}
      %mul3A_50 = arith.constant 2 : i32
      %mul3A_51 = arith.muli %scan3A_37, %mul3A_50 : i32
      %add3A_52 = arith.constant 1 : i32
      %add3A_53 = arith.addi %mul3A_51, %add3A_52 : i32
      %mul3A_54 = arith.constant 128 : i32
      %mul3A_55 = arith.muli %add3A_53, %mul3A_54 : i32
      %mul3A_56 = arith.constant 128 : i32
      %mul3A_57 = arith.muli %add3A_53, %mul3A_56 : i32
      "tpu.region"() ({
        %run_scoped3A = tpu.sem_alloc : memref<!tpu.dma_semaphore, #tpu.memory_space<semaphore_mem>>
        %dma_start3A_85 = tpu.memref_slice %arg8[%mul3A_55] : memref<5120xi32, #tpu.memory_space<vmem>> -> memref<128xi32, #tpu.memory_space<vmem>>
        %dma_start3A_86 = arith.constant 0 : i32
        %dma_start3A_87 = arith.constant 0 : i32
        %dma_start3A_88 = tpu.memref_slice %arg7[%dma_start3A_86, %dma_start3A_87] : memref<10000x128xf32, #tpu.memory_space<vmem_shared>> -> memref<10000x128xf32, #tpu.memory_space<vmem_shared>>
        tpu.enqueue_indirect_dma source(%dma_start3A_88 : memref<10000x128xf32, #tpu.memory_space<vmem_shared>>) target(%arg11 : memref<128x128xf32, #tpu.memory_space<vmem>>) offsets(%dma_start3A_85 : memref<128xi32, #tpu.memory_space<vmem>>) semaphore(%run_scoped3A : memref<!tpu.dma_semaphore, #tpu.memory_space<semaphore_mem>>)
        %dma_wait3A_89 = tpu.memref_slice %arg8[%mul3A_55] : memref<5120xi32, #tpu.memory_space<vmem>> -> memref<128xi32, #tpu.memory_space<vmem>>
        %dma_wait3A_90 = arith.constant 0 : i32
        %dma_wait3A_91 = arith.constant 0 : i32
        %dma_wait3A_92 = tpu.memref_slice %arg7[%dma_wait3A_90, %dma_wait3A_91] : memref<10000x128xf32, #tpu.memory_space<vmem_shared>> -> memref<10000x128xf32, #tpu.memory_space<vmem_shared>>
        tpu.wait_indirect_dma semaphore(%run_scoped3A : memref<!tpu.dma_semaphore, #tpu.memory_space<semaphore_mem>>) src(%dma_wait3A_92 : memref<10000x128xf32, #tpu.memory_space<vmem_shared>>) dst(%arg11 : memref<128x128xf32, #tpu.memory_space<vmem>>)
        tpu.yield
      }) : () -> ()
      %dma_start3A_58 = tpu.memref_slice %arg9[%mul3A_57] : memref<5120xi32, #tpu.memory_space<vmem>> -> memref<128xi32, #tpu.memory_space<vmem>>
      %dma_start3A_59 = arith.constant 0 : i32
      %dma_start3A_60 = arith.constant 0 : i32
      %dma_start3A_61 = tpu.memref_slice %arg3[%dma_start3A_59, %dma_start3A_60] : memref<10000x128xf32, #tpu.memory_space<hbm>> -> memref<10000x128xf32, #tpu.memory_space<hbm>>
      tpu.enqueue_indirect_dma source(%dma_start3A_61 : memref<10000x128xf32, #tpu.memory_space<hbm>>) target(%arg11 : memref<128x128xf32, #tpu.memory_space<vmem>>) offsets(%dma_start3A_58 : memref<128xi32, #tpu.memory_space<vmem>>) semaphore(%arg13 : memref<!tpu.dma_semaphore, #tpu.memory_space<semaphore_mem>>) {add = true}
      %dma_wait3A_62 = tpu.memref_slice %arg9[%mul3A_45] : memref<5120xi32, #tpu.memory_space<vmem>> -> memref<128xi32, #tpu.memory_space<vmem>>
      %dma_wait3A_63 = arith.constant 0 : i32
      %dma_wait3A_64 = arith.constant 0 : i32
      %dma_wait3A_65 = tpu.memref_slice %arg3[%dma_wait3A_63, %dma_wait3A_64] : memref<10000x128xf32, #tpu.memory_space<hbm>> -> memref<10000x128xf32, #tpu.memory_space<hbm>>
      tpu.wait_indirect_dma semaphore(%arg12 : memref<!tpu.dma_semaphore, #tpu.memory_space<semaphore_mem>>) src(%dma_wait3A_65 : memref<10000x128xf32, #tpu.memory_space<hbm>>) dst(%arg10 : memref<128x128xf32, #tpu.memory_space<vmem>>)
      %mul3A_66 = arith.constant 2 : i32
      %mul3A_67 = arith.muli %scan3A_37, %mul3A_66 : i32
      %add3A_68 = arith.addi %add3A_12, %mul3A_67 : i32
      %mul3A_69 = arith.constant 128 : i32
      %mul3A_70 = arith.muli %add3A_68, %mul3A_69 : i32
      %dma_start3A_71 = arith.constant 0 : i32
      %dma_start3A_72 = tpu.memref_slice %arg6[%mul3A_70, %dma_start3A_71] : memref<320000x128xf32, #tpu.memory_space<hbm>> -> memref<128x128xf32, #tpu.memory_space<hbm>>
      %dma_start3A_73 = arith.constant 0 : i32
      %dma_start3A_74 = tpu.memref_slice %arg6[%mul3A_70, %dma_start3A_73] : memref<320000x128xf32, #tpu.memory_space<hbm>> -> memref<128x128xf32, #tpu.memory_space<hbm>>
      tpu.enqueue_dma source(%arg10 : memref<128x128xf32, #tpu.memory_space<vmem>>) target(%dma_start3A_74 : memref<128x128xf32, #tpu.memory_space<hbm>>) target_semaphore(%arg14 : memref<!tpu.dma_semaphore, #tpu.memory_space<semaphore_mem>>)
      %dma_wait3A_75 = tpu.memref_slice %arg9[%mul3A_57] : memref<5120xi32, #tpu.memory_space<vmem>> -> memref<128xi32, #tpu.memory_space<vmem>>
      %dma_wait3A_76 = arith.constant 0 : i32
      %dma_wait3A_77 = arith.constant 0 : i32
      %dma_wait3A_78 = tpu.memref_slice %arg3[%dma_wait3A_76, %dma_wait3A_77] : memref<10000x128xf32, #tpu.memory_space<hbm>> -> memref<10000x128xf32, #tpu.memory_space<hbm>>
      tpu.wait_indirect_dma semaphore(%arg13 : memref<!tpu.dma_semaphore, #tpu.memory_space<semaphore_mem>>) src(%dma_wait3A_78 : memref<10000x128xf32, #tpu.memory_space<hbm>>) dst(%arg11 : memref<128x128xf32, #tpu.memory_space<vmem>>)
      %add3A_79 = arith.constant 128 : i32
      %add3A_80 = arith.addi %mul3A_70, %add3A_79 : i32
      "tpu.region"() ({
        %run_scoped3A = tpu.sem_alloc : memref<!tpu.dma_semaphore, #tpu.memory_space<semaphore_mem>>
        %dma_start3A_85 = arith.constant 0 : i32
        %dma_start3A_86 = tpu.memref_slice %arg6[%add3A_80, %dma_start3A_85] : memref<320000x128xf32, #tpu.memory_space<hbm>> -> memref<128x128xf32, #tpu.memory_space<hbm>>
        %dma_start3A_87 = arith.constant 0 : i32
        %dma_start3A_88 = tpu.memref_slice %arg6[%add3A_80, %dma_start3A_87] : memref<320000x128xf32, #tpu.memory_space<hbm>> -> memref<128x128xf32, #tpu.memory_space<hbm>>
        tpu.enqueue_dma source(%arg11 : memref<128x128xf32, #tpu.memory_space<vmem>>) target(%dma_start3A_88 : memref<128x128xf32, #tpu.memory_space<hbm>>) target_semaphore(%run_scoped3A : memref<!tpu.dma_semaphore, #tpu.memory_space<semaphore_mem>>)
        %dma_wait3A_89 = arith.constant 0 : i32
        %dma_wait3A_90 = tpu.memref_slice %arg6[%add3A_80, %dma_wait3A_89] : memref<320000x128xf32, #tpu.memory_space<hbm>> -> memref<128x128xf32, #tpu.memory_space<hbm>>
        %dma_wait3A_91 = arith.constant 0 : i32
        %dma_wait3A_92 = tpu.memref_slice %arg6[%add3A_80, %dma_wait3A_91] : memref<320000x128xf32, #tpu.memory_space<hbm>> -> memref<128x128xf32, #tpu.memory_space<hbm>>
        tpu.wait_dma2 semaphore(%run_scoped3A : memref<!tpu.dma_semaphore, #tpu.memory_space<semaphore_mem>>) src(%arg11 : memref<128x128xf32, #tpu.memory_space<vmem>>) dst(%dma_wait3A_92 : memref<128x128xf32, #tpu.memory_space<hbm>>)
        tpu.yield
      }) : () -> ()
      %dma_wait3A_81 = arith.constant 0 : i32
      %dma_wait3A_82 = tpu.memref_slice %arg6[%mul3A_70, %dma_wait3A_81] : memref<320000x128xf32, #tpu.memory_space<hbm>> -> memref<128x128xf32, #tpu.memory_space<hbm>>
      %dma_wait3A_83 = arith.constant 0 : i32
      %dma_wait3A_84 = tpu.memref_slice %arg6[%mul3A_70, %dma_wait3A_83] : memref<320000x128xf32, #tpu.memory_space<hbm>> -> memref<128x128xf32, #tpu.memory_space<hbm>>
      tpu.wait_dma2 semaphore(%arg14 : memref<!tpu.dma_semaphore, #tpu.memory_space<semaphore_mem>>) src(%arg10 : memref<128x128xf32, #tpu.memory_space<vmem>>) dst(%dma_wait3A_84 : memref<128x128xf32, #tpu.memory_space<hbm>>)
    }
    %scan3A_24 = arith.constant 20 : i32
    %add3A_25 = arith.constant 40 : i32
    %add3A_26 = arith.addi %min3A_3, %add3A_25 : i32
    %mul3A_27 = arith.constant 128 : i32
    %mul3A_28 = arith.muli %add3A_26, %mul3A_27 : i32
    "tpu.region"() ({
      %run_scoped3A = tpu.sem_alloc : memref<!tpu.dma_semaphore, #tpu.memory_space<semaphore_mem>>
      %dma_start3A_37 = tpu.memref_slice %arg4[%mul3A_28] : memref<320000xi32, #tpu.memory_space<hbm>> -> memref<5120xi32, #tpu.memory_space<hbm>>
      %dma_start3A_38 = tpu.memref_slice %arg4[%mul3A_28] : memref<320000xi32, #tpu.memory_space<hbm>> -> memref<5120xi32, #tpu.memory_space<hbm>>
      tpu.enqueue_dma source(%dma_start3A_38 : memref<5120xi32, #tpu.memory_space<hbm>>) target(%arg8 : memref<5120xi32, #tpu.memory_space<vmem>>) target_semaphore(%run_scoped3A : memref<!tpu.dma_semaphore, #tpu.memory_space<semaphore_mem>>)
      %dma_wait3A_39 = tpu.memref_slice %arg4[%mul3A_28] : memref<320000xi32, #tpu.memory_space<hbm>> -> memref<5120xi32, #tpu.memory_space<hbm>>
      %dma_wait3A_40 = tpu.memref_slice %arg4[%mul3A_28] : memref<320000xi32, #tpu.memory_space<hbm>> -> memref<5120xi32, #tpu.memory_space<hbm>>
      tpu.wait_dma2 semaphore(%run_scoped3A : memref<!tpu.dma_semaphore, #tpu.memory_space<semaphore_mem>>) src(%dma_wait3A_40 : memref<5120xi32, #tpu.memory_space<hbm>>) dst(%arg8 : memref<5120xi32, #tpu.memory_space<vmem>>)
      tpu.yield
    }) : () -> ()
    %mul3A_29 = arith.constant 128 : i32
    %mul3A_30 = arith.muli %add3A_26, %mul3A_29 : i32
    "tpu.region"() ({
      %run_scoped3A = tpu.sem_alloc : memref<!tpu.dma_semaphore, #tpu.memory_space<semaphore_mem>>
      %dma_start3A_37 = tpu.memref_slice %arg5[%mul3A_30] : memref<320000xi32, #tpu.memory_space<hbm>> -> memref<5120xi32, #tpu.memory_space<hbm>>
      %dma_start3A_38 = tpu.memref_slice %arg5[%mul3A_30] : memref<320000xi32, #tpu.memory_space<hbm>> -> memref<5120xi32, #tpu.memory_space<hbm>>
      tpu.enqueue_dma source(%dma_start3A_38 : memref<5120xi32, #tpu.memory_space<hbm>>) target(%arg9 : memref<5120xi32, #tpu.memory_space<vmem>>) target_semaphore(%run_scoped3A : memref<!tpu.dma_semaphore, #tpu.memory_space<semaphore_mem>>)
      %dma_wait3A_39 = tpu.memref_slice %arg5[%mul3A_30] : memref<320000xi32, #tpu.memory_space<hbm>> -> memref<5120xi32, #tpu.memory_space<hbm>>
      %dma_wait3A_40 = tpu.memref_slice %arg5[%mul3A_30] : memref<320000xi32, #tpu.memory_space<hbm>> -> memref<5120xi32, #tpu.memory_space<hbm>>
      tpu.wait_dma2 semaphore(%run_scoped3A : memref<!tpu.dma_semaphore, #tpu.memory_space<semaphore_mem>>) src(%dma_wait3A_40 : memref<5120xi32, #tpu.memory_space<hbm>>) dst(%arg9 : memref<5120xi32, #tpu.memory_space<vmem>>)
      tpu.yield
    }) : () -> ()
    %scan3A_31 = arith.constant 0 : i32
    %scan3A_32 = arith.constant 0 : i32
    %scan3A_33 = arith.constant 20 : i32
    %scan3A_34 = arith.addi %scan3A_32, %scan3A_33 : i32
    %scan3A_35 = arith.constant 1 : i32
    scf.for %scan3A_37 = %scan3A_32 to %scan3A_34 step %scan3A_35  : i32 {
      %mul3A_38 = arith.constant 2 : i32
      %mul3A_39 = arith.muli %scan3A_37, %mul3A_38 : i32
      %add3A_40 = arith.constant 0 : i32
      %add3A_41 = arith.addi %mul3A_39, %add3A_40 : i32
      %mul3A_42 = arith.constant 128 : i32
      %mul3A_43 = arith.muli %add3A_41, %mul3A_42 : i32
      %mul3A_44 = arith.constant 128 : i32
      %mul3A_45 = arith.muli %add3A_41, %mul3A_44 : i32
      "tpu.region"() ({
        %run_scoped3A = tpu.sem_alloc : memref<!tpu.dma_semaphore, #tpu.memory_space<semaphore_mem>>
        %dma_start3A_85 = tpu.memref_slice %arg8[%mul3A_43] : memref<5120xi32, #tpu.memory_space<vmem>> -> memref<128xi32, #tpu.memory_space<vmem>>
        %dma_start3A_86 = arith.constant 0 : i32
        %dma_start3A_87 = arith.constant 0 : i32
        %dma_start3A_88 = tpu.memref_slice %arg7[%dma_start3A_86, %dma_start3A_87] : memref<10000x128xf32, #tpu.memory_space<vmem_shared>> -> memref<10000x128xf32, #tpu.memory_space<vmem_shared>>
        tpu.enqueue_indirect_dma source(%dma_start3A_88 : memref<10000x128xf32, #tpu.memory_space<vmem_shared>>) target(%arg10 : memref<128x128xf32, #tpu.memory_space<vmem>>) offsets(%dma_start3A_85 : memref<128xi32, #tpu.memory_space<vmem>>) semaphore(%run_scoped3A : memref<!tpu.dma_semaphore, #tpu.memory_space<semaphore_mem>>)
        %dma_wait3A_89 = tpu.memref_slice %arg8[%mul3A_43] : memref<5120xi32, #tpu.memory_space<vmem>> -> memref<128xi32, #tpu.memory_space<vmem>>
        %dma_wait3A_90 = arith.constant 0 : i32
        %dma_wait3A_91 = arith.constant 0 : i32
        %dma_wait3A_92 = tpu.memref_slice %arg7[%dma_wait3A_90, %dma_wait3A_91] : memref<10000x128xf32, #tpu.memory_space<vmem_shared>> -> memref<10000x128xf32, #tpu.memory_space<vmem_shared>>
        tpu.wait_indirect_dma semaphore(%run_scoped3A : memref<!tpu.dma_semaphore, #tpu.memory_space<semaphore_mem>>) src(%dma_wait3A_92 : memref<10000x128xf32, #tpu.memory_space<vmem_shared>>) dst(%arg10 : memref<128x128xf32, #tpu.memory_space<vmem>>)
        tpu.yield
      }) : () -> ()
      %dma_start3A_46 = tpu.memref_slice %arg9[%mul3A_45] : memref<5120xi32, #tpu.memory_space<vmem>> -> memref<128xi32, #tpu.memory_space<vmem>>
      %dma_start3A_47 = arith.constant 0 : i32
      %dma_start3A_48 = arith.constant 0 : i32
      %dma_start3A_49 = tpu.memref_slice %arg3[%dma_start3A_47, %dma_start3A_48] : memref<10000x128xf32, #tpu.memory_space<hbm>> -> memref<10000x128xf32, #tpu.memory_space<hbm>>
      tpu.enqueue_indirect_dma source(%dma_start3A_49 : memref<10000x128xf32, #tpu.memory_space<hbm>>) target(%arg10 : memref<128x128xf32, #tpu.memory_space<vmem>>) offsets(%dma_start3A_46 : memref<128xi32, #tpu.memory_space<vmem>>) semaphore(%arg12 : memref<!tpu.dma_semaphore, #tpu.memory_space<semaphore_mem>>) {add = true}
      %mul3A_50 = arith.constant 2 : i32
      %mul3A_51 = arith.muli %scan3A_37, %mul3A_50 : i32
      %add3A_52 = arith.constant 1 : i32
      %add3A_53 = arith.addi %mul3A_51, %add3A_52 : i32
      %mul3A_54 = arith.constant 128 : i32
      %mul3A_55 = arith.muli %add3A_53, %mul3A_54 : i32
      %mul3A_56 = arith.constant 128 : i32
      %mul3A_57 = arith.muli %add3A_53, %mul3A_56 : i32
      "tpu.region"() ({
        %run_scoped3A = tpu.sem_alloc : memref<!tpu.dma_semaphore, #tpu.memory_space<semaphore_mem>>
        %dma_start3A_85 = tpu.memref_slice %arg8[%mul3A_55] : memref<5120xi32, #tpu.memory_space<vmem>> -> memref<128xi32, #tpu.memory_space<vmem>>
        %dma_start3A_86 = arith.constant 0 : i32
        %dma_start3A_87 = arith.constant 0 : i32
        %dma_start3A_88 = tpu.memref_slice %arg7[%dma_start3A_86, %dma_start3A_87] : memref<10000x128xf32, #tpu.memory_space<vmem_shared>> -> memref<10000x128xf32, #tpu.memory_space<vmem_shared>>
        tpu.enqueue_indirect_dma source(%dma_start3A_88 : memref<10000x128xf32, #tpu.memory_space<vmem_shared>>) target(%arg11 : memref<128x128xf32, #tpu.memory_space<vmem>>) offsets(%dma_start3A_85 : memref<128xi32, #tpu.memory_space<vmem>>) semaphore(%run_scoped3A : memref<!tpu.dma_semaphore, #tpu.memory_space<semaphore_mem>>)
        %dma_wait3A_89 = tpu.memref_slice %arg8[%mul3A_55] : memref<5120xi32, #tpu.memory_space<vmem>> -> memref<128xi32, #tpu.memory_space<vmem>>
        %dma_wait3A_90 = arith.constant 0 : i32
        %dma_wait3A_91 = arith.constant 0 : i32
        %dma_wait3A_92 = tpu.memref_slice %arg7[%dma_wait3A_90, %dma_wait3A_91] : memref<10000x128xf32, #tpu.memory_space<vmem_shared>> -> memref<10000x128xf32, #tpu.memory_space<vmem_shared>>
        tpu.wait_indirect_dma semaphore(%run_scoped3A : memref<!tpu.dma_semaphore, #tpu.memory_space<semaphore_mem>>) src(%dma_wait3A_92 : memref<10000x128xf32, #tpu.memory_space<vmem_shared>>) dst(%arg11 : memref<128x128xf32, #tpu.memory_space<vmem>>)
        tpu.yield
      }) : () -> ()
      %dma_start3A_58 = tpu.memref_slice %arg9[%mul3A_57] : memref<5120xi32, #tpu.memory_space<vmem>> -> memref<128xi32, #tpu.memory_space<vmem>>
      %dma_start3A_59 = arith.constant 0 : i32
      %dma_start3A_60 = arith.constant 0 : i32
      %dma_start3A_61 = tpu.memref_slice %arg3[%dma_start3A_59, %dma_start3A_60] : memref<10000x128xf32, #tpu.memory_space<hbm>> -> memref<10000x128xf32, #tpu.memory_space<hbm>>
      tpu.enqueue_indirect_dma source(%dma_start3A_61 : memref<10000x128xf32, #tpu.memory_space<hbm>>) target(%arg11 : memref<128x128xf32, #tpu.memory_space<vmem>>) offsets(%dma_start3A_58 : memref<128xi32, #tpu.memory_space<vmem>>) semaphore(%arg13 : memref<!tpu.dma_semaphore, #tpu.memory_space<semaphore_mem>>) {add = true}
      %dma_wait3A_62 = tpu.memref_slice %arg9[%mul3A_45] : memref<5120xi32, #tpu.memory_space<vmem>> -> memref<128xi32, #tpu.memory_space<vmem>>
      %dma_wait3A_63 = arith.constant 0 : i32
      %dma_wait3A_64 = arith.constant 0 : i32
      %dma_wait3A_65 = tpu.memref_slice %arg3[%dma_wait3A_63, %dma_wait3A_64] : memref<10000x128xf32, #tpu.memory_space<hbm>> -> memref<10000x128xf32, #tpu.memory_space<hbm>>
      tpu.wait_indirect_dma semaphore(%arg12 : memref<!tpu.dma_semaphore, #tpu.memory_space<semaphore_mem>>) src(%dma_wait3A_65 : memref<10000x128xf32, #tpu.memory_space<hbm>>) dst(%arg10 : memref<128x128xf32, #tpu.memory_space<vmem>>)
      %mul3A_66 = arith.constant 2 : i32
      %mul3A_67 = arith.muli %scan3A_37, %mul3A_66 : i32
      %add3A_68 = arith.addi %add3A_26, %mul3A_67 : i32
      %mul3A_69 = arith.constant 128 : i32
      %mul3A_70 = arith.muli %add3A_68, %mul3A_69 : i32
      %dma_start3A_71 = arith.constant 0 : i32
      %dma_start3A_72 = tpu.memref_slice %arg6[%mul3A_70, %dma_start3A_71] : memref<320000x128xf32, #tpu.memory_space<hbm>> -> memref<128x128xf32, #tpu.memory_space<hbm>>
      %dma_start3A_73 = arith.constant 0 : i32
      %dma_start3A_74 = tpu.memref_slice %arg6[%mul3A_70, %dma_start3A_73] : memref<320000x128xf32, #tpu.memory_space<hbm>> -> memref<128x128xf32, #tpu.memory_space<hbm>>
      tpu.enqueue_dma source(%arg10 : memref<128x128xf32, #tpu.memory_space<vmem>>) target(%dma_start3A_74 : memref<128x128xf32, #tpu.memory_space<hbm>>) target_semaphore(%arg14 : memref<!tpu.dma_semaphore, #tpu.memory_space<semaphore_mem>>)
      %dma_wait3A_75 = tpu.memref_slice %arg9[%mul3A_57] : memref<5120xi32, #tpu.memory_space<vmem>> -> memref<128xi32, #tpu.memory_space<vmem>>
      %dma_wait3A_76 = arith.constant 0 : i32
      %dma_wait3A_77 = arith.constant 0 : i32
      %dma_wait3A_78 = tpu.memref_slice %arg3[%dma_wait3A_76, %dma_wait3A_77] : memref<10000x128xf32, #tpu.memory_space<hbm>> -> memref<10000x128xf32, #tpu.memory_space<hbm>>
      tpu.wait_indirect_dma semaphore(%arg13 : memref<!tpu.dma_semaphore, #tpu.memory_space<semaphore_mem>>) src(%dma_wait3A_78 : memref<10000x128xf32, #tpu.memory_space<hbm>>) dst(%arg11 : memref<128x128xf32, #tpu.memory_space<vmem>>)
      %add3A_79 = arith.constant 128 : i32
      %add3A_80 = arith.addi %mul3A_70, %add3A_79 : i32
      "tpu.region"() ({
        %run_scoped3A = tpu.sem_alloc : memref<!tpu.dma_semaphore, #tpu.memory_space<semaphore_mem>>
        %dma_start3A_85 = arith.constant 0 : i32
        %dma_start3A_86 = tpu.memref_slice %arg6[%add3A_80, %dma_start3A_85] : memref<320000x128xf32, #tpu.memory_space<hbm>> -> memref<128x128xf32, #tpu.memory_space<hbm>>
        %dma_start3A_87 = arith.constant 0 : i32
        %dma_start3A_88 = tpu.memref_slice %arg6[%add3A_80, %dma_start3A_87] : memref<320000x128xf32, #tpu.memory_space<hbm>> -> memref<128x128xf32, #tpu.memory_space<hbm>>
        tpu.enqueue_dma source(%arg11 : memref<128x128xf32, #tpu.memory_space<vmem>>) target(%dma_start3A_88 : memref<128x128xf32, #tpu.memory_space<hbm>>) target_semaphore(%run_scoped3A : memref<!tpu.dma_semaphore, #tpu.memory_space<semaphore_mem>>)
        %dma_wait3A_89 = arith.constant 0 : i32
        %dma_wait3A_90 = tpu.memref_slice %arg6[%add3A_80, %dma_wait3A_89] : memref<320000x128xf32, #tpu.memory_space<hbm>> -> memref<128x128xf32, #tpu.memory_space<hbm>>
        %dma_wait3A_91 = arith.constant 0 : i32
        %dma_wait3A_92 = tpu.memref_slice %arg6[%add3A_80, %dma_wait3A_91] : memref<320000x128xf32, #tpu.memory_space<hbm>> -> memref<128x128xf32, #tpu.memory_space<hbm>>
        tpu.wait_dma2 semaphore(%run_scoped3A : memref<!tpu.dma_semaphore, #tpu.memory_space<semaphore_mem>>) src(%arg11 : memref<128x128xf32, #tpu.memory_space<vmem>>) dst(%dma_wait3A_92 : memref<128x128xf32, #tpu.memory_space<hbm>>)
        tpu.yield
      }) : () -> ()
      %dma_wait3A_81 = arith.constant 0 : i32
      %dma_wait3A_82 = tpu.memref_slice %arg6[%mul3A_70, %dma_wait3A_81] : memref<320000x128xf32, #tpu.memory_space<hbm>> -> memref<128x128xf32, #tpu.memory_space<hbm>>
      %dma_wait3A_83 = arith.constant 0 : i32
      %dma_wait3A_84 = tpu.memref_slice %arg6[%mul3A_70, %dma_wait3A_83] : memref<320000x128xf32, #tpu.memory_space<hbm>> -> memref<128x128xf32, #tpu.memory_space<hbm>>
      tpu.wait_dma2 semaphore(%arg14 : memref<!tpu.dma_semaphore, #tpu.memory_space<semaphore_mem>>) src(%arg10 : memref<128x128xf32, #tpu.memory_space<vmem>>) dst(%dma_wait3A_84 : memref<128x128xf32, #tpu.memory_space<hbm>>)
    }
    %scan3A_36 = arith.constant 20 : i32
    return
  }
}

#map = affine_map<(d0, d1) -> (0, 0)>
#map1 = affine_map<(d0, d1) -> (0)>
#map2 = affine_map<(d0, d1) -> (0, 0, 0)>
module attributes {stable_mosaic.version = 14 : i64} {
  func.func @_scatter_body(%arg0: i32, %arg1: i32, %arg2: memref<320000x128xf32, #tpu.memory_space<hbm>>, %arg3: memref<320000xi32, #tpu.memory_space<hbm>>, %arg4: memref<2x10000x128xf32, #tpu.memory_space<hbm>>, %arg5: memref<10000x128xf32, #tpu.memory_space<vmem_shared>>, %arg6: memref<10112xi32, #tpu.memory_space<vmem>>, %arg7: memref<128x128xf32, #tpu.memory_space<vmem>>, %arg8: memref<128x128xf32, #tpu.memory_space<vmem>>, %arg9: memref<16x128xf32, #tpu.memory_space<vmem>>, %arg10: memref<!tpu.dma_semaphore, #tpu.memory_space<semaphore_mem>>, %arg11: memref<!tpu.dma_semaphore, #tpu.memory_space<semaphore_mem>>) attributes {dimension_semantics = [#tpu.dimension_semantics<core_parallel>, #tpu.dimension_semantics<subcore_parallel>], iteration_bounds = array<i64: 2, 16>, scalar_prefetch = 0 : i64, scratch_operands = 7 : i64, tpu.core_type = #tpu.core_type<sc_vector_subcore>, window_params = [{transform_indices = #map}, {transform_indices = #map1}, {transform_indices = #map2}]} {
    %mul3A = arith.constant 2 : i32
    %mul3A_0 = arith.muli %arg1, %mul3A : i32
    %add3A = arith.addi %mul3A_0, %arg0 : i32
    %scan3A = arith.constant 0 : i32
    %scan3A_1 = arith.constant 0 : i32
    %scan3A_2 = arith.constant 16 : i32
    %scan3A_3 = arith.addi %scan3A_1, %scan3A_2 : i32
    %scan3A_4 = arith.constant 1 : i32
    scf.for %scan3A_32 = %scan3A_1 to %scan3A_3 step %scan3A_4  : i32 {
      %broadcast_in_dim3A = arith.constant 0.000000e+00 : f32
      %broadcast_in_dim3A_33 = vector.broadcast %broadcast_in_dim3A : f32 to vector<16xf32>
      %swap3A = arith.index_cast %scan3A_32 : i32 to index
      %swap3A_34 = arith.constant 0 : index
      %swap3A_35 = tpu.vector_load %arg9[%swap3A, %swap3A_34] {strides = array<i32>} : memref<16x128xf32, #tpu.memory_space<vmem>>, vector<1x16xf32>,
      %swap3A_36 = vector.shape_cast %swap3A_35 : vector<1x16xf32> to vector<16xf32>
      %swap3A_37 = vector.shape_cast %broadcast_in_dim3A_33 : vector<16xf32> to vector<1x16xf32>
      tpu.vector_store %arg9[%swap3A, %swap3A_34], %swap3A_37 {strides = array<i32>} : memref<16x128xf32, #tpu.memory_space<vmem>>, vector<1x16xf32>,
      %broadcast_in_dim3A_38 = arith.constant 0.000000e+00 : f32
      %broadcast_in_dim3A_39 = vector.broadcast %broadcast_in_dim3A_38 : f32 to vector<16xf32>
      %swap3A_40 = arith.index_cast %scan3A_32 : i32 to index
      %swap3A_41 = arith.constant 16 : index
      %swap3A_42 = tpu.vector_load %arg9[%swap3A_40, %swap3A_41] {strides = array<i32>} : memref<16x128xf32, #tpu.memory_space<vmem>>, vector<1x16xf32>,
      %swap3A_43 = vector.shape_cast %swap3A_42 : vector<1x16xf32> to vector<16xf32>
      %swap3A_44 = vector.shape_cast %broadcast_in_dim3A_39 : vector<16xf32> to vector<1x16xf32>
      tpu.vector_store %arg9[%swap3A_40, %swap3A_41], %swap3A_44 {strides = array<i32>} : memref<16x128xf32, #tpu.memory_space<vmem>>, vector<1x16xf32>,
      %broadcast_in_dim3A_45 = arith.constant 0.000000e+00 : f32
      %broadcast_in_dim3A_46 = vector.broadcast %broadcast_in_dim3A_45 : f32 to vector<16xf32>
      %swap3A_47 = arith.index_cast %scan3A_32 : i32 to index
      %swap3A_48 = arith.constant 32 : index
      %swap3A_49 = tpu.vector_load %arg9[%swap3A_47, %swap3A_48] {strides = array<i32>} : memref<16x128xf32, #tpu.memory_space<vmem>>, vector<1x16xf32>,
      %swap3A_50 = vector.shape_cast %swap3A_49 : vector<1x16xf32> to vector<16xf32>
      %swap3A_51 = vector.shape_cast %broadcast_in_dim3A_46 : vector<16xf32> to vector<1x16xf32>
      tpu.vector_store %arg9[%swap3A_47, %swap3A_48], %swap3A_51 {strides = array<i32>} : memref<16x128xf32, #tpu.memory_space<vmem>>, vector<1x16xf32>,
      %broadcast_in_dim3A_52 = arith.constant 0.000000e+00 : f32
      %broadcast_in_dim3A_53 = vector.broadcast %broadcast_in_dim3A_52 : f32 to vector<16xf32>
      %swap3A_54 = arith.index_cast %scan3A_32 : i32 to index
      %swap3A_55 = arith.constant 48 : index
      %swap3A_56 = tpu.vector_load %arg9[%swap3A_54, %swap3A_55] {strides = array<i32>} : memref<16x128xf32, #tpu.memory_space<vmem>>, vector<1x16xf32>,
      %swap3A_57 = vector.shape_cast %swap3A_56 : vector<1x16xf32> to vector<16xf32>
      %swap3A_58 = vector.shape_cast %broadcast_in_dim3A_53 : vector<16xf32> to vector<1x16xf32>
      tpu.vector_store %arg9[%swap3A_54, %swap3A_55], %swap3A_58 {strides = array<i32>} : memref<16x128xf32, #tpu.memory_space<vmem>>, vector<1x16xf32>,
      %broadcast_in_dim3A_59 = arith.constant 0.000000e+00 : f32
      %broadcast_in_dim3A_60 = vector.broadcast %broadcast_in_dim3A_59 : f32 to vector<16xf32>
      %swap3A_61 = arith.index_cast %scan3A_32 : i32 to index
      %swap3A_62 = arith.constant 64 : index
      %swap3A_63 = tpu.vector_load %arg9[%swap3A_61, %swap3A_62] {strides = array<i32>} : memref<16x128xf32, #tpu.memory_space<vmem>>, vector<1x16xf32>,
      %swap3A_64 = vector.shape_cast %swap3A_63 : vector<1x16xf32> to vector<16xf32>
      %swap3A_65 = vector.shape_cast %broadcast_in_dim3A_60 : vector<16xf32> to vector<1x16xf32>
      tpu.vector_store %arg9[%swap3A_61, %swap3A_62], %swap3A_65 {strides = array<i32>} : memref<16x128xf32, #tpu.memory_space<vmem>>, vector<1x16xf32>,
      %broadcast_in_dim3A_66 = arith.constant 0.000000e+00 : f32
      %broadcast_in_dim3A_67 = vector.broadcast %broadcast_in_dim3A_66 : f32 to vector<16xf32>
      %swap3A_68 = arith.index_cast %scan3A_32 : i32 to index
      %swap3A_69 = arith.constant 80 : index
      %swap3A_70 = tpu.vector_load %arg9[%swap3A_68, %swap3A_69] {strides = array<i32>} : memref<16x128xf32, #tpu.memory_space<vmem>>, vector<1x16xf32>,
      %swap3A_71 = vector.shape_cast %swap3A_70 : vector<1x16xf32> to vector<16xf32>
      %swap3A_72 = vector.shape_cast %broadcast_in_dim3A_67 : vector<16xf32> to vector<1x16xf32>
      tpu.vector_store %arg9[%swap3A_68, %swap3A_69], %swap3A_72 {strides = array<i32>} : memref<16x128xf32, #tpu.memory_space<vmem>>, vector<1x16xf32>,
      %broadcast_in_dim3A_73 = arith.constant 0.000000e+00 : f32
      %broadcast_in_dim3A_74 = vector.broadcast %broadcast_in_dim3A_73 : f32 to vector<16xf32>
      %swap3A_75 = arith.index_cast %scan3A_32 : i32 to index
      %swap3A_76 = arith.constant 96 : index
      %swap3A_77 = tpu.vector_load %arg9[%swap3A_75, %swap3A_76] {strides = array<i32>} : memref<16x128xf32, #tpu.memory_space<vmem>>, vector<1x16xf32>,
      %swap3A_78 = vector.shape_cast %swap3A_77 : vector<1x16xf32> to vector<16xf32>
      %swap3A_79 = vector.shape_cast %broadcast_in_dim3A_74 : vector<16xf32> to vector<1x16xf32>
      tpu.vector_store %arg9[%swap3A_75, %swap3A_76], %swap3A_79 {strides = array<i32>} : memref<16x128xf32, #tpu.memory_space<vmem>>, vector<1x16xf32>,
      %broadcast_in_dim3A_80 = arith.constant 0.000000e+00 : f32
      %broadcast_in_dim3A_81 = vector.broadcast %broadcast_in_dim3A_80 : f32 to vector<16xf32>
      %swap3A_82 = arith.index_cast %scan3A_32 : i32 to index
      %swap3A_83 = arith.constant 112 : index
      %swap3A_84 = tpu.vector_load %arg9[%swap3A_82, %swap3A_83] {strides = array<i32>} : memref<16x128xf32, #tpu.memory_space<vmem>>, vector<1x16xf32>,
      %swap3A_85 = vector.shape_cast %swap3A_84 : vector<1x16xf32> to vector<16xf32>
      %swap3A_86 = vector.shape_cast %broadcast_in_dim3A_81 : vector<16xf32> to vector<1x16xf32>
      tpu.vector_store %arg9[%swap3A_82, %swap3A_83], %swap3A_86 {strides = array<i32>} : memref<16x128xf32, #tpu.memory_space<vmem>>, vector<1x16xf32>,
    }
    %scan3A_5 = arith.constant 16 : i32
    %scan3A_6 = arith.constant 0 : i32
    %scan3A_7 = arith.constant 0 : i32
    %scan3A_8 = arith.constant 40 : i32
    %scan3A_9 = arith.addi %scan3A_7, %scan3A_8 : i32
    %scan3A_10 = arith.constant 1 : i32
    scf.for %scan3A_32 = %scan3A_7 to %scan3A_9 step %scan3A_10  : i32 {
      %mul3A_33 = arith.constant 16 : i32
      %mul3A_34 = arith.muli %scan3A_32, %mul3A_33 : i32
      %add3A_35 = arith.addi %mul3A_34, %arg1 : i32
      %lt3A = arith.constant 625 : i32
      %lt3A_36 = arith.cmpi slt, %add3A_35, %lt3A : i32
      %convert_element_type3A = arith.extui %lt3A_36 : i1 to i32
      %cond3A = arith.constant 0 : i32
      %cond3A_37 = arith.cmpi ne, %convert_element_type3A, %cond3A : i32
      scf.if %cond3A_37 {
        %mul3A_38 = arith.constant 16 : i32
        %mul3A_39 = arith.muli %add3A_35, %mul3A_38 : i32
        "tpu.region"() ({
          %run_scoped3A = tpu.sem_alloc : memref<!tpu.dma_semaphore, #tpu.memory_space<semaphore_mem>>
          %dma_start3A = arith.constant 0 : i32
          %dma_start3A_40 = tpu.memref_slice %arg5[%mul3A_39, %dma_start3A] : memref<10000x128xf32, #tpu.memory_space<vmem_shared>> -> memref<16x128xf32, #tpu.memory_space<vmem_shared>>
          %dma_start3A_41 = arith.constant 0 : i32
          %dma_start3A_42 = tpu.memref_slice %arg5[%mul3A_39, %dma_start3A_41] : memref<10000x128xf32, #tpu.memory_space<vmem_shared>> -> memref<16x128xf32, #tpu.memory_space<vmem_shared>>
          tpu.enqueue_dma source(%arg9 : memref<16x128xf32, #tpu.memory_space<vmem>>) target(%dma_start3A_42 : memref<16x128xf32, #tpu.memory_space<vmem_shared>>) target_semaphore(%run_scoped3A : memref<!tpu.dma_semaphore, #tpu.memory_space<semaphore_mem>>)
          %dma_wait3A = arith.constant 0 : i32
          %dma_wait3A_43 = tpu.memref_slice %arg5[%mul3A_39, %dma_wait3A] : memref<10000x128xf32, #tpu.memory_space<vmem_shared>> -> memref<16x128xf32, #tpu.memory_space<vmem_shared>>
          %dma_wait3A_44 = arith.constant 0 : i32
          %dma_wait3A_45 = tpu.memref_slice %arg5[%mul3A_39, %dma_wait3A_44] : memref<10000x128xf32, #tpu.memory_space<vmem_shared>> -> memref<16x128xf32, #tpu.memory_space<vmem_shared>>
          tpu.wait_dma2 semaphore(%run_scoped3A : memref<!tpu.dma_semaphore, #tpu.memory_space<semaphore_mem>>) src(%arg9 : memref<16x128xf32, #tpu.memory_space<vmem>>) dst(%dma_wait3A_45 : memref<16x128xf32, #tpu.memory_space<vmem_shared>>)
          tpu.yield
        }) : () -> ()
      } else {
      }
    }
    %scan3A_11 = arith.constant 40 : i32
    %mul3A_12 = arith.constant 79 : i32
    %mul3A_13 = arith.muli %add3A, %mul3A_12 : i32
    %min3A = arith.constant 2421 : i32
    %min3A_14 = arith.minsi %mul3A_13, %min3A : i32
    %mul3A_15 = arith.constant 79 : i32
    %mul3A_16 = arith.muli %add3A, %mul3A_15 : i32
    %sub3A = arith.subi %mul3A_16, %min3A_14 : i32
    %mul3A_17 = arith.constant 128 : i32
    %mul3A_18 = arith.muli %min3A_14, %mul3A_17 : i32
    "tpu.region"() ({
      %run_scoped3A = tpu.sem_alloc : memref<!tpu.dma_semaphore, #tpu.memory_space<semaphore_mem>>
      %dma_start3A = tpu.memref_slice %arg3[%mul3A_18] : memref<320000xi32, #tpu.memory_space<hbm>> -> memref<10112xi32, #tpu.memory_space<hbm>>
      %dma_start3A_32 = tpu.memref_slice %arg3[%mul3A_18] : memref<320000xi32, #tpu.memory_space<hbm>> -> memref<10112xi32, #tpu.memory_space<hbm>>
      tpu.enqueue_dma source(%dma_start3A_32 : memref<10112xi32, #tpu.memory_space<hbm>>) target(%arg6 : memref<10112xi32, #tpu.memory_space<vmem>>) target_semaphore(%run_scoped3A : memref<!tpu.dma_semaphore, #tpu.memory_space<semaphore_mem>>)
      %dma_wait3A = tpu.memref_slice %arg3[%mul3A_18] : memref<320000xi32, #tpu.memory_space<hbm>> -> memref<10112xi32, #tpu.memory_space<hbm>>
      %dma_wait3A_33 = tpu.memref_slice %arg3[%mul3A_18] : memref<320000xi32, #tpu.memory_space<hbm>> -> memref<10112xi32, #tpu.memory_space<hbm>>
      tpu.wait_dma2 semaphore(%run_scoped3A : memref<!tpu.dma_semaphore, #tpu.memory_space<semaphore_mem>>) src(%dma_wait3A_33 : memref<10112xi32, #tpu.memory_space<hbm>>) dst(%arg6 : memref<10112xi32, #tpu.memory_space<vmem>>)
      tpu.yield
    }) : () -> ()
    %barrier3A = arith.constant 0 : index
    tpu.barrier barrier_id(%barrier3A)
    %scan3A_19 = arith.constant 0 : i32
    %scan3A_20 = arith.constant 0 : i32
    %scan3A_21 = arith.constant 40 : i32
    %scan3A_22 = arith.addi %scan3A_20, %scan3A_21 : i32
    %scan3A_23 = arith.constant 1 : i32
    scf.for %scan3A_32 = %scan3A_20 to %scan3A_22 step %scan3A_23  : i32 {
      %mul3A_33 = arith.constant 79 : i32
      %mul3A_34 = arith.muli %add3A, %mul3A_33 : i32
      %mul3A_35 = arith.constant 2 : i32
      %mul3A_36 = arith.muli %scan3A_32, %mul3A_35 : i32
      %add3A_37 = arith.addi %mul3A_34, %mul3A_36 : i32
      %add3A_38 = arith.constant 0 : i32
      %add3A_39 = arith.addi %add3A_37, %add3A_38 : i32
      %min3A_40 = arith.constant 2499 : i32
      %min3A_41 = arith.minsi %add3A_39, %min3A_40 : i32
      %mul3A_42 = arith.constant 128 : i32
      %mul3A_43 = arith.muli %min3A_41, %mul3A_42 : i32
      %dma_start3A = arith.constant 0 : i32
      %dma_start3A_44 = tpu.memref_slice %arg2[%mul3A_43, %dma_start3A] : memref<320000x128xf32, #tpu.memory_space<hbm>> -> memref<128x128xf32, #tpu.memory_space<hbm>>
      %dma_start3A_45 = arith.constant 0 : i32
      %dma_start3A_46 = tpu.memref_slice %arg2[%mul3A_43, %dma_start3A_45] : memref<320000x128xf32, #tpu.memory_space<hbm>> -> memref<128x128xf32, #tpu.memory_space<hbm>>
      tpu.enqueue_dma source(%dma_start3A_46 : memref<128x128xf32, #tpu.memory_space<hbm>>) target(%arg7 : memref<128x128xf32, #tpu.memory_space<vmem>>) target_semaphore(%arg10 : memref<!tpu.dma_semaphore, #tpu.memory_space<semaphore_mem>>)
      %mul3A_47 = arith.constant 79 : i32
      %mul3A_48 = arith.muli %add3A, %mul3A_47 : i32
      %mul3A_49 = arith.constant 2 : i32
      %mul3A_50 = arith.muli %scan3A_32, %mul3A_49 : i32
      %add3A_51 = arith.addi %mul3A_48, %mul3A_50 : i32
      %add3A_52 = arith.constant 1 : i32
      %add3A_53 = arith.addi %add3A_51, %add3A_52 : i32
      %min3A_54 = arith.constant 2499 : i32
      %min3A_55 = arith.minsi %add3A_53, %min3A_54 : i32
      %mul3A_56 = arith.constant 128 : i32
      %mul3A_57 = arith.muli %min3A_55, %mul3A_56 : i32
      %dma_start3A_58 = arith.constant 0 : i32
      %dma_start3A_59 = tpu.memref_slice %arg2[%mul3A_57, %dma_start3A_58] : memref<320000x128xf32, #tpu.memory_space<hbm>> -> memref<128x128xf32, #tpu.memory_space<hbm>>
      %dma_start3A_60 = arith.constant 0 : i32
      %dma_start3A_61 = tpu.memref_slice %arg2[%mul3A_57, %dma_start3A_60] : memref<320000x128xf32, #tpu.memory_space<hbm>> -> memref<128x128xf32, #tpu.memory_space<hbm>>
      tpu.enqueue_dma source(%dma_start3A_61 : memref<128x128xf32, #tpu.memory_space<hbm>>) target(%arg8 : memref<128x128xf32, #tpu.memory_space<vmem>>) target_semaphore(%arg11 : memref<!tpu.dma_semaphore, #tpu.memory_space<semaphore_mem>>)
      %mul3A_62 = arith.constant 2 : i32
      %mul3A_63 = arith.muli %scan3A_32, %mul3A_62 : i32
      %add3A_64 = arith.constant 0 : i32
      %add3A_65 = arith.addi %mul3A_63, %add3A_64 : i32
      %mul3A_66 = arith.constant 79 : i32
      %mul3A_67 = arith.muli %add3A, %mul3A_66 : i32
      %add3A_68 = arith.addi %mul3A_67, %add3A_65 : i32
      %dma_wait3A = arith.constant 0 : i32
      %dma_wait3A_69 = tpu.memref_slice %arg2[%mul3A_43, %dma_wait3A] : memref<320000x128xf32, #tpu.memory_space<hbm>> -> memref<128x128xf32, #tpu.memory_space<hbm>>
      %dma_wait3A_70 = arith.constant 0 : i32
      %dma_wait3A_71 = tpu.memref_slice %arg2[%mul3A_43, %dma_wait3A_70] : memref<320000x128xf32, #tpu.memory_space<hbm>> -> memref<128x128xf32, #tpu.memory_space<hbm>>
      tpu.wait_dma2 semaphore(%arg10 : memref<!tpu.dma_semaphore, #tpu.memory_space<semaphore_mem>>) src(%dma_wait3A_71 : memref<128x128xf32, #tpu.memory_space<hbm>>) dst(%arg7 : memref<128x128xf32, #tpu.memory_space<vmem>>)
      %lt3A = arith.constant 79 : i32
      %lt3A_72 = arith.cmpi slt, %add3A_65, %lt3A : i32
      %lt3A_73 = arith.constant 2500 : i32
      %lt3A_74 = arith.cmpi slt, %add3A_68, %lt3A_73 : i32
      %and3A = arith.andi %lt3A_72, %lt3A_74 : i1
      %convert_element_type3A = arith.extui %and3A : i1 to i32
      %cond3A = arith.constant 0 : i32
      %cond3A_75 = arith.cmpi ne, %convert_element_type3A, %cond3A : i32
      scf.if %cond3A_75 {
        %add3A_95 = arith.addi %sub3A, %add3A_65 : i32
        %mul3A_96 = arith.constant 128 : i32
        %mul3A_97 = arith.muli %add3A_95, %mul3A_96 : i32
        "tpu.region"() ({
          %run_scoped3A = tpu.sem_alloc : memref<!tpu.dma_semaphore, #tpu.memory_space<semaphore_mem>>
          %dma_start3A_98 = tpu.memref_slice %arg6[%mul3A_97] : memref<10112xi32, #tpu.memory_space<vmem>> -> memref<128xi32, #tpu.memory_space<vmem>>
          %dma_start3A_99 = arith.constant 0 : i32
          %dma_start3A_100 = arith.constant 0 : i32
          %dma_start3A_101 = tpu.memref_slice %arg5[%dma_start3A_99, %dma_start3A_100] : memref<10000x128xf32, #tpu.memory_space<vmem_shared>> -> memref<10000x128xf32, #tpu.memory_space<vmem_shared>>
          tpu.enqueue_indirect_dma source(%arg7 : memref<128x128xf32, #tpu.memory_space<vmem>>) target(%dma_start3A_101 : memref<10000x128xf32, #tpu.memory_space<vmem_shared>>) offsets(%dma_start3A_98 : memref<128xi32, #tpu.memory_space<vmem>>) semaphore(%run_scoped3A : memref<!tpu.dma_semaphore, #tpu.memory_space<semaphore_mem>>) {add = true}
          %dma_wait3A_102 = tpu.memref_slice %arg6[%mul3A_97] : memref<10112xi32, #tpu.memory_space<vmem>> -> memref<128xi32, #tpu.memory_space<vmem>>
          %dma_wait3A_103 = arith.constant 0 : i32
          %dma_wait3A_104 = arith.constant 0 : i32
          %dma_wait3A_105 = tpu.memref_slice %arg5[%dma_wait3A_103, %dma_wait3A_104] : memref<10000x128xf32, #tpu.memory_space<vmem_shared>> -> memref<10000x128xf32, #tpu.memory_space<vmem_shared>>
          tpu.wait_indirect_dma semaphore(%run_scoped3A : memref<!tpu.dma_semaphore, #tpu.memory_space<semaphore_mem>>) src(%arg7 : memref<128x128xf32, #tpu.memory_space<vmem>>) dst(%dma_wait3A_105 : memref<10000x128xf32, #tpu.memory_space<vmem_shared>>)
          tpu.yield
        }) : () -> ()
      } else {
      }
      %mul3A_76 = arith.constant 2 : i32
      %mul3A_77 = arith.muli %scan3A_32, %mul3A_76 : i32
      %add3A_78 = arith.constant 1 : i32
      %add3A_79 = arith.addi %mul3A_77, %add3A_78 : i32
      %mul3A_80 = arith.constant 79 : i32
      %mul3A_81 = arith.muli %add3A, %mul3A_80 : i32
      %add3A_82 = arith.addi %mul3A_81, %add3A_79 : i32
      %dma_wait3A_83 = arith.constant 0 : i32
      %dma_wait3A_84 = tpu.memref_slice %arg2[%mul3A_57, %dma_wait3A_83] : memref<320000x128xf32, #tpu.memory_space<hbm>> -> memref<128x128xf32, #tpu.memory_space<hbm>>
      %dma_wait3A_85 = arith.constant 0 : i32
      %dma_wait3A_86 = tpu.memref_slice %arg2[%mul3A_57, %dma_wait3A_85] : memref<320000x128xf32, #tpu.memory_space<hbm>> -> memref<128x128xf32, #tpu.memory_space<hbm>>
      tpu.wait_dma2 semaphore(%arg11 : memref<!tpu.dma_semaphore, #tpu.memory_space<semaphore_mem>>) src(%dma_wait3A_86 : memref<128x128xf32, #tpu.memory_space<hbm>>) dst(%arg8 : memref<128x128xf32, #tpu.memory_space<vmem>>)
      %lt3A_87 = arith.constant 79 : i32
      %lt3A_88 = arith.cmpi slt, %add3A_79, %lt3A_87 : i32
      %lt3A_89 = arith.constant 2500 : i32
      %lt3A_90 = arith.cmpi slt, %add3A_82, %lt3A_89 : i32
      %and3A_91 = arith.andi %lt3A_88, %lt3A_90 : i1
      %convert_element_type3A_92 = arith.extui %and3A_91 : i1 to i32
      %cond3A_93 = arith.constant 0 : i32
      %cond3A_94 = arith.cmpi ne, %convert_element_type3A_92, %cond3A_93 : i32
      scf.if %cond3A_94 {
        %add3A_95 = arith.addi %sub3A, %add3A_79 : i32
        %mul3A_96 = arith.constant 128 : i32
        %mul3A_97 = arith.muli %add3A_95, %mul3A_96 : i32
        "tpu.region"() ({
          %run_scoped3A = tpu.sem_alloc : memref<!tpu.dma_semaphore, #tpu.memory_space<semaphore_mem>>
          %dma_start3A_98 = tpu.memref_slice %arg6[%mul3A_97] : memref<10112xi32, #tpu.memory_space<vmem>> -> memref<128xi32, #tpu.memory_space<vmem>>
          %dma_start3A_99 = arith.constant 0 : i32
          %dma_start3A_100 = arith.constant 0 : i32
          %dma_start3A_101 = tpu.memref_slice %arg5[%dma_start3A_99, %dma_start3A_100] : memref<10000x128xf32, #tpu.memory_space<vmem_shared>> -> memref<10000x128xf32, #tpu.memory_space<vmem_shared>>
          tpu.enqueue_indirect_dma source(%arg8 : memref<128x128xf32, #tpu.memory_space<vmem>>) target(%dma_start3A_101 : memref<10000x128xf32, #tpu.memory_space<vmem_shared>>) offsets(%dma_start3A_98 : memref<128xi32, #tpu.memory_space<vmem>>) semaphore(%run_scoped3A : memref<!tpu.dma_semaphore, #tpu.memory_space<semaphore_mem>>) {add = true}
          %dma_wait3A_102 = tpu.memref_slice %arg6[%mul3A_97] : memref<10112xi32, #tpu.memory_space<vmem>> -> memref<128xi32, #tpu.memory_space<vmem>>
          %dma_wait3A_103 = arith.constant 0 : i32
          %dma_wait3A_104 = arith.constant 0 : i32
          %dma_wait3A_105 = tpu.memref_slice %arg5[%dma_wait3A_103, %dma_wait3A_104] : memref<10000x128xf32, #tpu.memory_space<vmem_shared>> -> memref<10000x128xf32, #tpu.memory_space<vmem_shared>>
          tpu.wait_indirect_dma semaphore(%run_scoped3A : memref<!tpu.dma_semaphore, #tpu.memory_space<semaphore_mem>>) src(%arg8 : memref<128x128xf32, #tpu.memory_space<vmem>>) dst(%dma_wait3A_105 : memref<10000x128xf32, #tpu.memory_space<vmem_shared>>)
          tpu.yield
        }) : () -> ()
      } else {
      }
    }
    %scan3A_24 = arith.constant 40 : i32
    %barrier3A_25 = arith.constant 0 : index
    tpu.barrier barrier_id(%barrier3A_25)
    %scan3A_26 = arith.constant 0 : i32
    %scan3A_27 = arith.constant 0 : i32
    %scan3A_28 = arith.constant 5 : i32
    %scan3A_29 = arith.addi %scan3A_27, %scan3A_28 : i32
    %scan3A_30 = arith.constant 1 : i32
    scf.for %scan3A_32 = %scan3A_27 to %scan3A_29 step %scan3A_30  : i32 {
      %mul3A_33 = arith.constant 16 : i32
      %mul3A_34 = arith.muli %scan3A_32, %mul3A_33 : i32
      %add3A_35 = arith.addi %mul3A_34, %arg1 : i32
      %lt3A = arith.constant 78 : i32
      %lt3A_36 = arith.cmpi slt, %add3A_35, %lt3A : i32
      %convert_element_type3A = arith.extui %lt3A_36 : i1 to i32
      %cond3A = arith.constant 0 : i32
      %cond3A_37 = arith.cmpi ne, %convert_element_type3A, %cond3A : i32
      scf.if %cond3A_37 {
        %mul3A_42 = arith.constant 128 : i32
        %mul3A_43 = arith.muli %add3A_35, %mul3A_42 : i32
        %mul3A_44 = arith.constant 128 : i32
        %mul3A_45 = arith.muli %add3A_35, %mul3A_44 : i32
        "tpu.region"() ({
          %run_scoped3A = tpu.sem_alloc : memref<!tpu.dma_semaphore, #tpu.memory_space<semaphore_mem>>
          %dma_start3A = arith.constant 0 : i32
          %dma_start3A_46 = tpu.memref_slice %arg4[%arg0, %mul3A_45, %dma_start3A] : memref<2x10000x128xf32, #tpu.memory_space<hbm>> -> memref<1x128x128xf32, #tpu.memory_space<hbm>>
          %dma_start3A_47 = tpu.memref_squeeze %dma_start3A_46 : memref<1x128x128xf32, #tpu.memory_space<hbm>> -> memref<128x128xf32, #tpu.memory_space<hbm>>
          %dma_start3A_48 = arith.constant 0 : i32
          %dma_start3A_49 = tpu.memref_slice %arg5[%mul3A_43, %dma_start3A_48] : memref<10000x128xf32, #tpu.memory_space<vmem_shared>> -> memref<128x128xf32, #tpu.memory_space<vmem_shared>>
          tpu.enqueue_dma source(%dma_start3A_49 : memref<128x128xf32, #tpu.memory_space<vmem_shared>>) target(%dma_start3A_47 : memref<128x128xf32, #tpu.memory_space<hbm>>) target_semaphore(%run_scoped3A : memref<!tpu.dma_semaphore, #tpu.memory_space<semaphore_mem>>)
          %dma_wait3A = arith.constant 0 : i32
          %dma_wait3A_50 = tpu.memref_slice %arg4[%arg0, %mul3A_45, %dma_wait3A] : memref<2x10000x128xf32, #tpu.memory_space<hbm>> -> memref<1x128x128xf32, #tpu.memory_space<hbm>>
          %dma_wait3A_51 = tpu.memref_squeeze %dma_wait3A_50 : memref<1x128x128xf32, #tpu.memory_space<hbm>> -> memref<128x128xf32, #tpu.memory_space<hbm>>
          %dma_wait3A_52 = arith.constant 0 : i32
          %dma_wait3A_53 = tpu.memref_slice %arg5[%mul3A_43, %dma_wait3A_52] : memref<10000x128xf32, #tpu.memory_space<vmem_shared>> -> memref<128x128xf32, #tpu.memory_space<vmem_shared>>
          tpu.wait_dma2 semaphore(%run_scoped3A : memref<!tpu.dma_semaphore, #tpu.memory_space<semaphore_mem>>) src(%dma_wait3A_53 : memref<128x128xf32, #tpu.memory_space<vmem_shared>>) dst(%dma_wait3A_51 : memref<128x128xf32, #tpu.memory_space<hbm>>)
          tpu.yield
        }) : () -> ()
      } else {
      }
      %eq3A = arith.constant 78 : i32
      %eq3A_38 = arith.cmpi eq, %add3A_35, %eq3A : i32
      %convert_element_type3A_39 = arith.extui %eq3A_38 : i1 to i32
      %cond3A_40 = arith.constant 0 : i32
      %cond3A_41 = arith.cmpi ne, %convert_element_type3A_39, %cond3A_40 : i32
      scf.if %cond3A_41 {
        "tpu.region"() ({
          %run_scoped3A = tpu.sem_alloc : memref<!tpu.dma_semaphore, #tpu.memory_space<semaphore_mem>>
          %dma_start3A = arith.constant 9984 : i32
          %dma_start3A_42 = arith.constant 0 : i32
          %dma_start3A_43 = tpu.memref_slice %arg4[%arg0, %dma_start3A, %dma_start3A_42] : memref<2x10000x128xf32, #tpu.memory_space<hbm>> -> memref<1x16x128xf32, #tpu.memory_space<hbm>>
          %dma_start3A_44 = tpu.memref_squeeze %dma_start3A_43 : memref<1x16x128xf32, #tpu.memory_space<hbm>> -> memref<16x128xf32, #tpu.memory_space<hbm>>
          %dma_start3A_45 = arith.constant 9984 : i32
          %dma_start3A_46 = arith.constant 0 : i32
          %dma_start3A_47 = tpu.memref_slice %arg5[%dma_start3A_45, %dma_start3A_46] : memref<10000x128xf32, #tpu.memory_space<vmem_shared>> -> memref<16x128xf32, #tpu.memory_space<vmem_shared>>
          tpu.enqueue_dma source(%dma_start3A_47 : memref<16x128xf32, #tpu.memory_space<vmem_shared>>) target(%dma_start3A_44 : memref<16x128xf32, #tpu.memory_space<hbm>>) target_semaphore(%run_scoped3A : memref<!tpu.dma_semaphore, #tpu.memory_space<semaphore_mem>>)
          %dma_wait3A = arith.constant 9984 : i32
          %dma_wait3A_48 = arith.constant 0 : i32
          %dma_wait3A_49 = tpu.memref_slice %arg4[%arg0, %dma_wait3A, %dma_wait3A_48] : memref<2x10000x128xf32, #tpu.memory_space<hbm>> -> memref<1x16x128xf32, #tpu.memory_space<hbm>>
          %dma_wait3A_50 = tpu.memref_squeeze %dma_wait3A_49 : memref<1x16x128xf32, #tpu.memory_space<hbm>> -> memref<16x128xf32, #tpu.memory_space<hbm>>
          %dma_wait3A_51 = arith.constant 9984 : i32
          %dma_wait3A_52 = arith.constant 0 : i32
          %dma_wait3A_53 = tpu.memref_slice %arg5[%dma_wait3A_51, %dma_wait3A_52] : memref<10000x128xf32, #tpu.memory_space<vmem_shared>> -> memref<16x128xf32, #tpu.memory_space<vmem_shared>>
          tpu.wait_dma2 semaphore(%run_scoped3A : memref<!tpu.dma_semaphore, #tpu.memory_space<semaphore_mem>>) src(%dma_wait3A_53 : memref<16x128xf32, #tpu.memory_space<vmem_shared>>) dst(%dma_wait3A_50 : memref<16x128xf32, #tpu.memory_space<hbm>>)
          tpu.yield
        }) : () -> ()
      } else {
      }
    }
    %scan3A_31 = arith.constant 5 : i32
    return
  }
}

#map = affine_map<(d0, d1) -> (0, 0)>
#map1 = affine_map<(d0, d1) -> (0)>
module attributes {stable_mosaic.version = 14 : i64} {
  func.func @_gather_body(%arg0: i32, %arg1: i32, %arg2: memref<10000x128xf32, #tpu.memory_space<hbm>>, %arg3: memref<10000x128xf32, #tpu.memory_space<hbm>>, %arg4: memref<320000xi32, #tpu.memory_space<hbm>>, %arg5: memref<320000xi32, #tpu.memory_space<hbm>>, %arg6: memref<320000x128xf32, #tpu.memory_space<hbm>>, %arg7: memref<10000x128xf32, #tpu.memory_space<vmem_shared>>, %arg8: memref<5120xi32, #tpu.memory_space<vmem>>, %arg9: memref<5120xi32, #tpu.memory_space<vmem>>, %arg10: memref<128x128xf32, #tpu.memory_space<vmem>>, %arg11: memref<128x128xf32, #tpu.memory_space<vmem>>, %arg12: memref<!tpu.dma_semaphore, #tpu.memory_space<semaphore_mem>>, %arg13: memref<!tpu.dma_semaphore, #tpu.memory_space<semaphore_mem>>, %arg14: memref<!tpu.dma_semaphore, #tpu.memory_space<semaphore_mem>>) attributes {dimension_semantics = [#tpu.dimension_semantics<core_parallel>, #tpu.dimension_semantics<subcore_parallel>], iteration_bounds = array<i64: 2, 16>, scalar_prefetch = 0 : i64, scratch_operands = 8 : i64, tpu.core_type = #tpu.core_type<sc_vector_subcore>, window_params = [{transform_indices = #map}, {transform_indices = #map}, {transform_indices = #map1}, {transform_indices = #map1}, {transform_indices = #map}]} {
    %mul3A = arith.constant 2 : i32
    %mul3A_0 = arith.muli %arg1, %mul3A : i32
    %add3A = arith.addi %mul3A_0, %arg0 : i32
    %mul3A_1 = arith.constant 79 : i32
    %mul3A_2 = arith.muli %add3A, %mul3A_1 : i32
    %min3A = arith.constant 2420 : i32
    %min3A_3 = arith.minsi %mul3A_2, %min3A : i32
    %mul3A_4 = arith.constant 640 : i32
    %mul3A_5 = arith.muli %arg1, %mul3A_4 : i32
    %min3A_6 = arith.constant 9360 : i32
    %min3A_7 = arith.minsi %mul3A_5, %min3A_6 : i32
    %dma_start3A = arith.constant 0 : i32
    %dma_start3A_8 = tpu.memref_slice %arg7[%min3A_7, %dma_start3A] : memref<10000x128xf32, #tpu.memory_space<vmem_shared>> -> memref<640x128xf32, #tpu.memory_space<vmem_shared>>
    %dma_start3A_9 = arith.constant 0 : i32
    %dma_start3A_10 = tpu.memref_slice %arg2[%min3A_7, %dma_start3A_9] : memref<10000x128xf32, #tpu.memory_space<hbm>> -> memref<640x128xf32, #tpu.memory_space<hbm>>
    tpu.enqueue_dma source(%dma_start3A_10 : memref<640x128xf32, #tpu.memory_space<hbm>>) target(%dma_start3A_8 : memref<640x128xf32, #tpu.memory_space<vmem_shared>>) target_semaphore(%arg14 : memref<!tpu.dma_semaphore, #tpu.memory_space<semaphore_mem>>)
    %add3A_11 = arith.constant 0 : i32
    %add3A_12 = arith.addi %min3A_3, %add3A_11 : i32
    %mul3A_13 = arith.constant 128 : i32
    %mul3A_14 = arith.muli %add3A_12, %mul3A_13 : i32
    "tpu.region"() ({
      %run_scoped3A = tpu.sem_alloc : memref<!tpu.dma_semaphore, #tpu.memory_space<semaphore_mem>>
      %dma_start3A_37 = tpu.memref_slice %arg4[%mul3A_14] : memref<320000xi32, #tpu.memory_space<hbm>> -> memref<5120xi32, #tpu.memory_space<hbm>>
      %dma_start3A_38 = tpu.memref_slice %arg4[%mul3A_14] : memref<320000xi32, #tpu.memory_space<hbm>> -> memref<5120xi32, #tpu.memory_space<hbm>>
      tpu.enqueue_dma source(%dma_start3A_38 : memref<5120xi32, #tpu.memory_space<hbm>>) target(%arg8 : memref<5120xi32, #tpu.memory_space<vmem>>) target_semaphore(%run_scoped3A : memref<!tpu.dma_semaphore, #tpu.memory_space<semaphore_mem>>)
      %dma_wait3A_39 = tpu.memref_slice %arg4[%mul3A_14] : memref<320000xi32, #tpu.memory_space<hbm>> -> memref<5120xi32, #tpu.memory_space<hbm>>
      %dma_wait3A_40 = tpu.memref_slice %arg4[%mul3A_14] : memref<320000xi32, #tpu.memory_space<hbm>> -> memref<5120xi32, #tpu.memory_space<hbm>>
      tpu.wait_dma2 semaphore(%run_scoped3A : memref<!tpu.dma_semaphore, #tpu.memory_space<semaphore_mem>>) src(%dma_wait3A_40 : memref<5120xi32, #tpu.memory_space<hbm>>) dst(%arg8 : memref<5120xi32, #tpu.memory_space<vmem>>)
      tpu.yield
    }) : () -> ()
    %mul3A_15 = arith.constant 128 : i32
    %mul3A_16 = arith.muli %add3A_12, %mul3A_15 : i32
    "tpu.region"() ({
      %run_scoped3A = tpu.sem_alloc : memref<!tpu.dma_semaphore, #tpu.memory_space<semaphore_mem>>
      %dma_start3A_37 = tpu.memref_slice %arg5[%mul3A_16] : memref<320000xi32, #tpu.memory_space<hbm>> -> memref<5120xi32, #tpu.memory_space<hbm>>
      %dma_start3A_38 = tpu.memref_slice %arg5[%mul3A_16] : memref<320000xi32, #tpu.memory_space<hbm>> -> memref<5120xi32, #tpu.memory_space<hbm>>
      tpu.enqueue_dma source(%dma_start3A_38 : memref<5120xi32, #tpu.memory_space<hbm>>) target(%arg9 : memref<5120xi32, #tpu.memory_space<vmem>>) target_semaphore(%run_scoped3A : memref<!tpu.dma_semaphore, #tpu.memory_space<semaphore_mem>>)
      %dma_wait3A_39 = tpu.memref_slice %arg5[%mul3A_16] : memref<320000xi32, #tpu.memory_space<hbm>> -> memref<5120xi32, #tpu.memory_space<hbm>>
      %dma_wait3A_40 = tpu.memref_slice %arg5[%mul3A_16] : memref<320000xi32, #tpu.memory_space<hbm>> -> memref<5120xi32, #tpu.memory_space<hbm>>
      tpu.wait_dma2 semaphore(%run_scoped3A : memref<!tpu.dma_semaphore, #tpu.memory_space<semaphore_mem>>) src(%dma_wait3A_40 : memref<5120xi32, #tpu.memory_space<hbm>>) dst(%arg9 : memref<5120xi32, #tpu.memory_space<vmem>>)
      tpu.yield
    }) : () -> ()
    %dma_wait3A = arith.constant 0 : i32
    %dma_wait3A_17 = tpu.memref_slice %arg7[%min3A_7, %dma_wait3A] : memref<10000x128xf32, #tpu.memory_space<vmem_shared>> -> memref<640x128xf32, #tpu.memory_space<vmem_shared>>
    %dma_wait3A_18 = arith.constant 0 : i32
    %dma_wait3A_19 = tpu.memref_slice %arg2[%min3A_7, %dma_wait3A_18] : memref<10000x128xf32, #tpu.memory_space<hbm>> -> memref<640x128xf32, #tpu.memory_space<hbm>>
    tpu.wait_dma2 semaphore(%arg14 : memref<!tpu.dma_semaphore, #tpu.memory_space<semaphore_mem>>) src(%dma_wait3A_19 : memref<640x128xf32, #tpu.memory_space<hbm>>) dst(%dma_wait3A_17 : memref<640x128xf32, #tpu.memory_space<vmem_shared>>)
    %barrier3A = arith.constant 0 : index
    tpu.barrier barrier_id(%barrier3A)
    %scan3A = arith.constant 0 : i32
    %scan3A_20 = arith.constant 0 : i32
    %scan3A_21 = arith.constant 20 : i32
    %scan3A_22 = arith.addi %scan3A_20, %scan3A_21 : i32
    %scan3A_23 = arith.constant 1 : i32
    scf.for %scan3A_37 = %scan3A_20 to %scan3A_22 step %scan3A_23  : i32 {
      %mul3A_38 = arith.constant 2 : i32
      %mul3A_39 = arith.muli %scan3A_37, %mul3A_38 : i32
      %add3A_40 = arith.constant 0 : i32
      %add3A_41 = arith.addi %mul3A_39, %add3A_40 : i32
      %mul3A_42 = arith.constant 128 : i32
      %mul3A_43 = arith.muli %add3A_41, %mul3A_42 : i32
      %mul3A_44 = arith.constant 128 : i32
      %mul3A_45 = arith.muli %add3A_41, %mul3A_44 : i32
      "tpu.region"() ({
        %run_scoped3A = tpu.sem_alloc : memref<!tpu.dma_semaphore, #tpu.memory_space<semaphore_mem>>
        %dma_start3A_85 = tpu.memref_slice %arg8[%mul3A_43] : memref<5120xi32, #tpu.memory_space<vmem>> -> memref<128xi32, #tpu.memory_space<vmem>>
        %dma_start3A_86 = arith.constant 0 : i32
        %dma_start3A_87 = arith.constant 0 : i32
        %dma_start3A_88 = tpu.memref_slice %arg7[%dma_start3A_86, %dma_start3A_87] : memref<10000x128xf32, #tpu.memory_space<vmem_shared>> -> memref<10000x128xf32, #tpu.memory_space<vmem_shared>>
        tpu.enqueue_indirect_dma source(%dma_start3A_88 : memref<10000x128xf32, #tpu.memory_space<vmem_shared>>) target(%arg10 : memref<128x128xf32, #tpu.memory_space<vmem>>) offsets(%dma_start3A_85 : memref<128xi32, #tpu.memory_space<vmem>>) semaphore(%run_scoped3A : memref<!tpu.dma_semaphore, #tpu.memory_space<semaphore_mem>>)
        %dma_wait3A_89 = tpu.memref_slice %arg8[%mul3A_43] : memref<5120xi32, #tpu.memory_space<vmem>> -> memref<128xi32, #tpu.memory_space<vmem>>
        %dma_wait3A_90 = arith.constant 0 : i32
        %dma_wait3A_91 = arith.constant 0 : i32
        %dma_wait3A_92 = tpu.memref_slice %arg7[%dma_wait3A_90, %dma_wait3A_91] : memref<10000x128xf32, #tpu.memory_space<vmem_shared>> -> memref<10000x128xf32, #tpu.memory_space<vmem_shared>>
        tpu.wait_indirect_dma semaphore(%run_scoped3A : memref<!tpu.dma_semaphore, #tpu.memory_space<semaphore_mem>>) src(%dma_wait3A_92 : memref<10000x128xf32, #tpu.memory_space<vmem_shared>>) dst(%arg10 : memref<128x128xf32, #tpu.memory_space<vmem>>)
        tpu.yield
      }) : () -> ()
      %dma_start3A_46 = tpu.memref_slice %arg9[%mul3A_45] : memref<5120xi32, #tpu.memory_space<vmem>> -> memref<128xi32, #tpu.memory_space<vmem>>
      %dma_start3A_47 = arith.constant 0 : i32
      %dma_start3A_48 = arith.constant 0 : i32
      %dma_start3A_49 = tpu.memref_slice %arg3[%dma_start3A_47, %dma_start3A_48] : memref<10000x128xf32, #tpu.memory_space<hbm>> -> memref<10000x128xf32, #tpu.memory_space<hbm>>
      tpu.enqueue_indirect_dma source(%dma_start3A_49 : memref<10000x128xf32, #tpu.memory_space<hbm>>) target(%arg10 : memref<128x128xf32, #tpu.memory_space<vmem>>) offsets(%dma_start3A_46 : memref<128xi32, #tpu.memory_space<vmem>>) semaphore(%arg12 : memref<!tpu.dma_semaphore, #tpu.memory_space<semaphore_mem>>) {add = true}
      %mul3A_50 = arith.constant 2 : i32
      %mul3A_51 = arith.muli %scan3A_37, %mul3A_50 : i32
      %add3A_52 = arith.constant 1 : i32
      %add3A_53 = arith.addi %mul3A_51, %add3A_52 : i32
      %mul3A_54 = arith.constant 128 : i32
      %mul3A_55 = arith.muli %add3A_53, %mul3A_54 : i32
      %mul3A_56 = arith.constant 128 : i32
      %mul3A_57 = arith.muli %add3A_53, %mul3A_56 : i32
      "tpu.region"() ({
        %run_scoped3A = tpu.sem_alloc : memref<!tpu.dma_semaphore, #tpu.memory_space<semaphore_mem>>
        %dma_start3A_85 = tpu.memref_slice %arg8[%mul3A_55] : memref<5120xi32, #tpu.memory_space<vmem>> -> memref<128xi32, #tpu.memory_space<vmem>>
        %dma_start3A_86 = arith.constant 0 : i32
        %dma_start3A_87 = arith.constant 0 : i32
        %dma_start3A_88 = tpu.memref_slice %arg7[%dma_start3A_86, %dma_start3A_87] : memref<10000x128xf32, #tpu.memory_space<vmem_shared>> -> memref<10000x128xf32, #tpu.memory_space<vmem_shared>>
        tpu.enqueue_indirect_dma source(%dma_start3A_88 : memref<10000x128xf32, #tpu.memory_space<vmem_shared>>) target(%arg11 : memref<128x128xf32, #tpu.memory_space<vmem>>) offsets(%dma_start3A_85 : memref<128xi32, #tpu.memory_space<vmem>>) semaphore(%run_scoped3A : memref<!tpu.dma_semaphore, #tpu.memory_space<semaphore_mem>>)
        %dma_wait3A_89 = tpu.memref_slice %arg8[%mul3A_55] : memref<5120xi32, #tpu.memory_space<vmem>> -> memref<128xi32, #tpu.memory_space<vmem>>
        %dma_wait3A_90 = arith.constant 0 : i32
        %dma_wait3A_91 = arith.constant 0 : i32
        %dma_wait3A_92 = tpu.memref_slice %arg7[%dma_wait3A_90, %dma_wait3A_91] : memref<10000x128xf32, #tpu.memory_space<vmem_shared>> -> memref<10000x128xf32, #tpu.memory_space<vmem_shared>>
        tpu.wait_indirect_dma semaphore(%run_scoped3A : memref<!tpu.dma_semaphore, #tpu.memory_space<semaphore_mem>>) src(%dma_wait3A_92 : memref<10000x128xf32, #tpu.memory_space<vmem_shared>>) dst(%arg11 : memref<128x128xf32, #tpu.memory_space<vmem>>)
        tpu.yield
      }) : () -> ()
      %dma_start3A_58 = tpu.memref_slice %arg9[%mul3A_57] : memref<5120xi32, #tpu.memory_space<vmem>> -> memref<128xi32, #tpu.memory_space<vmem>>
      %dma_start3A_59 = arith.constant 0 : i32
      %dma_start3A_60 = arith.constant 0 : i32
      %dma_start3A_61 = tpu.memref_slice %arg3[%dma_start3A_59, %dma_start3A_60] : memref<10000x128xf32, #tpu.memory_space<hbm>> -> memref<10000x128xf32, #tpu.memory_space<hbm>>
      tpu.enqueue_indirect_dma source(%dma_start3A_61 : memref<10000x128xf32, #tpu.memory_space<hbm>>) target(%arg11 : memref<128x128xf32, #tpu.memory_space<vmem>>) offsets(%dma_start3A_58 : memref<128xi32, #tpu.memory_space<vmem>>) semaphore(%arg13 : memref<!tpu.dma_semaphore, #tpu.memory_space<semaphore_mem>>) {add = true}
      %dma_wait3A_62 = tpu.memref_slice %arg9[%mul3A_45] : memref<5120xi32, #tpu.memory_space<vmem>> -> memref<128xi32, #tpu.memory_space<vmem>>
      %dma_wait3A_63 = arith.constant 0 : i32
      %dma_wait3A_64 = arith.constant 0 : i32
      %dma_wait3A_65 = tpu.memref_slice %arg3[%dma_wait3A_63, %dma_wait3A_64] : memref<10000x128xf32, #tpu.memory_space<hbm>> -> memref<10000x128xf32, #tpu.memory_space<hbm>>
      tpu.wait_indirect_dma semaphore(%arg12 : memref<!tpu.dma_semaphore, #tpu.memory_space<semaphore_mem>>) src(%dma_wait3A_65 : memref<10000x128xf32, #tpu.memory_space<hbm>>) dst(%arg10 : memref<128x128xf32, #tpu.memory_space<vmem>>)
      %mul3A_66 = arith.constant 2 : i32
      %mul3A_67 = arith.muli %scan3A_37, %mul3A_66 : i32
      %add3A_68 = arith.addi %add3A_12, %mul3A_67 : i32
      %mul3A_69 = arith.constant 128 : i32
      %mul3A_70 = arith.muli %add3A_68, %mul3A_69 : i32
      %dma_start3A_71 = arith.constant 0 : i32
      %dma_start3A_72 = tpu.memref_slice %arg6[%mul3A_70, %dma_start3A_71] : memref<320000x128xf32, #tpu.memory_space<hbm>> -> memref<128x128xf32, #tpu.memory_space<hbm>>
      %dma_start3A_73 = arith.constant 0 : i32
      %dma_start3A_74 = tpu.memref_slice %arg6[%mul3A_70, %dma_start3A_73] : memref<320000x128xf32, #tpu.memory_space<hbm>> -> memref<128x128xf32, #tpu.memory_space<hbm>>
      tpu.enqueue_dma source(%arg10 : memref<128x128xf32, #tpu.memory_space<vmem>>) target(%dma_start3A_74 : memref<128x128xf32, #tpu.memory_space<hbm>>) target_semaphore(%arg14 : memref<!tpu.dma_semaphore, #tpu.memory_space<semaphore_mem>>)
      %dma_wait3A_75 = tpu.memref_slice %arg9[%mul3A_57] : memref<5120xi32, #tpu.memory_space<vmem>> -> memref<128xi32, #tpu.memory_space<vmem>>
      %dma_wait3A_76 = arith.constant 0 : i32
      %dma_wait3A_77 = arith.constant 0 : i32
      %dma_wait3A_78 = tpu.memref_slice %arg3[%dma_wait3A_76, %dma_wait3A_77] : memref<10000x128xf32, #tpu.memory_space<hbm>> -> memref<10000x128xf32, #tpu.memory_space<hbm>>
      tpu.wait_indirect_dma semaphore(%arg13 : memref<!tpu.dma_semaphore, #tpu.memory_space<semaphore_mem>>) src(%dma_wait3A_78 : memref<10000x128xf32, #tpu.memory_space<hbm>>) dst(%arg11 : memref<128x128xf32, #tpu.memory_space<vmem>>)
      %add3A_79 = arith.constant 128 : i32
      %add3A_80 = arith.addi %mul3A_70, %add3A_79 : i32
      "tpu.region"() ({
        %run_scoped3A = tpu.sem_alloc : memref<!tpu.dma_semaphore, #tpu.memory_space<semaphore_mem>>
        %dma_start3A_85 = arith.constant 0 : i32
        %dma_start3A_86 = tpu.memref_slice %arg6[%add3A_80, %dma_start3A_85] : memref<320000x128xf32, #tpu.memory_space<hbm>> -> memref<128x128xf32, #tpu.memory_space<hbm>>
        %dma_start3A_87 = arith.constant 0 : i32
        %dma_start3A_88 = tpu.memref_slice %arg6[%add3A_80, %dma_start3A_87] : memref<320000x128xf32, #tpu.memory_space<hbm>> -> memref<128x128xf32, #tpu.memory_space<hbm>>
        tpu.enqueue_dma source(%arg11 : memref<128x128xf32, #tpu.memory_space<vmem>>) target(%dma_start3A_88 : memref<128x128xf32, #tpu.memory_space<hbm>>) target_semaphore(%run_scoped3A : memref<!tpu.dma_semaphore, #tpu.memory_space<semaphore_mem>>)
        %dma_wait3A_89 = arith.constant 0 : i32
        %dma_wait3A_90 = tpu.memref_slice %arg6[%add3A_80, %dma_wait3A_89] : memref<320000x128xf32, #tpu.memory_space<hbm>> -> memref<128x128xf32, #tpu.memory_space<hbm>>
        %dma_wait3A_91 = arith.constant 0 : i32
        %dma_wait3A_92 = tpu.memref_slice %arg6[%add3A_80, %dma_wait3A_91] : memref<320000x128xf32, #tpu.memory_space<hbm>> -> memref<128x128xf32, #tpu.memory_space<hbm>>
        tpu.wait_dma2 semaphore(%run_scoped3A : memref<!tpu.dma_semaphore, #tpu.memory_space<semaphore_mem>>) src(%arg11 : memref<128x128xf32, #tpu.memory_space<vmem>>) dst(%dma_wait3A_92 : memref<128x128xf32, #tpu.memory_space<hbm>>)
        tpu.yield
      }) : () -> ()
      %dma_wait3A_81 = arith.constant 0 : i32
      %dma_wait3A_82 = tpu.memref_slice %arg6[%mul3A_70, %dma_wait3A_81] : memref<320000x128xf32, #tpu.memory_space<hbm>> -> memref<128x128xf32, #tpu.memory_space<hbm>>
      %dma_wait3A_83 = arith.constant 0 : i32
      %dma_wait3A_84 = tpu.memref_slice %arg6[%mul3A_70, %dma_wait3A_83] : memref<320000x128xf32, #tpu.memory_space<hbm>> -> memref<128x128xf32, #tpu.memory_space<hbm>>
      tpu.wait_dma2 semaphore(%arg14 : memref<!tpu.dma_semaphore, #tpu.memory_space<semaphore_mem>>) src(%arg10 : memref<128x128xf32, #tpu.memory_space<vmem>>) dst(%dma_wait3A_84 : memref<128x128xf32, #tpu.memory_space<hbm>>)
    }
    %scan3A_24 = arith.constant 20 : i32
    %add3A_25 = arith.constant 40 : i32
    %add3A_26 = arith.addi %min3A_3, %add3A_25 : i32
    %mul3A_27 = arith.constant 128 : i32
    %mul3A_28 = arith.muli %add3A_26, %mul3A_27 : i32
    "tpu.region"() ({
      %run_scoped3A = tpu.sem_alloc : memref<!tpu.dma_semaphore, #tpu.memory_space<semaphore_mem>>
      %dma_start3A_37 = tpu.memref_slice %arg4[%mul3A_28] : memref<320000xi32, #tpu.memory_space<hbm>> -> memref<5120xi32, #tpu.memory_space<hbm>>
      %dma_start3A_38 = tpu.memref_slice %arg4[%mul3A_28] : memref<320000xi32, #tpu.memory_space<hbm>> -> memref<5120xi32, #tpu.memory_space<hbm>>
      tpu.enqueue_dma source(%dma_start3A_38 : memref<5120xi32, #tpu.memory_space<hbm>>) target(%arg8 : memref<5120xi32, #tpu.memory_space<vmem>>) target_semaphore(%run_scoped3A : memref<!tpu.dma_semaphore, #tpu.memory_space<semaphore_mem>>)
      %dma_wait3A_39 = tpu.memref_slice %arg4[%mul3A_28] : memref<320000xi32, #tpu.memory_space<hbm>> -> memref<5120xi32, #tpu.memory_space<hbm>>
      %dma_wait3A_40 = tpu.memref_slice %arg4[%mul3A_28] : memref<320000xi32, #tpu.memory_space<hbm>> -> memref<5120xi32, #tpu.memory_space<hbm>>
      tpu.wait_dma2 semaphore(%run_scoped3A : memref<!tpu.dma_semaphore, #tpu.memory_space<semaphore_mem>>) src(%dma_wait3A_40 : memref<5120xi32, #tpu.memory_space<hbm>>) dst(%arg8 : memref<5120xi32, #tpu.memory_space<vmem>>)
      tpu.yield
    }) : () -> ()
    %mul3A_29 = arith.constant 128 : i32
    %mul3A_30 = arith.muli %add3A_26, %mul3A_29 : i32
    "tpu.region"() ({
      %run_scoped3A = tpu.sem_alloc : memref<!tpu.dma_semaphore, #tpu.memory_space<semaphore_mem>>
      %dma_start3A_37 = tpu.memref_slice %arg5[%mul3A_30] : memref<320000xi32, #tpu.memory_space<hbm>> -> memref<5120xi32, #tpu.memory_space<hbm>>
      %dma_start3A_38 = tpu.memref_slice %arg5[%mul3A_30] : memref<320000xi32, #tpu.memory_space<hbm>> -> memref<5120xi32, #tpu.memory_space<hbm>>
      tpu.enqueue_dma source(%dma_start3A_38 : memref<5120xi32, #tpu.memory_space<hbm>>) target(%arg9 : memref<5120xi32, #tpu.memory_space<vmem>>) target_semaphore(%run_scoped3A : memref<!tpu.dma_semaphore, #tpu.memory_space<semaphore_mem>>)
      %dma_wait3A_39 = tpu.memref_slice %arg5[%mul3A_30] : memref<320000xi32, #tpu.memory_space<hbm>> -> memref<5120xi32, #tpu.memory_space<hbm>>
      %dma_wait3A_40 = tpu.memref_slice %arg5[%mul3A_30] : memref<320000xi32, #tpu.memory_space<hbm>> -> memref<5120xi32, #tpu.memory_space<hbm>>
      tpu.wait_dma2 semaphore(%run_scoped3A : memref<!tpu.dma_semaphore, #tpu.memory_space<semaphore_mem>>) src(%dma_wait3A_40 : memref<5120xi32, #tpu.memory_space<hbm>>) dst(%arg9 : memref<5120xi32, #tpu.memory_space<vmem>>)
      tpu.yield
    }) : () -> ()
    %scan3A_31 = arith.constant 0 : i32
    %scan3A_32 = arith.constant 0 : i32
    %scan3A_33 = arith.constant 20 : i32
    %scan3A_34 = arith.addi %scan3A_32, %scan3A_33 : i32
    %scan3A_35 = arith.constant 1 : i32
    scf.for %scan3A_37 = %scan3A_32 to %scan3A_34 step %scan3A_35  : i32 {
      %mul3A_38 = arith.constant 2 : i32
      %mul3A_39 = arith.muli %scan3A_37, %mul3A_38 : i32
      %add3A_40 = arith.constant 0 : i32
      %add3A_41 = arith.addi %mul3A_39, %add3A_40 : i32
      %mul3A_42 = arith.constant 128 : i32
      %mul3A_43 = arith.muli %add3A_41, %mul3A_42 : i32
      %mul3A_44 = arith.constant 128 : i32
      %mul3A_45 = arith.muli %add3A_41, %mul3A_44 : i32
      "tpu.region"() ({
        %run_scoped3A = tpu.sem_alloc : memref<!tpu.dma_semaphore, #tpu.memory_space<semaphore_mem>>
        %dma_start3A_85 = tpu.memref_slice %arg8[%mul3A_43] : memref<5120xi32, #tpu.memory_space<vmem>> -> memref<128xi32, #tpu.memory_space<vmem>>
        %dma_start3A_86 = arith.constant 0 : i32
        %dma_start3A_87 = arith.constant 0 : i32
        %dma_start3A_88 = tpu.memref_slice %arg7[%dma_start3A_86, %dma_start3A_87] : memref<10000x128xf32, #tpu.memory_space<vmem_shared>> -> memref<10000x128xf32, #tpu.memory_space<vmem_shared>>
        tpu.enqueue_indirect_dma source(%dma_start3A_88 : memref<10000x128xf32, #tpu.memory_space<vmem_shared>>) target(%arg10 : memref<128x128xf32, #tpu.memory_space<vmem>>) offsets(%dma_start3A_85 : memref<128xi32, #tpu.memory_space<vmem>>) semaphore(%run_scoped3A : memref<!tpu.dma_semaphore, #tpu.memory_space<semaphore_mem>>)
        %dma_wait3A_89 = tpu.memref_slice %arg8[%mul3A_43] : memref<5120xi32, #tpu.memory_space<vmem>> -> memref<128xi32, #tpu.memory_space<vmem>>
        %dma_wait3A_90 = arith.constant 0 : i32
        %dma_wait3A_91 = arith.constant 0 : i32
        %dma_wait3A_92 = tpu.memref_slice %arg7[%dma_wait3A_90, %dma_wait3A_91] : memref<10000x128xf32, #tpu.memory_space<vmem_shared>> -> memref<10000x128xf32, #tpu.memory_space<vmem_shared>>
        tpu.wait_indirect_dma semaphore(%run_scoped3A : memref<!tpu.dma_semaphore, #tpu.memory_space<semaphore_mem>>) src(%dma_wait3A_92 : memref<10000x128xf32, #tpu.memory_space<vmem_shared>>) dst(%arg10 : memref<128x128xf32, #tpu.memory_space<vmem>>)
        tpu.yield
      }) : () -> ()
      %dma_start3A_46 = tpu.memref_slice %arg9[%mul3A_45] : memref<5120xi32, #tpu.memory_space<vmem>> -> memref<128xi32, #tpu.memory_space<vmem>>
      %dma_start3A_47 = arith.constant 0 : i32
      %dma_start3A_48 = arith.constant 0 : i32
      %dma_start3A_49 = tpu.memref_slice %arg3[%dma_start3A_47, %dma_start3A_48] : memref<10000x128xf32, #tpu.memory_space<hbm>> -> memref<10000x128xf32, #tpu.memory_space<hbm>>
      tpu.enqueue_indirect_dma source(%dma_start3A_49 : memref<10000x128xf32, #tpu.memory_space<hbm>>) target(%arg10 : memref<128x128xf32, #tpu.memory_space<vmem>>) offsets(%dma_start3A_46 : memref<128xi32, #tpu.memory_space<vmem>>) semaphore(%arg12 : memref<!tpu.dma_semaphore, #tpu.memory_space<semaphore_mem>>) {add = true}
      %mul3A_50 = arith.constant 2 : i32
      %mul3A_51 = arith.muli %scan3A_37, %mul3A_50 : i32
      %add3A_52 = arith.constant 1 : i32
      %add3A_53 = arith.addi %mul3A_51, %add3A_52 : i32
      %mul3A_54 = arith.constant 128 : i32
      %mul3A_55 = arith.muli %add3A_53, %mul3A_54 : i32
      %mul3A_56 = arith.constant 128 : i32
      %mul3A_57 = arith.muli %add3A_53, %mul3A_56 : i32
      "tpu.region"() ({
        %run_scoped3A = tpu.sem_alloc : memref<!tpu.dma_semaphore, #tpu.memory_space<semaphore_mem>>
        %dma_start3A_85 = tpu.memref_slice %arg8[%mul3A_55] : memref<5120xi32, #tpu.memory_space<vmem>> -> memref<128xi32, #tpu.memory_space<vmem>>
        %dma_start3A_86 = arith.constant 0 : i32
        %dma_start3A_87 = arith.constant 0 : i32
        %dma_start3A_88 = tpu.memref_slice %arg7[%dma_start3A_86, %dma_start3A_87] : memref<10000x128xf32, #tpu.memory_space<vmem_shared>> -> memref<10000x128xf32, #tpu.memory_space<vmem_shared>>
        tpu.enqueue_indirect_dma source(%dma_start3A_88 : memref<10000x128xf32, #tpu.memory_space<vmem_shared>>) target(%arg11 : memref<128x128xf32, #tpu.memory_space<vmem>>) offsets(%dma_start3A_85 : memref<128xi32, #tpu.memory_space<vmem>>) semaphore(%run_scoped3A : memref<!tpu.dma_semaphore, #tpu.memory_space<semaphore_mem>>)
        %dma_wait3A_89 = tpu.memref_slice %arg8[%mul3A_55] : memref<5120xi32, #tpu.memory_space<vmem>> -> memref<128xi32, #tpu.memory_space<vmem>>
        %dma_wait3A_90 = arith.constant 0 : i32
        %dma_wait3A_91 = arith.constant 0 : i32
        %dma_wait3A_92 = tpu.memref_slice %arg7[%dma_wait3A_90, %dma_wait3A_91] : memref<10000x128xf32, #tpu.memory_space<vmem_shared>> -> memref<10000x128xf32, #tpu.memory_space<vmem_shared>>
        tpu.wait_indirect_dma semaphore(%run_scoped3A : memref<!tpu.dma_semaphore, #tpu.memory_space<semaphore_mem>>) src(%dma_wait3A_92 : memref<10000x128xf32, #tpu.memory_space<vmem_shared>>) dst(%arg11 : memref<128x128xf32, #tpu.memory_space<vmem>>)
        tpu.yield
      }) : () -> ()
      %dma_start3A_58 = tpu.memref_slice %arg9[%mul3A_57] : memref<5120xi32, #tpu.memory_space<vmem>> -> memref<128xi32, #tpu.memory_space<vmem>>
      %dma_start3A_59 = arith.constant 0 : i32
      %dma_start3A_60 = arith.constant 0 : i32
      %dma_start3A_61 = tpu.memref_slice %arg3[%dma_start3A_59, %dma_start3A_60] : memref<10000x128xf32, #tpu.memory_space<hbm>> -> memref<10000x128xf32, #tpu.memory_space<hbm>>
      tpu.enqueue_indirect_dma source(%dma_start3A_61 : memref<10000x128xf32, #tpu.memory_space<hbm>>) target(%arg11 : memref<128x128xf32, #tpu.memory_space<vmem>>) offsets(%dma_start3A_58 : memref<128xi32, #tpu.memory_space<vmem>>) semaphore(%arg13 : memref<!tpu.dma_semaphore, #tpu.memory_space<semaphore_mem>>) {add = true}
      %dma_wait3A_62 = tpu.memref_slice %arg9[%mul3A_45] : memref<5120xi32, #tpu.memory_space<vmem>> -> memref<128xi32, #tpu.memory_space<vmem>>
      %dma_wait3A_63 = arith.constant 0 : i32
      %dma_wait3A_64 = arith.constant 0 : i32
      %dma_wait3A_65 = tpu.memref_slice %arg3[%dma_wait3A_63, %dma_wait3A_64] : memref<10000x128xf32, #tpu.memory_space<hbm>> -> memref<10000x128xf32, #tpu.memory_space<hbm>>
      tpu.wait_indirect_dma semaphore(%arg12 : memref<!tpu.dma_semaphore, #tpu.memory_space<semaphore_mem>>) src(%dma_wait3A_65 : memref<10000x128xf32, #tpu.memory_space<hbm>>) dst(%arg10 : memref<128x128xf32, #tpu.memory_space<vmem>>)
      %mul3A_66 = arith.constant 2 : i32
      %mul3A_67 = arith.muli %scan3A_37, %mul3A_66 : i32
      %add3A_68 = arith.addi %add3A_26, %mul3A_67 : i32
      %mul3A_69 = arith.constant 128 : i32
      %mul3A_70 = arith.muli %add3A_68, %mul3A_69 : i32
      %dma_start3A_71 = arith.constant 0 : i32
      %dma_start3A_72 = tpu.memref_slice %arg6[%mul3A_70, %dma_start3A_71] : memref<320000x128xf32, #tpu.memory_space<hbm>> -> memref<128x128xf32, #tpu.memory_space<hbm>>
      %dma_start3A_73 = arith.constant 0 : i32
      %dma_start3A_74 = tpu.memref_slice %arg6[%mul3A_70, %dma_start3A_73] : memref<320000x128xf32, #tpu.memory_space<hbm>> -> memref<128x128xf32, #tpu.memory_space<hbm>>
      tpu.enqueue_dma source(%arg10 : memref<128x128xf32, #tpu.memory_space<vmem>>) target(%dma_start3A_74 : memref<128x128xf32, #tpu.memory_space<hbm>>) target_semaphore(%arg14 : memref<!tpu.dma_semaphore, #tpu.memory_space<semaphore_mem>>)
      %dma_wait3A_75 = tpu.memref_slice %arg9[%mul3A_57] : memref<5120xi32, #tpu.memory_space<vmem>> -> memref<128xi32, #tpu.memory_space<vmem>>
      %dma_wait3A_76 = arith.constant 0 : i32
      %dma_wait3A_77 = arith.constant 0 : i32
      %dma_wait3A_78 = tpu.memref_slice %arg3[%dma_wait3A_76, %dma_wait3A_77] : memref<10000x128xf32, #tpu.memory_space<hbm>> -> memref<10000x128xf32, #tpu.memory_space<hbm>>
      tpu.wait_indirect_dma semaphore(%arg13 : memref<!tpu.dma_semaphore, #tpu.memory_space<semaphore_mem>>) src(%dma_wait3A_78 : memref<10000x128xf32, #tpu.memory_space<hbm>>) dst(%arg11 : memref<128x128xf32, #tpu.memory_space<vmem>>)
      %add3A_79 = arith.constant 128 : i32
      %add3A_80 = arith.addi %mul3A_70, %add3A_79 : i32
      "tpu.region"() ({
        %run_scoped3A = tpu.sem_alloc : memref<!tpu.dma_semaphore, #tpu.memory_space<semaphore_mem>>
        %dma_start3A_85 = arith.constant 0 : i32
        %dma_start3A_86 = tpu.memref_slice %arg6[%add3A_80, %dma_start3A_85] : memref<320000x128xf32, #tpu.memory_space<hbm>> -> memref<128x128xf32, #tpu.memory_space<hbm>>
        %dma_start3A_87 = arith.constant 0 : i32
        %dma_start3A_88 = tpu.memref_slice %arg6[%add3A_80, %dma_start3A_87] : memref<320000x128xf32, #tpu.memory_space<hbm>> -> memref<128x128xf32, #tpu.memory_space<hbm>>
        tpu.enqueue_dma source(%arg11 : memref<128x128xf32, #tpu.memory_space<vmem>>) target(%dma_start3A_88 : memref<128x128xf32, #tpu.memory_space<hbm>>) target_semaphore(%run_scoped3A : memref<!tpu.dma_semaphore, #tpu.memory_space<semaphore_mem>>)
        %dma_wait3A_89 = arith.constant 0 : i32
        %dma_wait3A_90 = tpu.memref_slice %arg6[%add3A_80, %dma_wait3A_89] : memref<320000x128xf32, #tpu.memory_space<hbm>> -> memref<128x128xf32, #tpu.memory_space<hbm>>
        %dma_wait3A_91 = arith.constant 0 : i32
        %dma_wait3A_92 = tpu.memref_slice %arg6[%add3A_80, %dma_wait3A_91] : memref<320000x128xf32, #tpu.memory_space<hbm>> -> memref<128x128xf32, #tpu.memory_space<hbm>>
        tpu.wait_dma2 semaphore(%run_scoped3A : memref<!tpu.dma_semaphore, #tpu.memory_space<semaphore_mem>>) src(%arg11 : memref<128x128xf32, #tpu.memory_space<vmem>>) dst(%dma_wait3A_92 : memref<128x128xf32, #tpu.memory_space<hbm>>)
        tpu.yield
      }) : () -> ()
      %dma_wait3A_81 = arith.constant 0 : i32
      %dma_wait3A_82 = tpu.memref_slice %arg6[%mul3A_70, %dma_wait3A_81] : memref<320000x128xf32, #tpu.memory_space<hbm>> -> memref<128x128xf32, #tpu.memory_space<hbm>>
      %dma_wait3A_83 = arith.constant 0 : i32
      %dma_wait3A_84 = tpu.memref_slice %arg6[%mul3A_70, %dma_wait3A_83] : memref<320000x128xf32, #tpu.memory_space<hbm>> -> memref<128x128xf32, #tpu.memory_space<hbm>>
      tpu.wait_dma2 semaphore(%arg14 : memref<!tpu.dma_semaphore, #tpu.memory_space<semaphore_mem>>) src(%arg10 : memref<128x128xf32, #tpu.memory_space<vmem>>) dst(%dma_wait3A_84 : memref<128x128xf32, #tpu.memory_space<hbm>>)
    }
    %scan3A_36 = arith.constant 20 : i32
    return
  }
}

module attributes {stable_mosaic.version = 14 : i64} {
  func.func @_pre_body(%arg0: memref<10000x128xf32, #tpu.memory_space<vmem>>, %arg1: memref<128x128xf32, #tpu.memory_space<vmem>>, %arg2: memref<128x128xf32, #tpu.memory_space<vmem>>, %arg3: memref<1x128xf32, #tpu.memory_space<vmem>>, %arg4: memref<10000x128xf32, #tpu.memory_space<vmem>>, %arg5: memref<10000x128xf32, #tpu.memory_space<vmem>>) attributes {dimension_semantics = [], scalar_prefetch = 0 : i64, scratch_operands = 0 : i64, tpu.core_type = #tpu.core_type<tc>} {
    %get3A = arith.constant 0 : index
    %get3A_0 = arith.constant 0 : index
    %get3A_1 = vector.load %arg0[%get3A, %get3A_0] : memref<10000x128xf32, #tpu.memory_space<vmem>>, vector<10000x128xf32>
    %convert_element_type3A = arith.truncf %get3A_1 : vector<10000x128xf32> to vector<10000x128xbf16>
    %get3A_2 = arith.constant 0 : index
    %get3A_3 = arith.constant 0 : index
    %get3A_4 = vector.load %arg1[%get3A_2, %get3A_3] : memref<128x128xf32, #tpu.memory_space<vmem>>, vector<128x128xf32>
    %convert_element_type3A_5 = arith.truncf %get3A_4 : vector<128x128xf32> to vector<128x128xbf16>
    %dot_general3A = arith.constant dense<0.000000e+00> : vector<10000x128xf32>
    %dot_general3A_6 = tpu.matmul %convert_element_type3A, %convert_element_type3A_5, %dot_general3A {dimension_numbers = #tpu.dot_dimension_numbers<[1], [0], [0], [1], [0, 0, 1, 1], [], []>, transpose_lhs_hint = false} : vector<10000x128xbf16>, vector<128x128xbf16>, vector<10000x128xf32> -> vector<10000x128xf32>
    %swap3A = arith.constant 0 : index
    %swap3A_7 = arith.constant 0 : index
    %swap3A_8 = vector.load %arg4[%swap3A, %swap3A_7] : memref<10000x128xf32, #tpu.memory_space<vmem>>, vector<10000x128xf32>
    tpu.vector_store %arg4[%swap3A, %swap3A_7], %dot_general3A_6 {strides = array<i32>} : memref<10000x128xf32, #tpu.memory_space<vmem>>, vector<10000x128xf32>,
    %get3A_9 = arith.constant 0 : index
    %get3A_10 = arith.constant 0 : index
    %get3A_11 = vector.load %arg2[%get3A_9, %get3A_10] : memref<128x128xf32, #tpu.memory_space<vmem>>, vector<128x128xf32>
    %convert_element_type3A_12 = arith.truncf %get3A_11 : vector<128x128xf32> to vector<128x128xbf16>
    %dot_general3A_13 = arith.constant dense<0.000000e+00> : vector<10000x128xf32>
    %dot_general3A_14 = tpu.matmul %convert_element_type3A, %convert_element_type3A_12, %dot_general3A_13 {dimension_numbers = #tpu.dot_dimension_numbers<[1], [0], [0], [1], [0, 0, 1, 1], [], []>, transpose_lhs_hint = false} : vector<10000x128xbf16>, vector<128x128xbf16>, vector<10000x128xf32> -> vector<10000x128xf32>
    %get3A_15 = arith.constant 0 : index
    %get3A_16 = arith.constant 0 : index
    %get3A_17 = vector.load %arg3[%get3A_15, %get3A_16] : memref<1x128xf32, #tpu.memory_space<vmem>>, vector<1x128xf32>
    %add3A = vector.broadcast %get3A_17 : vector<1x128xf32> to vector<10000x128xf32>
    %add3A_18 = arith.addf %dot_general3A_14, %add3A : vector<10000x128xf32>
    %swap3A_19 = arith.constant 0 : index
    %swap3A_20 = arith.constant 0 : index
    %swap3A_21 = vector.load %arg5[%swap3A_19, %swap3A_20] : memref<10000x128xf32, #tpu.memory_space<vmem>>, vector<10000x128xf32>
    tpu.vector_store %arg5[%swap3A_19, %swap3A_20], %add3A_18 {strides = array<i32>} : memref<10000x128xf32, #tpu.memory_space<vmem>>, vector<10000x128xf32>,
    return
  }
}

module attributes {stable_mosaic.version = 14 : i64} {
  func.func @_node_body(%arg0: memref<10000x128xf32, #tpu.memory_space<vmem>>, %arg1: memref<2x10000x128xf32, #tpu.memory_space<vmem>>, %arg2: memref<128x128xf32, #tpu.memory_space<vmem>>, %arg3: memref<128x128xf32, #tpu.memory_space<vmem>>, %arg4: memref<1x128xf32, #tpu.memory_space<vmem>>, %arg5: memref<128x128xf32, #tpu.memory_space<vmem>>, %arg6: memref<1x128xf32, #tpu.memory_space<vmem>>, %arg7: memref<10000x128xf32, #tpu.memory_space<vmem>>) attributes {dimension_semantics = [], scalar_prefetch = 0 : i64, scratch_operands = 0 : i64, tpu.core_type = #tpu.core_type<tc>} {
    %get3A = arith.constant 0 : index
    %get3A_0 = arith.constant 0 : index
    %get3A_1 = vector.load %arg0[%get3A, %get3A_0] : memref<10000x128xf32, #tpu.memory_space<vmem>>, vector<10000x128xf32>
    %get3A_2 = arith.constant 0 : index
    %get3A_3 = arith.constant 0 : index
    %get3A_4 = arith.constant 0 : index
    %get3A_5 = vector.load %arg1[%get3A_2, %get3A_3, %get3A_4] : memref<2x10000x128xf32, #tpu.memory_space<vmem>>, vector<1x10000x128xf32>
    %get3A_6 = vector.shape_cast %get3A_5 : vector<1x10000x128xf32> to vector<10000x128xf32>
    %get3A_7 = arith.constant 1 : index
    %get3A_8 = arith.constant 0 : index
    %get3A_9 = arith.constant 0 : index
    %get3A_10 = vector.load %arg1[%get3A_7, %get3A_8, %get3A_9] : memref<2x10000x128xf32, #tpu.memory_space<vmem>>, vector<1x10000x128xf32>
    %get3A_11 = vector.shape_cast %get3A_10 : vector<1x10000x128xf32> to vector<10000x128xf32>
    %add3A = arith.addf %get3A_6, %get3A_11 : vector<10000x128xf32>
    %convert_element_type3A = arith.truncf %get3A_1 : vector<10000x128xf32> to vector<10000x128xbf16>
    %get3A_12 = arith.constant 0 : index
    %get3A_13 = arith.constant 0 : index
    %get3A_14 = vector.load %arg2[%get3A_12, %get3A_13] : memref<128x128xf32, #tpu.memory_space<vmem>>, vector<128x128xf32>
    %convert_element_type3A_15 = arith.truncf %get3A_14 : vector<128x128xf32> to vector<128x128xbf16>
    %dot_general3A = arith.constant dense<0.000000e+00> : vector<10000x128xf32>
    %dot_general3A_16 = tpu.matmul %convert_element_type3A, %convert_element_type3A_15, %dot_general3A {dimension_numbers = #tpu.dot_dimension_numbers<[1], [0], [0], [1], [0, 0, 1, 1], [], []>, transpose_lhs_hint = false} : vector<10000x128xbf16>, vector<128x128xbf16>, vector<10000x128xf32> -> vector<10000x128xf32>
    %convert_element_type3A_17 = arith.truncf %add3A : vector<10000x128xf32> to vector<10000x128xbf16>
    %get3A_18 = arith.constant 0 : index
    %get3A_19 = arith.constant 0 : index
    %get3A_20 = vector.load %arg3[%get3A_18, %get3A_19] : memref<128x128xf32, #tpu.memory_space<vmem>>, vector<128x128xf32>
    %convert_element_type3A_21 = arith.truncf %get3A_20 : vector<128x128xf32> to vector<128x128xbf16>
    %dot_general3A_22 = arith.constant dense<0.000000e+00> : vector<10000x128xf32>
    %dot_general3A_23 = tpu.matmul %convert_element_type3A_17, %convert_element_type3A_21, %dot_general3A_22 {dimension_numbers = #tpu.dot_dimension_numbers<[1], [0], [0], [1], [0, 0, 1, 1], [], []>, transpose_lhs_hint = false} : vector<10000x128xbf16>, vector<128x128xbf16>, vector<10000x128xf32> -> vector<10000x128xf32>
    %add3A_24 = arith.addf %dot_general3A_16, %dot_general3A_23 : vector<10000x128xf32>
    %get3A_25 = arith.constant 0 : index
    %get3A_26 = arith.constant 0 : index
    %get3A_27 = vector.load %arg4[%get3A_25, %get3A_26] : memref<1x128xf32, #tpu.memory_space<vmem>>, vector<1x128xf32>
    %add3A_28 = vector.broadcast %get3A_27 : vector<1x128xf32> to vector<10000x128xf32>
    %add3A_29 = arith.addf %add3A_24, %add3A_28 : vector<10000x128xf32>
    %max3A = arith.constant 0.000000e+00 : f32
    %max3A_30 = vector.broadcast %max3A : f32 to vector<10000x128xf32>
    %max3A_31 = arith.maximumf %add3A_29, %max3A_30 : vector<10000x128xf32>
    %convert_element_type3A_32 = arith.truncf %max3A_31 : vector<10000x128xf32> to vector<10000x128xbf16>
    %get3A_33 = arith.constant 0 : index
    %get3A_34 = arith.constant 0 : index
    %get3A_35 = vector.load %arg5[%get3A_33, %get3A_34] : memref<128x128xf32, #tpu.memory_space<vmem>>, vector<128x128xf32>
    %convert_element_type3A_36 = arith.truncf %get3A_35 : vector<128x128xf32> to vector<128x128xbf16>
    %dot_general3A_37 = arith.constant dense<0.000000e+00> : vector<10000x128xf32>
    %dot_general3A_38 = tpu.matmul %convert_element_type3A_32, %convert_element_type3A_36, %dot_general3A_37 {dimension_numbers = #tpu.dot_dimension_numbers<[1], [0], [0], [1], [0, 0, 1, 1], [], []>, transpose_lhs_hint = false} : vector<10000x128xbf16>, vector<128x128xbf16>, vector<10000x128xf32> -> vector<10000x128xf32>
    %add3A_39 = arith.addf %get3A_1, %dot_general3A_38 : vector<10000x128xf32>
    %get3A_40 = arith.constant 0 : index
    %get3A_41 = arith.constant 0 : index
    %get3A_42 = vector.load %arg6[%get3A_40, %get3A_41] : memref<1x128xf32, #tpu.memory_space<vmem>>, vector<1x128xf32>
    %add3A_43 = vector.broadcast %get3A_42 : vector<1x128xf32> to vector<10000x128xf32>
    %add3A_44 = arith.addf %add3A_39, %add3A_43 : vector<10000x128xf32>
    %swap3A = arith.constant 0 : index
    %swap3A_45 = arith.constant 0 : index
    %swap3A_46 = vector.load %arg7[%swap3A, %swap3A_45] : memref<10000x128xf32, #tpu.memory_space<vmem>>, vector<10000x128xf32>
    tpu.vector_store %arg7[%swap3A, %swap3A_45], %add3A_44 {strides = array<i32>} : memref<10000x128xf32, #tpu.memory_space<vmem>>, vector<10000x128xf32>,
    return
  }
}

module attributes {stable_mosaic.version = 14 : i64} {
  func.func @_edge_body(%arg0: i32, %arg1: memref<4000x128xf32, #tpu.memory_space<vmem>>, %arg2: memref<4000x128xf32, #tpu.memory_space<vmem>>, %arg3: memref<128x128xf32, #tpu.memory_space<vmem>>, %arg4: memref<128x128xf32, #tpu.memory_space<vmem>>, %arg5: memref<1x128xf32, #tpu.memory_space<vmem>>, %arg6: memref<4000x128xf32, #tpu.memory_space<vmem>>) attributes {dimension_semantics = [#tpu.dimension_semantics<parallel>], iteration_bounds = array<i64: 80>, scalar_prefetch = 0 : i64, scratch_operands = 0 : i64, tpu.core_type = #tpu.core_type<tc>, window_params = [{transform_indices = @transform_0, window_bounds = array<i64: 4000, 128>}, {transform_indices = @transform_1, window_bounds = array<i64: 4000, 128>}, {pipeline_mode = #tpu.pipeline_mode<synchronous>, transform_indices = @transform_2, window_bounds = array<i64: 128, 128>}, {pipeline_mode = #tpu.pipeline_mode<synchronous>, transform_indices = @transform_3, window_bounds = array<i64: 128, 128>}, {pipeline_mode = #tpu.pipeline_mode<synchronous>, transform_indices = @transform_4, window_bounds = array<i64: 1, 128>}, {transform_indices = @transform_5, window_bounds = array<i64: 4000, 128>}]} {
    %get3A = arith.constant 0 : index
    %get3A_0 = arith.constant 0 : index
    %get3A_1 = vector.load %arg2[%get3A, %get3A_0] : memref<4000x128xf32, #tpu.memory_space<vmem>>, vector<4000x128xf32>
    %convert_element_type3A = arith.truncf %get3A_1 : vector<4000x128xf32> to vector<4000x128xbf16>
    %get3A_2 = arith.constant 0 : index
    %get3A_3 = arith.constant 0 : index
    %get3A_4 = vector.load %arg3[%get3A_2, %get3A_3] : memref<128x128xf32, #tpu.memory_space<vmem>>, vector<128x128xf32>
    %convert_element_type3A_5 = arith.truncf %get3A_4 : vector<128x128xf32> to vector<128x128xbf16>
    %dot_general3A = arith.constant dense<0.000000e+00> : vector<4000x128xf32>
    %dot_general3A_6 = tpu.matmul %convert_element_type3A, %convert_element_type3A_5, %dot_general3A {dimension_numbers = #tpu.dot_dimension_numbers<[1], [0], [0], [1], [0, 0, 1, 1], [], []>, transpose_lhs_hint = false} : vector<4000x128xbf16>, vector<128x128xbf16>, vector<4000x128xf32> -> vector<4000x128xf32>
    %get3A_7 = arith.constant 0 : index
    %get3A_8 = arith.constant 0 : index
    %get3A_9 = vector.load %arg1[%get3A_7, %get3A_8] : memref<4000x128xf32, #tpu.memory_space<vmem>>, vector<4000x128xf32>
    %add3A = arith.addf %dot_general3A_6, %get3A_9 : vector<4000x128xf32>
    %max3A = arith.constant 0.000000e+00 : f32
    %max3A_10 = vector.broadcast %max3A : f32 to vector<4000x128xf32>
    %max3A_11 = arith.maximumf %add3A, %max3A_10 : vector<4000x128xf32>
    %convert_element_type3A_12 = arith.truncf %max3A_11 : vector<4000x128xf32> to vector<4000x128xbf16>
    %get3A_13 = arith.constant 0 : index
    %get3A_14 = arith.constant 0 : index
    %get3A_15 = vector.load %arg4[%get3A_13, %get3A_14] : memref<128x128xf32, #tpu.memory_space<vmem>>, vector<128x128xf32>
    %convert_element_type3A_16 = arith.truncf %get3A_15 : vector<128x128xf32> to vector<128x128xbf16>
    %dot_general3A_17 = arith.constant dense<0.000000e+00> : vector<4000x128xf32>
    %dot_general3A_18 = tpu.matmul %convert_element_type3A_12, %convert_element_type3A_16, %dot_general3A_17 {dimension_numbers = #tpu.dot_dimension_numbers<[1], [0], [0], [1], [0, 0, 1, 1], [], []>, transpose_lhs_hint = false} : vector<4000x128xbf16>, vector<128x128xbf16>, vector<4000x128xf32> -> vector<4000x128xf32>
    %add3A_19 = arith.addf %get3A_1, %dot_general3A_18 : vector<4000x128xf32>
    %get3A_20 = arith.constant 0 : index
    %get3A_21 = arith.constant 0 : index
    %get3A_22 = vector.load %arg5[%get3A_20, %get3A_21] : memref<1x128xf32, #tpu.memory_space<vmem>>, vector<1x128xf32>
    %add3A_23 = vector.broadcast %get3A_22 : vector<1x128xf32> to vector<4000x128xf32>
    %add3A_24 = arith.addf %add3A_19, %add3A_23 : vector<4000x128xf32>
    %swap3A = arith.constant 0 : index
    %swap3A_25 = arith.constant 0 : index
    %swap3A_26 = vector.load %arg6[%swap3A, %swap3A_25] : memref<4000x128xf32, #tpu.memory_space<vmem>>, vector<4000x128xf32>
    tpu.vector_store %arg6[%swap3A, %swap3A_25], %add3A_24 {strides = array<i32>} : memref<4000x128xf32, #tpu.memory_space<vmem>>, vector<4000x128xf32>,
    return
  }
  func.func @transform_0(%arg0: i32) -> (i32, i32) {
    %c0_i32 = arith.constant 0 : i32
    %c0_i32_0 = arith.constant 0 : i32
    return %arg0, %c0_i32 : i32, i32
  }
  func.func @transform_1(%arg0: i32) -> (i32, i32) {
    %c0_i32 = arith.constant 0 : i32
    %c0_i32_0 = arith.constant 0 : i32
    return %arg0, %c0_i32 : i32, i32
  }
  func.func @transform_2(%arg0: i32) -> (i32, i32) {
    %c0_i32 = arith.constant 0 : i32
    %c0_i32_0 = arith.constant 0 : i32
    %c0_i32_1 = arith.constant 0 : i32
    return %c0_i32, %c0_i32_0 : i32, i32
  }
  func.func @transform_3(%arg0: i32) -> (i32, i32) {
    %c0_i32 = arith.constant 0 : i32
    %c0_i32_0 = arith.constant 0 : i32
    %c0_i32_1 = arith.constant 0 : i32
    return %c0_i32, %c0_i32_0 : i32, i32
  }
  func.func @transform_4(%arg0: i32) -> (i32, i32) {
    %c0_i32 = arith.constant 0 : i32
    %c0_i32_0 = arith.constant 0 : i32
    %c0_i32_1 = arith.constant 0 : i32
    return %c0_i32, %c0_i32_0 : i32, i32
  }
  func.func @transform_5(%arg0: i32) -> (i32, i32) {
    %c0_i32 = arith.constant 0 : i32
    %c0_i32_0 = arith.constant 0 : i32
    return %arg0, %c0_i32 : i32, i32
  }
}

module attributes {stable_mosaic.version = 14 : i64} {
  func.func @_node_body(%arg0: memref<10000x128xf32, #tpu.memory_space<vmem>>, %arg1: memref<2x10000x128xf32, #tpu.memory_space<vmem>>, %arg2: memref<128x128xf32, #tpu.memory_space<vmem>>, %arg3: memref<128x128xf32, #tpu.memory_space<vmem>>, %arg4: memref<1x128xf32, #tpu.memory_space<vmem>>, %arg5: memref<128x128xf32, #tpu.memory_space<vmem>>, %arg6: memref<1x128xf32, #tpu.memory_space<vmem>>, %arg7: memref<10000x128xf32, #tpu.memory_space<vmem>>) attributes {dimension_semantics = [], scalar_prefetch = 0 : i64, scratch_operands = 0 : i64, tpu.core_type = #tpu.core_type<tc>} {
    %get3A = arith.constant 0 : index
    %get3A_0 = arith.constant 0 : index
    %get3A_1 = vector.load %arg0[%get3A, %get3A_0] : memref<10000x128xf32, #tpu.memory_space<vmem>>, vector<10000x128xf32>
    %get3A_2 = arith.constant 0 : index
    %get3A_3 = arith.constant 0 : index
    %get3A_4 = arith.constant 0 : index
    %get3A_5 = vector.load %arg1[%get3A_2, %get3A_3, %get3A_4] : memref<2x10000x128xf32, #tpu.memory_space<vmem>>, vector<1x10000x128xf32>
    %get3A_6 = vector.shape_cast %get3A_5 : vector<1x10000x128xf32> to vector<10000x128xf32>
    %get3A_7 = arith.constant 1 : index
    %get3A_8 = arith.constant 0 : index
    %get3A_9 = arith.constant 0 : index
    %get3A_10 = vector.load %arg1[%get3A_7, %get3A_8, %get3A_9] : memref<2x10000x128xf32, #tpu.memory_space<vmem>>, vector<1x10000x128xf32>
    %get3A_11 = vector.shape_cast %get3A_10 : vector<1x10000x128xf32> to vector<10000x128xf32>
    %add3A = arith.addf %get3A_6, %get3A_11 : vector<10000x128xf32>
    %convert_element_type3A = arith.truncf %get3A_1 : vector<10000x128xf32> to vector<10000x128xbf16>
    %get3A_12 = arith.constant 0 : index
    %get3A_13 = arith.constant 0 : index
    %get3A_14 = vector.load %arg2[%get3A_12, %get3A_13] : memref<128x128xf32, #tpu.memory_space<vmem>>, vector<128x128xf32>
    %convert_element_type3A_15 = arith.truncf %get3A_14 : vector<128x128xf32> to vector<128x128xbf16>
    %dot_general3A = arith.constant dense<0.000000e+00> : vector<10000x128xf32>
    %dot_general3A_16 = tpu.matmul %convert_element_type3A, %convert_element_type3A_15, %dot_general3A {dimension_numbers = #tpu.dot_dimension_numbers<[1], [0], [0], [1], [0, 0, 1, 1], [], []>, transpose_lhs_hint = false} : vector<10000x128xbf16>, vector<128x128xbf16>, vector<10000x128xf32> -> vector<10000x128xf32>
    %convert_element_type3A_17 = arith.truncf %add3A : vector<10000x128xf32> to vector<10000x128xbf16>
    %get3A_18 = arith.constant 0 : index
    %get3A_19 = arith.constant 0 : index
    %get3A_20 = vector.load %arg3[%get3A_18, %get3A_19] : memref<128x128xf32, #tpu.memory_space<vmem>>, vector<128x128xf32>
    %convert_element_type3A_21 = arith.truncf %get3A_20 : vector<128x128xf32> to vector<128x128xbf16>
    %dot_general3A_22 = arith.constant dense<0.000000e+00> : vector<10000x128xf32>
    %dot_general3A_23 = tpu.matmul %convert_element_type3A_17, %convert_element_type3A_21, %dot_general3A_22 {dimension_numbers = #tpu.dot_dimension_numbers<[1], [0], [0], [1], [0, 0, 1, 1], [], []>, transpose_lhs_hint = false} : vector<10000x128xbf16>, vector<128x128xbf16>, vector<10000x128xf32> -> vector<10000x128xf32>
    %add3A_24 = arith.addf %dot_general3A_16, %dot_general3A_23 : vector<10000x128xf32>
    %get3A_25 = arith.constant 0 : index
    %get3A_26 = arith.constant 0 : index
    %get3A_27 = vector.load %arg4[%get3A_25, %get3A_26] : memref<1x128xf32, #tpu.memory_space<vmem>>, vector<1x128xf32>
    %add3A_28 = vector.broadcast %get3A_27 : vector<1x128xf32> to vector<10000x128xf32>
    %add3A_29 = arith.addf %add3A_24, %add3A_28 : vector<10000x128xf32>
    %max3A = arith.constant 0.000000e+00 : f32
    %max3A_30 = vector.broadcast %max3A : f32 to vector<10000x128xf32>
    %max3A_31 = arith.maximumf %add3A_29, %max3A_30 : vector<10000x128xf32>
    %convert_element_type3A_32 = arith.truncf %max3A_31 : vector<10000x128xf32> to vector<10000x128xbf16>
    %get3A_33 = arith.constant 0 : index
    %get3A_34 = arith.constant 0 : index
    %get3A_35 = vector.load %arg5[%get3A_33, %get3A_34] : memref<128x128xf32, #tpu.memory_space<vmem>>, vector<128x128xf32>
    %convert_element_type3A_36 = arith.truncf %get3A_35 : vector<128x128xf32> to vector<128x128xbf16>
    %dot_general3A_37 = arith.constant dense<0.000000e+00> : vector<10000x128xf32>
    %dot_general3A_38 = tpu.matmul %convert_element_type3A_32, %convert_element_type3A_36, %dot_general3A_37 {dimension_numbers = #tpu.dot_dimension_numbers<[1], [0], [0], [1], [0, 0, 1, 1], [], []>, transpose_lhs_hint = false} : vector<10000x128xbf16>, vector<128x128xbf16>, vector<10000x128xf32> -> vector<10000x128xf32>
    %add3A_39 = arith.addf %get3A_1, %dot_general3A_38 : vector<10000x128xf32>
    %get3A_40 = arith.constant 0 : index
    %get3A_41 = arith.constant 0 : index
    %get3A_42 = vector.load %arg6[%get3A_40, %get3A_41] : memref<1x128xf32, #tpu.memory_space<vmem>>, vector<1x128xf32>
    %add3A_43 = vector.broadcast %get3A_42 : vector<1x128xf32> to vector<10000x128xf32>
    %add3A_44 = arith.addf %add3A_39, %add3A_43 : vector<10000x128xf32>
    %swap3A = arith.constant 0 : index
    %swap3A_45 = arith.constant 0 : index
    %swap3A_46 = vector.load %arg7[%swap3A, %swap3A_45] : memref<10000x128xf32, #tpu.memory_space<vmem>>, vector<10000x128xf32>
    tpu.vector_store %arg7[%swap3A, %swap3A_45], %add3A_44 {strides = array<i32>} : memref<10000x128xf32, #tpu.memory_space<vmem>>, vector<10000x128xf32>,
    return
  }
}

</mosaic_0001>

<sc_bundles>
// kernel: kernel.12.cloned.1.call-start
scs
__scs_entry_jumppad:
0x0: {  	(pc) =	sbr.rel $0x88, $3  }
0x1: {  	(tag) =	ssettag $0x0;
	lr =	simm.s32 $0x1  }
0x2: {  	[smem:$0x3F96] =	sst lr;
	_ =	strace $0xD0000000  }
0x3: {  	_ = 	snop  }
0x4: {  	_ = 	snop  }
0x5: {  	_ = 	snop  }
0x6: {  	_ = 	snop  }
0x7: {  	_ = 	snop  }
__scs_overlays_trampoline_lowered:
0x8: {  	[smem:$0x3FA5] =	sst s0  }
0x9: {  	[smem:$0x3FA6] =	sst s1  }
0xa: {  	[smem:$0x3FA7] =	sst s2  }
0xb: {  	[smem:$0x3FA8] =	sst s3  }
0xc: {  	[smem:$0x3FA9] =	sst s4  }
0xd: {  	[smem:$0x3FAA] =	sst s5  }
0xe: {  	[smem:$0x3FAB] =	sst s6  }
0xf: {  	[smem:$0x3FAC] =	sst s7  }
0x10: {  	[smem:$0x3FAD] =	sst s8  }
0x11: {  	[smem:$0x3FAE] =	sst s9;
	s0 =	simm.s32 @!p0 $0x0  }
0x12: {  	s1 =	sld [smem:$0x3F94];
	s0 =	simm.s32 @p0 $0x1  }
0x13: {  	[smem:$0x3FAF] =	sst s0;
	s0 =	simm.s32 @!p1 $0x0  }
0x14: {  	s2 =	sld [smem:$0x3F93];
	s0 =	simm.s32 @p1 $0x1  }
0x15: {  	[smem:$0x3FB0] =	sst s0;
	s0 =	simm.s32 @!p2 $0x0  }
0x16: {  	s3 =	sld [smem:$0x3FDB];
	s0 =	simm.s32 @p2 $0x1  }
0x17: {  	s4 =	simm.s32 $0x1BF5;
	[smem:$0x3FB2] =	sst s0  }
0x18: {  	s0 =	sld [smem:$0x3F95];
	_ =	swait.ge [sflag:s4], $0x0  }
0x19: {  	s7 =	sld [smem:$0x3F96]  }
0x1a: {  	s8 =	sadd.s32 $0xFFFFE003, lr  }
0x1b: {  	s9 =	sadd.s32 $0xFFFFFEF7, lr;
	s5 =	simm.s32 $0xFFFFFFFF;
	p2 =	slt.u32 s8, $0xFFFFF086  }
0x1c: {  	p1 =	slt.u32 s9, $0xF7A;
	s5 =	simm.s32 @!p2 $0x0  }
0x1d: {  	s5 =	simm.s32 @p1 $0x1;
	p0 =	seq.s32 s7, s2  }
0x1e: {  	s7 =	smul.u32 @!p0 $0xF7A, s2;
	p2 =	seq.s32 @!p0 s5, $0x0  }
0x1f: {  	s9 =	smul.u32 $0xF7A, s1;
	s8 =	simm.s32 @!p0 $0x1BF5;
	p2 =	por !p2, p0  }
0x20: {  	[sflag:s8] =	ssyncset.s32 @!p0 $0xFFFFF086;
	s6 =	sadd.s32 @!p0 s3, s7;
	s7 =	simm.s32 @!p0 $0x108  }
0x21: {  	s3 =	sadd.s32 s3, s9;
	s6 =	sadd.s32 @!p0 $0x88, s6;
	s7 =	simm.s32 @p2 $0x1082  }
0x22: {  	[simem:s7], [sflag:s8] =	dma.local @!p0 [hbm:s6], $0xF7A  }
0x23: {  	s9 =	sor.u32 $0xD0000000, s2;
	s6 =	simm.s32 $0x108;
	_ =	swait.ge @!p0 [sflag:s8], $0x0  }
0x24: {  	s3 =	sadd.s32 $0x88, s3;
	s6 =	simm.s32 @!p1 $0x1082;
	[sflag:s4] =	ssyncset.s32 $0xFFFFF086  }
0x25: {  	[simem:s6], [sflag:s4] =	dma.local [hbm:s3], $0xF7A  }
0x26: {  	[smem:$0x3F96] =	sst s1;
	(tag) =	ssettag s2;
	_ =	strace s9  }
0x27: {  	s1 =	sld [smem:$0x3FA6]  }
0x28: {  	s2 =	sld [smem:$0x3FA7]  }
0x29: {  	s4 =	sld [smem:$0x3FA9]  }
0x2a: {  	p0 =	seq.s32 s5, $0x0;
	s5 =	sld [smem:$0x3FAA]  }
0x2b: {  	s6 =	sld [smem:$0x3FAB]  }
0x2c: {  	s7 =	sld [smem:$0x3FAC]  }
0x2d: {  	s3 =	simm.s32 $0x108;
	s8 =	sld [smem:$0x3FAD]  }
0x2e: {  	s3 =	simm.s32 @!p0 $0x1082;
	s9 =	sld [smem:$0x3FAE]  }
0x2f: {  	lr =	sadd.s32 s0, s3;
	s0 =	sld [smem:$0x3FA5]  }
0x30: {  	s3 =	sld [smem:$0x3FA8]  }
0x31: {  	[smem:$0x3FB1] =	sst s10  }
0x32: {  	s10 =	sld [smem:$0x3FAF];
	_ =	sdelay $0x3  }
0x33: {  	p0 =	seq.s32 s10, $0x1;
	s10 =	sld [smem:$0x3FB1];
	_ =	sdelay $0x3  }
0x34: {  	[smem:$0x3FB1] =	sst s10  }
0x35: {  	s10 =	sld [smem:$0x3FB0];
	_ =	sdelay $0x3  }
0x36: {  	p1 =	seq.s32 s10, $0x1;
	s10 =	sld [smem:$0x3FB1];
	_ =	sdelay $0x3  }
0x37: {  	[smem:$0x3FB1] =	sst s10  }
0x38: {  	s10 =	sld [smem:$0x3FB2]  }
0x39: {  	_ = 	snop;
	(pc) =	sbr.ind lr, $3  }
0x3a: {  	_ = 	snop  }
0x3b: {  	_ = 	snop  }
0x3c: {  	p2 =	seq.s32 s10, $0x1;
	s10 =	sld [smem:$0x3FB1]  }
0x3d: {  	_ =	shalt  }
0x3e: {  	_ =	shalt  }
0x3f: {  	_ =	shalt  }
0x40: {  	_ =	shalt  }
0x41: {  	_ =	shalt  }
0x42: {  	_ =	shalt  }
0x43: {  	_ =	shalt  }
0x44: {  	_ =	shalt  }
0x45: {  	_ =	shalt  }
0x46: {  	_ =	shalt  }
0x47: {  	_ =	shalt  }
0x48: {  	_ =	shalt  }
0x49: {  	_ =	shalt  }
0x4a: {  	_ =	shalt  }
0x4b: {  	_ =	shalt  }
0x4c: {  	_ =	shalt  }
0x4d: {  	_ =	shalt  }
0x4e: {  	_ =	shalt  }
0x4f: {  	_ =	shalt  }
0x50: {  	_ =	shalt  }
0x51: {  	_ =	shalt  }
0x52: {  	_ =	shalt  }
0x53: {  	_ =	shalt  }
0x54: {  	_ =	shalt  }
0x55: {  	_ =	shalt  }
0x56: {  	_ =	shalt  }
0x57: {  	_ =	shalt  }
0x58: {  	_ =	shalt  }
0x59: {  	_ =	shalt  }
0x5a: {  	_ =	shalt  }
0x5b: {  	_ =	shalt  }
0x5c: {  	_ =	shalt  }
0x5d: {  	_ =	shalt  }
0x5e: {  	_ =	shalt  }
0x5f: {  	_ =	shalt  }
0x60: {  	_ =	shalt  }
0x61: {  	_ =	shalt  }
0x62: {  	_ =	shalt  }
0x63: {  	_ =	shalt  }
0x64: {  	_ =	shalt  }
0x65: {  	_ =	shalt  }
0x66: {  	_ =	shalt  }
0x67: {  	_ =	shalt  }
0x68: {  	_ =	shalt  }
0x69: {  	_ =	shalt  }
0x6a: {  	_ =	shalt  }
0x6b: {  	_ =	shalt  }
0x6c: {  	_ =	shalt  }
0x6d: {  	_ =	shalt  }
0x6e: {  	_ =	shalt  }
0x6f: {  	_ =	shalt  }
0x70: {  	_ =	shalt  }
0x71: {  	_ =	shalt  }
0x72: {  	_ =	shalt  }
0x73: {  	_ =	shalt  }
0x74: {  	_ =	shalt  }
0x75: {  	_ =	shalt  }
0x76: {  	_ =	shalt  }
0x77: {  	_ =	shalt  }
0x78: {  	_ =	shalt  }
0x79: {  	_ =	shalt  }
0x7a: {  	_ =	shalt  }
0x7b: {  	_ =	shalt  }
0x7c: {  	_ =	shalt  }
0x7d: {  	_ =	shalt  }
0x7e: {  	_ =	shalt  }
0x7f: {  	_ =	shalt  }
0x80: {  	_ =	shalt  }
0x81: {  	_ =	shalt  }
0x82: {  	_ =	shalt  }
0x83: {  	_ =	shalt  }
0x84: {  	_ =	shalt  }
0x85: {  	_ =	shalt  }
0x86: {  	_ =	shalt  }
0x87: {  	_ =	shalt  }
.Lfunc_end0:
.L_simem_size_0:
called_computation_lowered:
.L_overlay_start_0:
0x88: {  	s2 =	sld [smem:$0x3FD9]  }
0x89: {  	s3 =	sld [smem:$0x3FFE];
	_ =	sdelay $0x1  }
0x8a: {  	s1 =	srdreg.scid  }
0x8b: {  	s0 =	sand.u32 $0x1, s1  }
0x8c: {  	s14 =	sshll.u32 s0, $0xA;
	s2 =	sadd.s32 s3, s2  }
0x8d: {  	s2 =	sadd.s32 s2, s14  }
0x8e: {  	[smem:$0x3FBD] =	sst s2  }
0x8f: {  	_ = 	snop  }
0x90: {  	s2 =	sld [smem:$0x3FD0];
	_ =	sdelay $0x2  }
0x91: {  	s15 =	simm.s32 $0xA;
	s4 =	simm.s32 $0x10  }
0x92: {  	[smem:s4], [sflag:s15] =	dma.local [hbm:s2], $0x1  }
0x93: {  	_ =	swait.eq [sflag:s15], $0x1  }
0x94: {  	[sflag:s15] =	ssyncset.done $0x0  }
0x95: {  	s16 =	sld [smem:$0x10];
	[sflag:s15] =	ssyncadd.s32 $0xFFFFFFFF  }
0x96: {  	s17 =	sld [smem:$0x11];
	(tm) =	ssettm $0x1  }
0x97: {  	s18 =	sld [smem:$0x3FFB];
	_ =	sdelay $0x3  }
0x98: {  	_ =	strace s18  }
0x99: {  	s4 =	sld [smem:$0x3FFC];
	_ =	sdelay $0x3  }
0x9a: {  	_ =	strace s4  }
0x9b: {  	s4 =	sld [smem:$0x3FFD];
	_ =	sdelay $0x3  }
0x9c: {  	_ =	strace s4  }
0x9d: {  	_ =	strace $0x8FFFFFFF  }
0x9e: {  	s19 =	sld [smem:$0x3FDB];
	_ =	sdelay $0x1  }
0x9f: {  	s5 =	simm.s32 $_scs_section_size  }
0xa0: {  	s6 =	simm.s32 $_size__tile_overlayer_lowered;
	s7 =	simm.s32 $_tile_overlayer_lowered  }
0xa1: {  	s22 =	simm.s32 $0x1BFF;
	s21 =	sshll.u32 s7, $0x1;
	s4 =	sadd.s32 s5, s19  }
0xa2: {  	s8 =	simm.s32 $0x0;
	s20 =	sshll.u32 s6, $0x1;
	s6 =	sadd.s32 s21, s4  }
0xa3: {  	[timem:s8], [sflag:s22] =	dma.local [hbm:s6], s20  }
0xa4: {  	_ =	swait.ge [sflag:s22], s20  }
0xa5: {  	s5 =	ssub.s32 $0x0, s20;
	[sflag:s22] =	ssyncset.done $0x0  }
0xa6: {  	[sflag:s22] =	ssyncadd.s32 s5;
	_ =	sdelay $0x1  }
0xa7: {  	s23 =	simm.s32 $0x1B8B  }
0xa8: {  	_ =	swait.ge [sflag:s23], $0x1  }
0xa9: {  	[sflag:s23] =	ssyncset.done $0x0  }
0xaa: {  	s25 =	simm.s32 $0x1B8E;
	s24 =	sld [smem:$0x3FFE];
	[sflag:s23] =	ssyncadd.s32 $0xFFFFFFFF  }
0xab: {  	s26 =	simm.s32 $execute0_lowered;
	[smem:$0x3FD2] =	sst s25  }
0xac: {  	s6 =	sshll.u32 s26, $0x1;
	_ =	strace $0x80000046;
	[dreg:$0x1] =	wrdreg $0xFFFFFFFF  }
0xad: {  	s28 =	simm.s32 $_size_execute0_lowered;
	s4 =	sadd.s32 s4, s6;
	[dreg:$0x0] =	wrdreg $0x0  }
0xae: {  	s6 =	sshll.u32 s28, $0x1;
	[dreg:$0x2] =	wrdreg s4  }
0xaf: {  	[dreg:$0x3] =	wrdreg s6  }
0xb0: {  	[dreg:$0x4] =	wrdreg $0xC0  }
0xb1: {  	_ =	task [dreg:s8], $0x5FFFF  }
0xb2: {  	[dreg:$0x1] =	wrdreg $0xFFFFFFFF  }
0xb3: {  	[dreg:$0x0] =	wrdreg $0x60  }
0xb4: {  	[dreg:$0x2] =	wrdreg s16  }
0xb5: {  	[dreg:$0x3] =	wrdreg s24  }
0xb6: {  	[dreg:$0x4] =	wrdreg s17  }
0xb7: {  	[dreg:$0x5] =	wrdreg $0x0  }
0xb8: {  	[dreg:$0x6] =	wrdreg $0x9  }
0xb9: {  	_ =	task.clear_ibuf [dreg:s8], $0x7FFFF;
	_ =	strace $0x90000046  }
0xba: {  	s29 =	simm.s32 $0x9;
	_ =	strace $0x80000048  }
0xbb: {  	_ =	swait.ge [sflag:s29], $0x1  }
0xbc: {  	[sflag:s29] =	ssyncadd.s32 $0xFFFFFFFF  }
0xbd: {  	_ =	strace $0x90000048  }
0xbe: {  	_ =	sfence  }
0xbf: {  	s30 =	sld [smem:$0x0];
	_ =	sdelay $0x2  }
0xc0: {  	s31 =	sshll.u32 s1, $0xD;
	s1 =	sshrl.u32 s1, $0x2  }
0xc1: {  	s3 =	sand.u32 $0x4000, s31;
	s1 =	sadd.s32 s1, s30  }
0xc2: {  	s0 =	sor.u32 s3, s0;
	s1 =	sshll.u32 s1, $0x11  }
0xc3: {  	s0 =	sor.u32 s1, s0  }
0xc4: {  	s0 =	sadd.s32 $0x8F2B, s0  }
0xc5: {  	[sflag:s0] =	ssyncadd.remote.s32 $0x1  }
0xc6: {  	_ =	sfence.sel $0xFFFF  }
0xc7: {  	[dreg:$0x0] =	wrdreg $0xFFFFFFFF;
	(pc) =	sbr.abs _section_cstart, $3  }
0xc8: {  	[dreg:$0x1] =	wrdreg $0xFFFFFFFF  }
0xc9: {  	_ =	task.clear_ibuf [dreg:s8], $0x2FFFF;
	_ =	strace $0x9FFFFFFF  }
0xca: {  	(tm) =	ssettm $0x7FFFFFFF  }
0xcb: {  	_ =	shalt  }
tec
execute0_lowered:
.L_overlay_start_1:
0x0: {  	(tag) =	ssettag $0x1  }
0x1: {  	s5 =	rddreg [dreg:$0x0]  }
0x2: {  	s6 =	rddreg [dreg:$0x1]  }
0x3: {  	s10 =	rddreg [dreg:$0x2]  }
0x4: {  	s1 =	rddreg [dreg:$0x3]  }
0x5: {  	s0 =	rddreg [dreg:$0x4];
	s3 =	simm.s32 $0x0;
	s7 =	srdreg.scid  }
0x6: {  	s2 =	stileid.u32;
	s17 =	simm.s32 $0x14C80;
	s18 =	simm.s32 $0x3  }
0x7: {  	s19 =	simm.s32 $0x80;
	s20 =	simm.s32 $0x16080;
	s21 =	simm.s32 $0x1A080  }
0x8: {  	s22 =	simm.s32 $0x1;
	s23 =	simm.s32 $0x2;
	s24 =	simm.s32 $0x0  }
0x9: {  	[smem:$0x7FF] =	sst s3;
	s4 =	sadd.s32 $0x1C000, s6;
	s7 =	sand.u32 $0x1, s7  }
0xa: {  	s8 =	sshll.u32 s2, $0x1;
	s9 =	sadd.s32 $0x5400, s6;
	s11 =	smul.u32 $0x280, s2  }
0xb: {  	s12 =	sadd.s32 $0xF200, s6;
	s14 =	smul.u32 $0x9E, s2;
	s29 =	sshll.u32 s2, $0x6  }
0xc: {  	_ =	strace $0x80000047;
	s8 =	sor.u32 s7, s8;
	s25 =	ssub.s32 $0x2, s7  }
0xd: {  	s7 =	smul.u32 $0x4F, s7;
	s6 =	sor.u32 $0x1C03, s29;
	s13 =	sshrl.u32 s25, $0x1  }
0xe: {  	s8 =	smul.u32 $0x4F, s8;
	s11 =	smin.u32 s11, $0x2490;
	s13 =	ssub.s32 s25, s13  }
0xf: {  	s26 =	sshll.u32 s11, $0x7;
	s28 =	sshll.u32 s11, $0x4;
	s7 =	sadd.s32 s7, s14  }
0x10: {  	s8 =	smin.u32 s8, $0x974;
	s15 =	sadd.s32 s26, s1;
	s30 =	smin.u32 s7, $0x974  }
0x11: {  	s5 =	sadd.s32 s5, s28;
	s8 =	sshll.u32 s8, $0x4;
	s11 =	sshll.u32 s30, $0xB  }
0x12: {  	s14 =	sshrl.u32 s15, $0x3;
	s15 =	simm.s32 $0x13880;
	s7 =	sadd.s32 s9, s8  }
0x13: {  	s31 =	sadd.s32 $0x280, s8;
	s8 =	sadd.s32 s12, s8;
	s16 =	sadd.s32 s11, s10  }
0x14: {  	s11 =	smax.u32 s13, $0x1;
	s9 =	sadd.s32 s9, s31;
	s10 =	sadd.s32 s12, s31  }
0x15: {  	s12 =	sadd.s32 $0x800, s16;
	s13 =	sadd.s32 $0x14800, s16;
	s16 =	simm.s32 $0x4  }
.LBB2_1:
0x16: {  	[spmem:s14], [sflag:s6] =	dma.local [hbm:s5], $0x2800  }
0x17: {  	[tilespmem:s15], [sflag:$0x4] =	stream.linear.gather [hbm4b:s7+s3], $0x1400, $0x38;
	[tilespmem:$0x1E080] =	vst v63  }
0x18: {  	_ =	swait.ge [sflag:s16], $0x1400  }
0x19: {  	[sflag:s16] =	ssyncset.done $0x0  }
0x1a: {  	[sflag:s16] =	ssyncadd.s32 $0xFFFFEC00  }
0x1b: {  	[tilespmem:s17], [sflag:$0x4] =	stream.linear.gather [hbm4b:s8+s3], $0x1400, $0x38;
	[tilespmem:$0x1E080] =	vst v63  }
0x1c: {  	_ =	swait.ge [sflag:s16], $0x1400  }
0x1d: {  	[sflag:s16] =	ssyncset.done $0x0  }
0x1e: {  	[sflag:s16] =	ssyncadd.s32 $0xFFFFEC00  }
0x1f: {  	_ =	swait.ge [sflag:s18], $0x2800  }
0x20: {  	[sflag:s18] =	ssyncset.done $0x0  }
0x21: {  	[sflag:s18] =	ssyncadd.s32 $0xFFFFD800  }
0x22: {  	s25 =	simm.s32 $0x13880;
	[bflag:$0x0] =	sbarrier.arrive $0xFFFF  }
0x23: {  	[tilespmem:s20], [sflag:$0x4] =	stream.indirect.gather [spmem:s1], $0x80, s25, s19, $0xb8;
	[tilespmem:$0x1E080] =	vst v63  }
0x24: {  	_ =	swait.ge [sflag:s16], $0x4000  }
0x25: {  	[sflag:s16] =	ssyncset.done $0x0  }
0x26: {  	s26 =	simm.s32 $0x14C80;
	[sflag:s16] =	ssyncadd.s32 $0xFFFFC000  }
0x27: {  	[tilespmem:s20], [sflag:$0x1] =	stream.indirect.gather.add.f32 [hbm:s4], $0x80, s26, s19, $0xb8;
	[tilespmem:$0x1E080] =	vst v63  }
0x28: {  	s29 =	simm.s32 $0x13900  }
0x29: {  	[tilespmem:s21], [sflag:$0x4] =	stream.indirect.gather [spmem:s1], $0x80, s29, s19, $0xb8;
	[tilespmem:$0x1E080] =	vst v63  }
0x2a: {  	_ =	swait.ge [sflag:s16], $0x4000  }
0x2b: {  	[sflag:s16] =	ssyncset.done $0x0  }
0x2c: {  	s30 =	simm.s32 $0x14D00;
	[sflag:s16] =	ssyncadd.s32 $0xFFFFC000  }
0x2d: {  	[tilespmem:s21], [sflag:$0x2] =	stream.indirect.gather.add.f32 [hbm:s4], $0x80, s30, s19, $0xb8;
	[tilespmem:$0x1E080] =	vst v63  }
0x2e: {  	_ =	swait.ge [sflag:s22], $0x4000  }
0x2f: {  	[sflag:s22] =	ssyncset.done $0x0  }
0x30: {  	s31 =	sadd.s32 $0xFFFFF800, s12;
	[sflag:s22] =	ssyncadd.s32 $0xFFFFC000  }
0x31: {  	[hbm4b:s31+s3] =	stream.linear.scatter [tilespmem:s20], [sflag:$0x3], $0x4000, $0x38;
	[tilespmem:$0x1E080] =	vst v63  }
0x32: {  	_ =	swait.ge [sflag:s23], $0x4000  }
0x33: {  	[sflag:s23] =	ssyncset.done $0x0  }
0x34: {  	[sflag:s23] =	ssyncadd.s32 $0xFFFFC000  }
0x35: {  	[hbm4b:s12+s3] =	stream.linear.scatter [tilespmem:s21], [sflag:$0x4], $0x4000, $0x38;
	[tilespmem:$0x1E080] =	vst v63  }
0x36: {  	_ =	swait.ge [sflag:s16], $0x4000  }
0x37: {  	[sflag:s16] =	ssyncset.done $0x0  }
0x38: {  	[sflag:s16] =	ssyncadd.s32 $0xFFFFC000  }
0x39: {  	s28 =	simm.s32 $0x800;
	_ =	swait.ge [sflag:s18], $0x4000  }
0x3a: {  	s25 =	sadd.s32 $0x1000, s12;
	s26 =	simm.s32 $0x100;
	[sflag:s18] =	ssyncset.done $0x0  }
.LBB2_2:
0x3b: {  	s29 =	sadd.s32 $0x13880, s26  }
0x3c: {  	[sflag:s18] =	ssyncadd.s32 $0xFFFFC000;
	s30 =	smov.u32 s28;
	s31 =	sadd.s32 $0x400, s28  }
0x3d: {  	[tilespmem:s20], [sflag:$0x4] =	stream.indirect.gather [spmem:s1], $0x80, s29, s19, $0xb8;
	[tilespmem:$0x1E080] =	vst v63  }
0x3e: {  	p0 =	sne.s32 s28, $0x4C00;
	_ =	swait.ge [sflag:s16], $0x4000  }
0x3f: {  	[sflag:s16] =	ssyncset.done $0x0  }
0x40: {  	s28 =	sadd.s32 $0x14C80, s26;
	[sflag:s16] =	ssyncadd.s32 $0xFFFFC000  }
0x41: {  	[tilespmem:s20], [sflag:$0x1] =	stream.indirect.gather.add.f32 [hbm:s4], $0x80, s28, s19, $0xb8;
	[tilespmem:$0x1E080] =	vst v63  }
0x42: {  	s28 =	sadd.s32 $0x13900, s26  }
0x43: {  	[tilespmem:s21], [sflag:$0x4] =	stream.indirect.gather [spmem:s1], $0x80, s28, s19, $0xb8;
	[tilespmem:$0x1E080] =	vst v63  }
0x44: {  	_ =	swait.ge [sflag:s16], $0x4000  }
0x45: {  	[sflag:s16] =	ssyncset.done $0x0  }
0x46: {  	s26 =	sadd.s32 $0x14D00, s26;
	[sflag:s16] =	ssyncadd.s32 $0xFFFFC000  }
0x47: {  	[tilespmem:s21], [sflag:$0x2] =	stream.indirect.gather.add.f32 [hbm:s4], $0x80, s26, s19, $0xb8;
	[tilespmem:$0x1E080] =	vst v63  }
0x48: {  	_ =	swait.ge [sflag:s22], $0x4000  }
0x49: {  	[sflag:s22] =	ssyncset.done $0x0  }
0x4a: {  	s26 =	sadd.s32 $0xFFFFF800, s25;
	[sflag:s22] =	ssyncadd.s32 $0xFFFFC000  }
0x4b: {  	[hbm4b:s26+s3] =	stream.linear.scatter [tilespmem:s20], [sflag:$0x3], $0x4000, $0x38;
	[tilespmem:$0x1E080] =	vst v63  }
0x4c: {  	_ =	swait.ge [sflag:s23], $0x4000  }
0x4d: {  	[sflag:s23] =	ssyncset.done $0x0  }
0x4e: {  	[sflag:s23] =	ssyncadd.s32 $0xFFFFC000  }
0x4f: {  	[hbm4b:s25+s3] =	stream.linear.scatter [tilespmem:s21], [sflag:$0x4], $0x4000, $0x38;
	[tilespmem:$0x1E080] =	vst v63  }
.Ltmp0:
0x50: {  	_ =	swait.ge [sflag:s16], $0x4000;
	(pc) =	sbr.rel @p0 .LBB2_2-.Ltmp0, $4  }
0x51: {  	[sflag:s16] =	ssyncset.done $0x0  }
0x52: {  	[sflag:s16] =	ssyncadd.s32 $0xFFFFC000  }
0x53: {  	s28 =	smov.u32 s31;
	_ =	swait.ge [sflag:s18], $0x4000  }
0x54: {  	s26 =	sshra.s32 s30, $0x2;
	s25 =	sadd.s32 $0x1000, s25;
	[sflag:s18] =	ssyncset.done $0x0  }
0x55: {  	s28 =	sadd.s32 $0x13880, s26;
	[sflag:s18] =	ssyncadd.s32 $0xFFFFC000  }
0x56: {  	[tilespmem:s20], [sflag:$0x4] =	stream.indirect.gather [spmem:s1], $0x80, s28, s19, $0xb8;
	[tilespmem:$0x1E080] =	vst v63  }
0x57: {  	_ =	swait.ge [sflag:s16], $0x4000  }
0x58: {  	[sflag:s16] =	ssyncset.done $0x0  }
0x59: {  	s28 =	sadd.s32 $0x14C80, s26;
	[sflag:s16] =	ssyncadd.s32 $0xFFFFC000  }
0x5a: {  	[tilespmem:s20], [sflag:$0x1] =	stream.indirect.gather.add.f32 [hbm:s4], $0x80, s28, s19, $0xb8;
	[tilespmem:$0x1E080] =	vst v63  }
0x5b: {  	s28 =	sadd.s32 $0x13900, s26  }
0x5c: {  	[tilespmem:s21], [sflag:$0x4] =	stream.indirect.gather [spmem:s1], $0x80, s28, s19, $0xb8;
	[tilespmem:$0x1E080] =	vst v63  }
0x5d: {  	_ =	swait.ge [sflag:s16], $0x4000  }
0x5e: {  	[sflag:s16] =	ssyncset.done $0x0  }
0x5f: {  	s31 =	sadd.s32 $0x14D00, s26;
	[sflag:s16] =	ssyncadd.s32 $0xFFFFC000  }
0x60: {  	[tilespmem:s21], [sflag:$0x2] =	stream.indirect.gather.add.f32 [hbm:s4], $0x80, s31, s19, $0xb8;
	[tilespmem:$0x1E080] =	vst v63  }
0x61: {  	_ =	swait.ge [sflag:s22], $0x4000  }
0x62: {  	[sflag:s22] =	ssyncset.done $0x0  }
0x63: {  	s29 =	sadd.s32 $0xFFFFF800, s25;
	[sflag:s22] =	ssyncadd.s32 $0xFFFFC000  }
0x64: {  	[hbm4b:s29+s3] =	stream.linear.scatter [tilespmem:s20], [sflag:$0x3], $0x4000, $0x38;
	[tilespmem:$0x1E080] =	vst v63  }
0x65: {  	_ =	swait.ge [sflag:s23], $0x4000  }
0x66: {  	[sflag:s23] =	ssyncset.done $0x0  }
0x67: {  	[sflag:s23] =	ssyncadd.s32 $0xFFFFC000  }
0x68: {  	[hbm4b:s25+s3] =	stream.linear.scatter [tilespmem:s21], [sflag:$0x4], $0x4000, $0x38;
	[tilespmem:$0x1E080] =	vst v63  }
0x69: {  	_ =	swait.ge [sflag:s16], $0x4000  }
0x6a: {  	[sflag:s16] =	ssyncset.done $0x0  }
0x6b: {  	[sflag:s16] =	ssyncadd.s32 $0xFFFFC000  }
0x6c: {  	_ =	swait.ge [sflag:s18], $0x4000  }
0x6d: {  	[sflag:s18] =	ssyncset.done $0x0  }
0x6e: {  	s30 =	simm.s32 $0x0;
	[sflag:s18] =	ssyncadd.s32 $0xFFFFC000  }
0x6f: {  	[tilespmem:s15], [sflag:$0x4] =	stream.linear.gather [hbm4b:s9+s30], $0x1400, $0x38;
	[tilespmem:$0x1E080] =	vst v63  }
0x70: {  	_ =	swait.ge [sflag:s16], $0x1400  }
0x71: {  	[sflag:s16] =	ssyncset.done $0x0  }
0x72: {  	[sflag:s16] =	ssyncadd.s32 $0xFFFFEC00  }
0x73: {  	[tilespmem:s17], [sflag:$0x4] =	stream.linear.gather [hbm4b:s10+s30], $0x1400, $0x38;
	[tilespmem:$0x1E080] =	vst v63  }
0x74: {  	_ =	swait.ge [sflag:s16], $0x1400  }
0x75: {  	[sflag:s16] =	ssyncset.done $0x0  }
0x76: {  	s31 =	simm.s32 $0x13880;
	[sflag:s16] =	ssyncadd.s32 $0xFFFFEC00  }
0x77: {  	[tilespmem:s20], [sflag:$0x4] =	stream.indirect.gather [spmem:s1], $0x80, s31, s19, $0xb8;
	[tilespmem:$0x1E080] =	vst v63  }
0x78: {  	_ =	swait.ge [sflag:s16], $0x4000  }
0x79: {  	[sflag:s16] =	ssyncset.done $0x0  }
0x7a: {  	s26 =	simm.s32 $0x14C80;
	[sflag:s16] =	ssyncadd.s32 $0xFFFFC000  }
0x7b: {  	[tilespmem:s20], [sflag:$0x1] =	stream.indirect.gather.add.f32 [hbm:s4], $0x80, s26, s19, $0xb8;
	[tilespmem:$0x1E080] =	vst v63  }
0x7c: {  	s29 =	simm.s32 $0x13900  }
0x7d: {  	[tilespmem:s21], [sflag:$0x4] =	stream.indirect.gather [spmem:s1], $0x80, s29, s19, $0xb8;
	[tilespmem:$0x1E080] =	vst v63  }
0x7e: {  	_ =	swait.ge [sflag:s16], $0x4000  }
0x7f: {  	[sflag:s16] =	ssyncset.done $0x0  }
0x80: {  	s30 =	simm.s32 $0x14D00;
	[sflag:s16] =	ssyncadd.s32 $0xFFFFC000  }
0x81: {  	[tilespmem:s21], [sflag:$0x2] =	stream.indirect.gather.add.f32 [hbm:s4], $0x80, s30, s19, $0xb8;
	[tilespmem:$0x1E080] =	vst v63  }
0x82: {  	_ =	swait.ge [sflag:s22], $0x4000  }
0x83: {  	[sflag:s22] =	ssyncset.done $0x0  }
0x84: {  	s31 =	sadd.s32 $0xFFFFF800, s13;
	[sflag:s22] =	ssyncadd.s32 $0xFFFFC000  }
0x85: {  	[hbm4b:s31+s3] =	stream.linear.scatter [tilespmem:s20], [sflag:$0x3], $0x4000, $0x38;
	[tilespmem:$0x1E080] =	vst v63  }
0x86: {  	_ =	swait.ge [sflag:s23], $0x4000  }
0x87: {  	[sflag:s23] =	ssyncset.done $0x0  }
0x88: {  	[sflag:s23] =	ssyncadd.s32 $0xFFFFC000  }
0x89: {  	[hbm4b:s13+s3] =	stream.linear.scatter [tilespmem:s21], [sflag:$0x4], $0x4000, $0x38;
	[tilespmem:$0x1E080] =	vst v63  }
0x8a: {  	_ =	swait.ge [sflag:s16], $0x4000  }
0x8b: {  	[sflag:s16] =	ssyncset.done $0x0  }
0x8c: {  	[sflag:s16] =	ssyncadd.s32 $0xFFFFC000  }
0x8d: {  	s28 =	simm.s32 $0x800;
	_ =	swait.ge [sflag:s18], $0x4000  }
0x8e: {  	s25 =	sadd.s32 $0x1000, s13;
	s26 =	simm.s32 $0x100;
	[sflag:s18] =	ssyncset.done $0x0  }
.LBB2_4:
0x8f: {  	s29 =	sadd.s32 $0x13880, s26  }
0x90: {  	[sflag:s18] =	ssyncadd.s32 $0xFFFFC000;
	s30 =	smov.u32 s28;
	s31 =	sadd.s32 $0x400, s28  }
0x91: {  	[tilespmem:s20], [sflag:$0x4] =	stream.indirect.gather [spmem:s1], $0x80, s29, s19, $0xb8;
	[tilespmem:$0x1E080] =	vst v63  }
0x92: {  	p0 =	sne.s32 s28, $0x4C00;
	_ =	swait.ge [sflag:s16], $0x4000  }
0x93: {  	[sflag:s16] =	ssyncset.done $0x0  }
0x94: {  	s28 =	sadd.s32 $0x14C80, s26;
	[sflag:s16] =	ssyncadd.s32 $0xFFFFC000  }
0x95: {  	[tilespmem:s20], [sflag:$0x1] =	stream.indirect.gather.add.f32 [hbm:s4], $0x80, s28, s19, $0xb8;
	[tilespmem:$0x1E080] =	vst v63  }
0x96: {  	s28 =	sadd.s32 $0x13900, s26  }
0x97: {  	[tilespmem:s21], [sflag:$0x4] =	stream.indirect.gather [spmem:s1], $0x80, s28, s19, $0xb8;
	[tilespmem:$0x1E080] =	vst v63  }
0x98: {  	_ =	swait.ge [sflag:s16], $0x4000  }
0x99: {  	[sflag:s16] =	ssyncset.done $0x0  }
0x9a: {  	s26 =	sadd.s32 $0x14D00, s26;
	[sflag:s16] =	ssyncadd.s32 $0xFFFFC000  }
0x9b: {  	[tilespmem:s21], [sflag:$0x2] =	stream.indirect.gather.add.f32 [hbm:s4], $0x80, s26, s19, $0xb8;
	[tilespmem:$0x1E080] =	vst v63  }
0x9c: {  	_ =	swait.ge [sflag:s22], $0x4000  }
0x9d: {  	[sflag:s22] =	ssyncset.done $0x0  }
0x9e: {  	s26 =	sadd.s32 $0xFFFFF800, s25;
	[sflag:s22] =	ssyncadd.s32 $0xFFFFC000  }
0x9f: {  	[hbm4b:s26+s3] =	stream.linear.scatter [tilespmem:s20], [sflag:$0x3], $0x4000, $0x38;
	[tilespmem:$0x1E080] =	vst v63  }
0xa0: {  	_ =	swait.ge [sflag:s23], $0x4000  }
0xa1: {  	[sflag:s23] =	ssyncset.done $0x0  }
0xa2: {  	[sflag:s23] =	ssyncadd.s32 $0xFFFFC000  }
0xa3: {  	[hbm4b:s25+s3] =	stream.linear.scatter [tilespmem:s21], [sflag:$0x4], $0x4000, $0x38;
	[tilespmem:$0x1E080] =	vst v63  }
.Ltmp1:
0xa4: {  	_ =	swait.ge [sflag:s16], $0x4000;
	(pc) =	sbr.rel @p0 .LBB2_4-.Ltmp1, $4  }
0xa5: {  	[sflag:s16] =	ssyncset.done $0x0  }
0xa6: {  	[sflag:s16] =	ssyncadd.s32 $0xFFFFC000  }
0xa7: {  	s28 =	smov.u32 s31;
	_ =	swait.ge [sflag:s18], $0x4000  }
0xa8: {  	s26 =	sshra.s32 s30, $0x2;
	s25 =	sadd.s32 $0x1000, s25;
	[sflag:s18] =	ssyncset.done $0x0  }
0xa9: {  	s28 =	sadd.s32 $0x13880, s26;
	[sflag:s18] =	ssyncadd.s32 $0xFFFFC000  }
0xaa: {  	[tilespmem:s20], [sflag:$0x4] =	stream.indirect.gather [spmem:s1], $0x80, s28, s19, $0xb8;
	[tilespmem:$0x1E080] =	vst v63  }
0xab: {  	_ =	swait.ge [sflag:s16], $0x4000  }
0xac: {  	[sflag:s16] =	ssyncset.done $0x0  }
0xad: {  	s31 =	sadd.s32 $0x14C80, s26;
	[sflag:s16] =	ssyncadd.s32 $0xFFFFC000  }
0xae: {  	[tilespmem:s20], [sflag:$0x1] =	stream.indirect.gather.add.f32 [hbm:s4], $0x80, s31, s19, $0xb8;
	[tilespmem:$0x1E080] =	vst v63  }
0xaf: {  	s29 =	sadd.s32 $0x13900, s26  }
0xb0: {  	[tilespmem:s21], [sflag:$0x4] =	stream.indirect.gather [spmem:s1], $0x80, s29, s19, $0xb8;
	[tilespmem:$0x1E080] =	vst v63  }
0xb1: {  	_ =	swait.ge [sflag:s16], $0x4000  }
0xb2: {  	[sflag:s16] =	ssyncset.done $0x0  }
0xb3: {  	s30 =	sadd.s32 $0x14D00, s26;
	[sflag:s16] =	ssyncadd.s32 $0xFFFFC000  }
0xb4: {  	[tilespmem:s21], [sflag:$0x2] =	stream.indirect.gather.add.f32 [hbm:s4], $0x80, s30, s19, $0xb8;
	[tilespmem:$0x1E080] =	vst v63  }
0xb5: {  	_ =	swait.ge [sflag:s22], $0x4000  }
0xb6: {  	[sflag:s22] =	ssyncset.done $0x0  }
0xb7: {  	s31 =	sadd.s32 $0xFFFFF800, s25;
	[sflag:s22] =	ssyncadd.s32 $0xFFFFC000  }
0xb8: {  	[hbm4b:s31+s3] =	stream.linear.scatter [tilespmem:s20], [sflag:$0x3], $0x4000, $0x38;
	[tilespmem:$0x1E080] =	vst v63  }
0xb9: {  	_ =	swait.ge [sflag:s23], $0x4000  }
0xba: {  	[sflag:s23] =	ssyncset.done $0x0  }
0xbb: {  	s24 =	sadd.s32 $0x1, s24;
	[sflag:s23] =	ssyncadd.s32 $0xFFFFC000  }
0xbc: {  	[hbm4b:s25+s3] =	stream.linear.scatter [tilespmem:s21], [sflag:$0x4], $0x4000, $0x38;
	[tilespmem:$0x1E080] =	vst v63  }
0xbd: {  	p0 =	sne.s32 s24, s11;
	_ =	swait.ge [sflag:s16], $0x4000  }
.Ltmp2:
0xbe: {  	[sflag:s16] =	ssyncset.done $0x0;
	(pc) =	sbr.rel @p0 .LBB2_1-.Ltmp2, $4  }
0xbf: {  	[sflag:s16] =	ssyncadd.s32 $0xFFFFC000  }
0xc0: {  	_ =	swait.ge [sflag:s18], $0x4000  }
0xc1: {  	[sflag:s18] =	ssyncset.done $0x0  }
0xc2: {  	[sflag:s18] =	ssyncadd.s32 $0xFFFFC000  }
0xc3: {  	_ =	sfence.sel $0x180000  }
0xc4: {  	[bflag:$0x0] =	sbarrier.arrive $0xFFFF  }
0xc5: {  	p0 =	sne.s32 s2, $0x0;
	_ =	strace $0x90000047  }
0xc6: {  	s0 =	sadd.s32 @!p0 $0x100000, s0;
	[bflag:$0x2] =	sbarrier.arrive $0xFFFF  }
0xc7: {  	[sflag:s0] =	ssyncadd.tile.s32 @!p0 $0x1;
	_ =	shalt  }
.Lfunc_end2:
_tile_overlayer_lowered:
.L_overlay_start_2:
0xc8: {  	(tag) =	ssettag $0x2  }
0xc9: {  	s0 =	rddreg [dreg:$0x0];
	s2 =	stileid.u32  }
0xca: {  	s1 =	rddreg [dreg:$0x1];
	p0 =	sne.s32 s2, $0x0  }
0xcb: {  	s3 =	rddreg [dreg:$0x2];
	[bflag:$0x3] =	sbarrier.arrive $0xFFFF;
	s2 =	simm.s32 @!p0 $0x1C04  }
0xcc: {  	[timem:s3], [sflag:s2] =	dma.local @!p0 [hbm:s0], s1  }
0xcd: {  	s0 =	simm.s32 @!p0 $0x4  }
0xce: {  	_ =	swait.ge @!p0 [sflag:s0], s1  }
0xcf: {  	s1 =	ssub.s32 @!p0 $0x0, s1;
	[sflag:s0] =	ssyncset.done @!p0 $0x0  }
0xd0: {  	[sflag:s0] =	ssyncadd.s32 @!p0 s1  }
0xd1: {  	[bflag:$0x3] =	sbarrier.arrive $0xFFFF  }
0xd2: {  	_ =	shalt  }

// kernel: kernel.15.cloned.1.call-start
scs
__scs_entry_jumppad:
0x0: {  	(pc) =	sbr.rel $0x88, $3  }
0x1: {  	(tag) =	ssettag $0x0;
	lr =	simm.s32 $0x1  }
0x2: {  	[smem:$0x3F96] =	sst lr;
	_ =	strace $0xD0000000  }
0x3: {  	_ = 	snop  }
0x4: {  	_ = 	snop  }
0x5: {  	_ = 	snop  }
0x6: {  	_ = 	snop  }
0x7: {  	_ = 	snop  }
__scs_overlays_trampoline_lowered:
0x8: {  	[smem:$0x3FA5] =	sst s0  }
0x9: {  	[smem:$0x3FA6] =	sst s1  }
0xa: {  	[smem:$0x3FA7] =	sst s2  }
0xb: {  	[smem:$0x3FA8] =	sst s3  }
0xc: {  	[smem:$0x3FA9] =	sst s4  }
0xd: {  	[smem:$0x3FAA] =	sst s5  }
0xe: {  	[smem:$0x3FAB] =	sst s6  }
0xf: {  	[smem:$0x3FAC] =	sst s7  }
0x10: {  	[smem:$0x3FAD] =	sst s8  }
0x11: {  	[smem:$0x3FAE] =	sst s9;
	s0 =	simm.s32 @!p0 $0x0  }
0x12: {  	s1 =	sld [smem:$0x3F94];
	s0 =	simm.s32 @p0 $0x1  }
0x13: {  	[smem:$0x3FAF] =	sst s0;
	s0 =	simm.s32 @!p1 $0x0  }
0x14: {  	s2 =	sld [smem:$0x3F93];
	s0 =	simm.s32 @p1 $0x1  }
0x15: {  	[smem:$0x3FB0] =	sst s0;
	s0 =	simm.s32 @!p2 $0x0  }
0x16: {  	s3 =	sld [smem:$0x3FDB];
	s0 =	simm.s32 @p2 $0x1  }
0x17: {  	s4 =	simm.s32 $0x1BF5;
	[smem:$0x3FB2] =	sst s0  }
0x18: {  	s0 =	sld [smem:$0x3F95];
	_ =	swait.ge [sflag:s4], $0x0  }
0x19: {  	s7 =	sld [smem:$0x3F96]  }
0x1a: {  	s8 =	sadd.s32 $0xFFFFE003, lr  }
0x1b: {  	s9 =	sadd.s32 $0xFFFFFEF7, lr;
	s5 =	simm.s32 $0xFFFFFFFF;
	p2 =	slt.u32 s8, $0xFFFFF086  }
0x1c: {  	p1 =	slt.u32 s9, $0xF7A;
	s5 =	simm.s32 @!p2 $0x0  }
0x1d: {  	s5 =	simm.s32 @p1 $0x1;
	p0 =	seq.s32 s7, s2  }
0x1e: {  	s7 =	smul.u32 @!p0 $0xF7A, s2;
	p2 =	seq.s32 @!p0 s5, $0x0  }
0x1f: {  	s9 =	smul.u32 $0xF7A, s1;
	s8 =	simm.s32 @!p0 $0x1BF5;
	p2 =	por !p2, p0  }
0x20: {  	[sflag:s8] =	ssyncset.s32 @!p0 $0xFFFFF086;
	s6 =	sadd.s32 @!p0 s3, s7;
	s7 =	simm.s32 @!p0 $0x108  }
0x21: {  	s3 =	sadd.s32 s3, s9;
	s6 =	sadd.s32 @!p0 $0x88, s6;
	s7 =	simm.s32 @p2 $0x1082  }
0x22: {  	[simem:s7], [sflag:s8] =	dma.local @!p0 [hbm:s6], $0xF7A  }
0x23: {  	s9 =	sor.u32 $0xD0000000, s2;
	s6 =	simm.s32 $0x108;
	_ =	swait.ge @!p0 [sflag:s8], $0x0  }
0x24: {  	s3 =	sadd.s32 $0x88, s3;
	s6 =	simm.s32 @!p1 $0x1082;
	[sflag:s4] =	ssyncset.s32 $0xFFFFF086  }
0x25: {  	[simem:s6], [sflag:s4] =	dma.local [hbm:s3], $0xF7A  }
0x26: {  	[smem:$0x3F96] =	sst s1;
	(tag) =	ssettag s2;
	_ =	strace s9  }
0x27: {  	s1 =	sld [smem:$0x3FA6]  }
0x28: {  	s2 =	sld [smem:$0x3FA7]  }
0x29: {  	s4 =	sld [smem:$0x3FA9]  }
0x2a: {  	p0 =	seq.s32 s5, $0x0;
	s5 =	sld [smem:$0x3FAA]  }
0x2b: {  	s6 =	sld [smem:$0x3FAB]  }
0x2c: {  	s7 =	sld [smem:$0x3FAC]  }
0x2d: {  	s3 =	simm.s32 $0x108;
	s8 =	sld [smem:$0x3FAD]  }
0x2e: {  	s3 =	simm.s32 @!p0 $0x1082;
	s9 =	sld [smem:$0x3FAE]  }
0x2f: {  	lr =	sadd.s32 s0, s3;
	s0 =	sld [smem:$0x3FA5]  }
0x30: {  	s3 =	sld [smem:$0x3FA8]  }
0x31: {  	[smem:$0x3FB1] =	sst s10  }
0x32: {  	s10 =	sld [smem:$0x3FAF];
	_ =	sdelay $0x3  }
0x33: {  	p0 =	seq.s32 s10, $0x1;
	s10 =	sld [smem:$0x3FB1];
	_ =	sdelay $0x3  }
0x34: {  	[smem:$0x3FB1] =	sst s10  }
0x35: {  	s10 =	sld [smem:$0x3FB0];
	_ =	sdelay $0x3  }
0x36: {  	p1 =	seq.s32 s10, $0x1;
	s10 =	sld [smem:$0x3FB1];
	_ =	sdelay $0x3  }
0x37: {  	[smem:$0x3FB1] =	sst s10  }
0x38: {  	s10 =	sld [smem:$0x3FB2]  }
0x39: {  	_ = 	snop;
	(pc) =	sbr.ind lr, $3  }
0x3a: {  	_ = 	snop  }
0x3b: {  	_ = 	snop  }
0x3c: {  	p2 =	seq.s32 s10, $0x1;
	s10 =	sld [smem:$0x3FB1]  }
0x3d: {  	_ =	shalt  }
0x3e: {  	_ =	shalt  }
0x3f: {  	_ =	shalt  }
0x40: {  	_ =	shalt  }
0x41: {  	_ =	shalt  }
0x42: {  	_ =	shalt  }
0x43: {  	_ =	shalt  }
0x44: {  	_ =	shalt  }
0x45: {  	_ =	shalt  }
0x46: {  	_ =	shalt  }
0x47: {  	_ =	shalt  }
0x48: {  	_ =	shalt  }
0x49: {  	_ =	shalt  }
0x4a: {  	_ =	shalt  }
0x4b: {  	_ =	shalt  }
0x4c: {  	_ =	shalt  }
0x4d: {  	_ =	shalt  }
0x4e: {  	_ =	shalt  }
0x4f: {  	_ =	shalt  }
0x50: {  	_ =	shalt  }
0x51: {  	_ =	shalt  }
0x52: {  	_ =	shalt  }
0x53: {  	_ =	shalt  }
0x54: {  	_ =	shalt  }
0x55: {  	_ =	shalt  }
0x56: {  	_ =	shalt  }
0x57: {  	_ =	shalt  }
0x58: {  	_ =	shalt  }
0x59: {  	_ =	shalt  }
0x5a: {  	_ =	shalt  }
0x5b: {  	_ =	shalt  }
0x5c: {  	_ =	shalt  }
0x5d: {  	_ =	shalt  }
0x5e: {  	_ =	shalt  }
0x5f: {  	_ =	shalt  }
0x60: {  	_ =	shalt  }
0x61: {  	_ =	shalt  }
0x62: {  	_ =	shalt  }
0x63: {  	_ =	shalt  }
0x64: {  	_ =	shalt  }
0x65: {  	_ =	shalt  }
0x66: {  	_ =	shalt  }
0x67: {  	_ =	shalt  }
0x68: {  	_ =	shalt  }
0x69: {  	_ =	shalt  }
0x6a: {  	_ =	shalt  }
0x6b: {  	_ =	shalt  }
0x6c: {  	_ =	shalt  }
0x6d: {  	_ =	shalt  }
0x6e: {  	_ =	shalt  }
0x6f: {  	_ =	shalt  }
0x70: {  	_ =	shalt  }
0x71: {  	_ =	shalt  }
0x72: {  	_ =	shalt  }
0x73: {  	_ =	shalt  }
0x74: {  	_ =	shalt  }
0x75: {  	_ =	shalt  }
0x76: {  	_ =	shalt  }
0x77: {  	_ =	shalt  }
0x78: {  	_ =	shalt  }
0x79: {  	_ =	shalt  }
0x7a: {  	_ =	shalt  }
0x7b: {  	_ =	shalt  }
0x7c: {  	_ =	shalt  }
0x7d: {  	_ =	shalt  }
0x7e: {  	_ =	shalt  }
0x7f: {  	_ =	shalt  }
0x80: {  	_ =	shalt  }
0x81: {  	_ =	shalt  }
0x82: {  	_ =	shalt  }
0x83: {  	_ =	shalt  }
0x84: {  	_ =	shalt  }
0x85: {  	_ =	shalt  }
0x86: {  	_ =	shalt  }
0x87: {  	_ =	shalt  }
.Lfunc_end0:
.L_simem_size_0:
called_computation.1_lowered:
.L_overlay_start_0:
0x88: {  	s2 =	sld [smem:$0x3FD9]  }
0x89: {  	s3 =	sld [smem:$0x3FFE];
	_ =	sdelay $0x1  }
0x8a: {  	s1 =	srdreg.scid  }
0x8b: {  	s0 =	sand.u32 $0x1, s1  }
0x8c: {  	s14 =	sshll.u32 s0, $0xA;
	s2 =	sadd.s32 s3, s2  }
0x8d: {  	s2 =	sadd.s32 s2, s14  }
0x8e: {  	[smem:$0x3FBD] =	sst s2  }
0x8f: {  	_ = 	snop  }
0x90: {  	s2 =	sld [smem:$0x3FD0];
	_ =	sdelay $0x2  }
0x91: {  	s15 =	simm.s32 $0xA;
	s4 =	simm.s32 $0x10  }
0x92: {  	[smem:s4], [sflag:s15] =	dma.local [hbm:s2], $0x1  }
0x93: {  	_ =	swait.eq [sflag:s15], $0x1  }
0x94: {  	[sflag:s15] =	ssyncset.done $0x0  }
0x95: {  	[sflag:s15] =	ssyncadd.s32 $0xFFFFFFFF  }
0x96: {  	s16 =	sld [smem:$0x11];
	(tm) =	ssettm $0x1  }
0x97: {  	s17 =	sld [smem:$0x3FFB];
	_ =	sdelay $0x3  }
0x98: {  	_ =	strace s17  }
0x99: {  	s3 =	sld [smem:$0x3FFC];
	_ =	sdelay $0x3  }
0x9a: {  	_ =	strace s3  }
0x9b: {  	s3 =	sld [smem:$0x3FFD];
	_ =	sdelay $0x3  }
0x9c: {  	_ =	strace s3  }
0x9d: {  	_ =	strace $0x8FFFFFFF  }
0x9e: {  	s18 =	sld [smem:$0x3FDB];
	_ =	sdelay $0x1  }
0x9f: {  	s19 =	simm.s32 $_scs_section_size  }
0xa0: {  	s5 =	simm.s32 $_size__tile_overlayer_lowered;
	s6 =	simm.s32 $_tile_overlayer_lowered  }
0xa1: {  	s22 =	simm.s32 $0x1BFF;
	s21 =	sshll.u32 s6, $0x1;
	s3 =	sadd.s32 s19, s18  }
0xa2: {  	s7 =	simm.s32 $0x0;
	s20 =	sshll.u32 s5, $0x1;
	s5 =	sadd.s32 s21, s3  }
0xa3: {  	[timem:s7], [sflag:s22] =	dma.local [hbm:s5], s20  }
0xa4: {  	_ =	swait.ge [sflag:s22], s20  }
0xa5: {  	s4 =	ssub.s32 $0x0, s20;
	[sflag:s22] =	ssyncset.done $0x0  }
0xa6: {  	[sflag:s22] =	ssyncadd.s32 s4;
	_ =	sdelay $0x1  }
0xa7: {  	s23 =	simm.s32 $0x1B8B  }
0xa8: {  	_ =	swait.ge [sflag:s23], $0x1  }
0xa9: {  	[sflag:s23] =	ssyncset.done $0x0  }
0xaa: {  	s25 =	simm.s32 $0x1B8E;
	s24 =	sld [smem:$0x3FFE];
	[sflag:s23] =	ssyncadd.s32 $0xFFFFFFFF  }
0xab: {  	s26 =	simm.s32 $execute0_lowered;
	[smem:$0x3FD2] =	sst s25  }
0xac: {  	s5 =	sshll.u32 s26, $0x1;
	_ =	strace $0x80000049;
	[dreg:$0x1] =	wrdreg $0xFFFFFFFF  }
0xad: {  	s28 =	simm.s32 $_size_execute0_lowered;
	s3 =	sadd.s32 s3, s5;
	[dreg:$0x0] =	wrdreg $0x0  }
0xae: {  	s5 =	sshll.u32 s28, $0x1;
	[dreg:$0x2] =	wrdreg s3  }
0xaf: {  	[dreg:$0x3] =	wrdreg s5  }
0xb0: {  	[dreg:$0x4] =	wrdreg $0xC0  }
0xb1: {  	_ =	task [dreg:s7], $0x5FFFF  }
0xb2: {  	[dreg:$0x1] =	wrdreg $0xFFFFFFFF  }
0xb3: {  	[dreg:$0x0] =	wrdreg $0x60  }
0xb4: {  	[dreg:$0x2] =	wrdreg s24  }
0xb5: {  	[dreg:$0x3] =	wrdreg s16  }
0xb6: {  	[dreg:$0x4] =	wrdreg $0x0  }
0xb7: {  	[dreg:$0x5] =	wrdreg $0x9  }
0xb8: {  	_ =	task.clear_ibuf [dreg:s7], $0x6FFFF;
	_ =	strace $0x90000049  }
0xb9: {  	s29 =	simm.s32 $0x9;
	_ =	strace $0x8000004B  }
0xba: {  	_ =	swait.ge [sflag:s29], $0x1  }
0xbb: {  	[sflag:s29] =	ssyncadd.s32 $0xFFFFFFFF  }
0xbc: {  	_ =	strace $0x9000004B  }
0xbd: {  	_ =	sfence  }
0xbe: {  	s30 =	sld [smem:$0x0];
	_ =	sdelay $0x2  }
0xbf: {  	s31 =	sshll.u32 s1, $0xD;
	s1 =	sshrl.u32 s1, $0x2  }
0xc0: {  	s3 =	sand.u32 $0x4000, s31;
	s1 =	sadd.s32 s1, s30  }
0xc1: {  	s0 =	sor.u32 s3, s0;
	s1 =	sshll.u32 s1, $0x11  }
0xc2: {  	s0 =	sor.u32 s1, s0  }
0xc3: {  	s0 =	sadd.s32 $0x8F2B, s0  }
0xc4: {  	[sflag:s0] =	ssyncadd.remote.s32 $0x1  }
0xc5: {  	_ =	sfence.sel $0xFFFF  }
0xc6: {  	[dreg:$0x0] =	wrdreg $0xFFFFFFFF;
	(pc) =	sbr.abs _section_cstart, $3  }
0xc7: {  	[dreg:$0x1] =	wrdreg $0xFFFFFFFF  }
0xc8: {  	_ =	task.clear_ibuf [dreg:s7], $0x2FFFF;
	_ =	strace $0x9FFFFFFF  }
0xc9: {  	(tm) =	ssettm $0x7FFFFFFF  }
tec
execute0_lowered:
.L_overlay_start_1:
0x0: {  	(tag) =	ssettag $0x1  }
0x1: {  	s1 =	rddreg [dreg:$0x0];
	s2 =	srdreg.scid  }
0x2: {  	s0 =	stileid.u32;
	s4 =	rddreg [dreg:$0x1]  }
0x3: {  	s28 =	simm.s32 $0x3;
	s29 =	simm.s32 $0x16000;
	s30 =	simm.s32 $0x1A000  }
0x4: {  	s31 =	simm.s32 $0x1;
	s5 =	sand.u32 $0x1, s2;
	s3 =	sshll.u32 s0, $0x1  }
0x5: {  	s2 =	rddreg [dreg:$0x2];
	s13 =	sshll.u32 s0, $0xE;
	s26 =	smul.u32 $0x13C00, s0  }
0x6: {  	s20 =	sor.u32 $0x40, s0;
	s16 =	smul.u32 $0x9E, s0;
	s6 =	sor.u32 s5, s3  }
0x7: {  	s3 =	simm.s32 $0x0;
	s8 =	smul.u32 $0x138800, s5;
	s9 =	ssub.s32 $0x2, s5  }
0x8: {  	s17 =	sor.u32 $0x40000, s13;
	s18 =	sor.u32 $0x80000, s13;
	s19 =	sor.u32 $0xC0000, s13  }
0x9: {  	p1 =	slt.u32 s20, $0x4E;
	s7 =	smul.u32 $0x4F, s6;
	[smem:$0x7FF] =	sst s3  }
0xa: {  	s11 =	sshrl.u32 s9, $0x1;
	p0 =	seq.s32 s6, $0x1F;
	p2 =	sne.s32 @!p1 s0, $0xE  }
0xb: {  	_ =	strace $0x8000004A;
	s12 =	sshrl.u32 s8, $0x3;
	s14 =	ssub.s32 s9, s11  }
0xc: {  	s21 =	sadd.s32 s8, s13;
	s22 =	sadd.s32 s8, s17;
	s15 =	sadd.s32 s8, s18  }
0xd: {  	s25 =	sadd.s32 s8, s19;
	p2 =	por p2, p1;
	s10 =	smin.u32 s7, $0x975  }
0xe: {  	s12 =	sadd.s32 s4, s12;
	s9 =	sshrl.u32 s21, $0x3;
	s11 =	sshrl.u32 s22, $0x3  }
0xf: {  	s24 =	sshrl.u32 s15, $0x3;
	s21 =	sshll.u32 s20, $0xE;
	s22 =	smul.u32 $0x4F, s5  }
0x10: {  	s5 =	smul.u32 $0x9E00, s5;
	s9 =	sadd.s32 s4, s9;
	s23 =	sadd.s32 s4, s11  }
0x11: {  	s8 =	sadd.s32 s8, s21;
	s11 =	sadd.s32 $0x43C00, s1;
	[dreg:$0x4] =	wrdreg s9  }
0x12: {  	[dreg:$0x5] =	wrdreg s23;
	s9 =	sadd.s32 s4, s24;
	s8 =	sshrl.u32 s8, $0x3  }
0x13: {  	s23 =	sshll.u32 s10, $0x4;
	s10 =	ssub.s32 s7, s10;
	s5 =	sadd.s32 s5, s26  }
0x14: {  	s26 =	smax.u32 s14, $0x1;
	[dreg:$0x6] =	wrdreg s9;
	s9 =	sshrl.u32 s25, $0x3  }
0x15: {  	s25 =	sadd.s32 $0x27000, s12;
	[dreg:$0xb] =	wrdreg s26;
	s12 =	sadd.s32 $0x4E, s7  }
0x16: {  	s26 =	sshll.u32 s0, $0xB;
	s9 =	sadd.s32 s4, s9;
	s4 =	sadd.s32 s4, s8  }
0x17: {  	s8 =	sadd.s32 s22, s16;
	[dreg:$0xa] =	wrdreg s25;
	s14 =	smin.u32 s12, $0x9C3  }
0x18: {  	s22 =	sadd.s32 s13, s2;
	s25 =	sadd.s32 s19, s2;
	[dreg:$0x7] =	wrdreg s9  }
0x19: {  	s13 =	sadd.s32 s21, s2;
	[dreg:$0x8] =	wrdreg s4;
	s9 =	sadd.s32 $0x43400, s1  }
0x1a: {  	s4 =	sadd.s32 s23, s1;
	s15 =	smin.u32 s8, $0x975;
	s6 =	sshll.u32 s14, $0xB  }
0x1b: {  	s23 =	sadd.s32 s17, s2;
	s17 =	sadd.s32 s26, s2;
	s19 =	sadd.s32 $0x1, s8  }
0x1c: {  	s20 =	sshrl.u32 s22, $0x3;
	s26 =	simm.s32 $0x4;
	s4 =	sadd.s32 $0xF200, s4  }
0x1d: {  	s24 =	sshll.u32 s15, $0x9;
	s15 =	sshll.u32 s10, $0x9;
	s6 =	sadd.s32 s9, s6  }
0x1e: {  	s21 =	sshrl.u32 s23, $0x3;
	s23 =	sshrl.u32 s25, $0x3;
	[dreg:$0x9] =	wrdreg s4  }
0x1f: {  	s1 =	ssub.s32 s5, s24;
	s4 =	sadd.s32 $0x138000, s2;
	s5 =	smin.u32 s12, $0x9C2  }
0x20: {  	s7 =	sshra.s32 s15, $0x2;
	[dreg:$0xc] =	wrdreg s6;
	s24 =	sadd.s32 s18, s2  }
0x21: {  	s5 =	sshll.u32 s5, $0xB;
	s16 =	sadd.s32 $0x15F80, s7;
	s1 =	sshra.s32 s1, $0x2  }
0x22: {  	s22 =	sshrl.u32 s24, $0x3;
	s24 =	sshrl.u32 @p1 s13, $0x3;
	s25 =	sshrl.u32 @!p2 s4, $0x3  }
0x23: {  	s4 =	simm.s32 $0x0;
	s5 =	sadd.s32 s5, s11;
	[dreg:$0xe] =	wrdreg s16  }
0x24: {  	v0 =	vimm.f32 $0.0e+00;
	s18 =	sadd.s32 $0x13880, s1;
	s1 =	simm.s32 $0x2;
	[dreg:$0xd] =	wrdreg s5  }
.LBB2_1:
0x25: {  	s5 =	simm.s32 $0x0;
	s6 =	simm.s32 $0x200  }
.LBB2_2:
0x26: {  	p3 =	sne.s32 s6, $0x1E00;
	[tilespmem:s5+$0x1E070] =	vst v0  }
0x27: {  	[tilespmem:s5+$0x1E000] =	vst v0  }
0x28: {  	[tilespmem:s5+$0x1E010] =	vst v0  }
.Ltmp0:
0x29: {  	[tilespmem:s5+$0x1E020] =	vst v0;
	(pc) =	sbr.rel @p3 .LBB2_2-.Ltmp0, $4  }
0x2a: {  	[tilespmem:s5+$0x1E030] =	vst v0  }
0x2b: {  	[tilespmem:s5+$0x1E040] =	vst v0  }
0x2c: {  	[tilespmem:s5+$0x1E050] =	vst v0  }
0x2d: {  	[tilespmem:s5+$0x1E060] =	vst v0;
	s5 =	sshra.s32 s6, $0x2;
	s6 =	sadd.s32 $0x200, s6  }
0x2e: {  	[tilespmem:s5+$0x1E070] =	vst v0  }
0x2f: {  	[tilespmem:s5+$0x1E000] =	vst v0  }
0x30: {  	[tilespmem:s5+$0x1E010] =	vst v0  }
0x31: {  	[tilespmem:s5+$0x1E020] =	vst v0  }
0x32: {  	[tilespmem:s5+$0x1E030] =	vst v0  }
0x33: {  	[tilespmem:s5+$0x1E040] =	vst v0;
	s6 =	sadd.s32 $0x0, s0  }
0x34: {  	[tilespmem:s5+$0x1E050] =	vst v0;
	p3 =	sgt.u32 s6, $0x270  }
0x35: {  	[tilespmem:s5+$0x1E060] =	vst v0;
	s5 =	simm.s32 @!p3 $0x1E000;
	s8 =	simm.s32 @!p3 $0x3  }
0x36: {  	[spmem:s17] =	stream.linear.scatter @!p3 [tilespmem:s5], [sflag:$0x3], $0x800, $0x38;
	[tilespmem:$0x1E800] =	vst v63  }
0x37: {  	s7 =	simm.s32 $0x20;
	_ =	swait.ge @!p3 [sflag:s8], $0x800  }
0x38: {  	s6 =	simm.s32 $0x10;
	s5 =	sadd.s32 $0x8000, s17;
	[sflag:s8] =	ssyncset.done @!p3 $0x0  }
.LBB2_4:
0x39: {  	s10 =	sadd.s32 s6, s0;
	s6 =	smov.u32 s7;
	s7 =	sadd.s32 $0x10, s7  }
0x3a: {  	[sflag:s8] =	ssyncadd.s32 @!p3 $0xFFFFF800;
	p4 =	sne.s32 s7, $0x280  }
.Ltmp1:
0x3b: {  	p3 =	sgt.u32 s10, $0x270;
	(pc) =	sbr.rel @p4 .LBB2_4-.Ltmp1, $4  }
0x3c: {  	s10 =	simm.s32 @!p3 $0x1E000;
	s8 =	simm.s32 @!p3 $0x3  }
0x3d: {  	[spmem:s5] =	stream.linear.scatter @!p3 [tilespmem:s10], [sflag:$0x3], $0x800, $0x38;
	[tilespmem:$0x1E800] =	vst v63  }
0x3e: {  	_ =	swait.ge @!p3 [sflag:s8], $0x800  }
0x3f: {  	s5 =	sadd.s32 $0x8000, s5;
	[sflag:s8] =	ssyncset.done @!p3 $0x0  }
0x40: {  	s6 =	sadd.s32 s6, s0  }
0x41: {  	p4 =	sgt.u32 s6, $0x270  }
0x42: {  	[sflag:s8] =	ssyncadd.s32 @!p3 $0xFFFFF800;
	s6 =	simm.s32 @!p4 $0x1E000;
	s7 =	simm.s32 @!p4 $0x3  }
0x43: {  	[spmem:s5] =	stream.linear.scatter @!p4 [tilespmem:s6], [sflag:$0x3], $0x800, $0x38;
	[tilespmem:$0x1E800] =	vst v63  }
0x44: {  	s14 =	simm.s32 $0x0;
	_ =	swait.ge @!p4 [sflag:s7], $0x800  }
0x45: {  	s16 =	simm.s32 $0x13880;
	s5 =	sadd.s32 $0xFFFFFFFF, s19;
	[sflag:s7] =	ssyncset.done @!p4 $0x0  }
0x46: {  	p3 =	slt.s32 s5, $0x9C3;
	s15 =	rddreg [dreg:$0x9];
	[sflag:s7] =	ssyncadd.s32 @!p4 $0xFFFFF800  }
0x47: {  	[tilespmem:s16], [sflag:$0x3] =	stream.linear.gather [hbm4b:s15+s14], $0x2780, $0x38;
	[tilespmem:$0x1E800] =	vst v63  }
0x48: {  	s6 =	smov.u32 s5;
	p5 =	slt.s32 s5, $0x9C2;
	_ =	swait.ge [sflag:s28], $0x2780  }
0x49: {  	s6 =	simm.s32 @!p3 $0x9C3;
	p4 =	sgt.u32 s5, $0x9C3;
	[sflag:s28] =	ssyncset.done $0x0  }
0x4a: {  	s5 =	simm.s32 @!p5 $0x9C2;
	s6 =	sshll.u32 s6, $0xB;
	[sflag:s28] =	ssyncadd.s32 $0xFFFFD880  }
0x4b: {  	s6 =	sadd.s32 s9, s6;
	s5 =	sshll.u32 s5, $0xB;
	[bflag:$0x0] =	sbarrier.arrive $0xFFFF  }
0x4c: {  	[tilespmem:s29], [sflag:$0x1] =	stream.linear.gather [hbm4b:s6+s3], $0x4000, $0x38;
	[tilespmem:$0x1E800] =	vst v63  }
0x4d: {  	s5 =	sadd.s32 s5, s11  }
0x4e: {  	[tilespmem:s30], [sflag:$0x2] =	stream.linear.gather [hbm4b:s5+s3], $0x4000, $0x38;
	[tilespmem:$0x1E800] =	vst v63  }
0x4f: {  	_ =	swait.ge [sflag:s31], $0x4000  }
0x50: {  	s7 =	simm.s32 @!p4 $0x16000;
	s8 =	simm.s32 @!p4 $0x4;
	[sflag:s31] =	ssyncset.done $0x0  }
0x51: {  	s6 =	sadd.s32 @!p4 $0x0, s18;
	s5 =	simm.s32 @!p4 $0x80;
	[sflag:s31] =	ssyncadd.s32 $0xFFFFC000  }
0x52: {  	[spmem:s2] =	stream.indirect.scatter.add.f32 @!p4 [tilespmem:s7], [sflag:$0x4], $0x80, s6, s5, $0xb8;
	[tilespmem:$0x1E800] =	vst v63  }
0x53: {  	p3 =	sgt.u32 s19, $0x9C3;
	_ =	swait.ge @!p4 [sflag:s8], $0x4000  }
0x54: {  	s10 =	simm.s32 @!p3 $0x1A000;
	[sflag:s8] =	ssyncset.done @!p4 $0x0  }
0x55: {  	s12 =	simm.s32 @!p3 $0x3;
	s5 =	simm.s32 $0x400;
	[sflag:s8] =	ssyncadd.s32 @!p4 $0xFFFFC000  }
0x56: {  	s6 =	sadd.s32 $0x2, s19;
	s7 =	simm.s32 @!p3 $0x80;
	_ =	swait.ge [sflag:s1], $0x4000  }
0x57: {  	s13 =	sadd.s32 $0xFFFFFFFF, s6;
	s8 =	sadd.s32 @!p3 $0x0, s18;
	[sflag:s1] =	ssyncset.done $0x0  }
0x58: {  	p5 =	slt.s32 s13, $0x9C2;
	s8 =	sadd.s32 @!p3 $0x80, s8;
	[sflag:s1] =	ssyncadd.s32 $0xFFFFC000  }
0x59: {  	[spmem:s2] =	stream.indirect.scatter.add.f32 @!p3 [tilespmem:s10], [sflag:$0x3], $0x80, s8, s7, $0xb8;
	[tilespmem:$0x1E800] =	vst v63  }
0x5a: {  	p4 =	slt.s32 s13, $0x9C3;
	s10 =	smov.u32 s13;
	s8 =	smov.u32 s13  }
0x5b: {  	s7 =	simm.s32 $0x800;
	s10 =	simm.s32 @!p4 $0x9C3;
	s8 =	simm.s32 @!p5 $0x9C2  }
.LBB2_6:
0x5c: {  	s10 =	sshll.u32 s10, $0xB;
	_ =	swait.ge @!p3 [sflag:s12], $0x4000  }
0x5d: {  	s14 =	smov.u32 s5;
	s5 =	smov.u32 s7;
	s7 =	sadd.s32 $0x400, s7  }
0x5e: {  	s8 =	sshll.u32 s8, $0xB;
	s10 =	sadd.s32 s9, s10;
	[sflag:s12] =	ssyncset.done @!p3 $0x0  }
0x5f: {  	p4 =	sne.s32 s7, $0x9C00;
	[sflag:s12] =	ssyncadd.s32 @!p3 $0xFFFFC000  }
0x60: {  	[tilespmem:s29], [sflag:$0x1] =	stream.linear.gather [hbm4b:s10+s3], $0x4000, $0x38;
	[tilespmem:$0x1E800] =	vst v63  }
0x61: {  	p5 =	sgt.u32 s13, $0x9C3;
	s8 =	sadd.s32 s8, s11  }
0x62: {  	[tilespmem:s30], [sflag:$0x2] =	stream.linear.gather [hbm4b:s8+s3], $0x4000, $0x38;
	[tilespmem:$0x1E800] =	vst v63  }
0x63: {  	s10 =	simm.s32 @!p5 $0x80;
	s8 =	sshra.s32 @!p5 s14, $0x2;
	_ =	swait.ge [sflag:s31], $0x4000  }
0x64: {  	s12 =	simm.s32 @!p5 $0x16000;
	s8 =	sadd.s32 @!p5 s8, s18;
	[sflag:s31] =	ssyncset.done $0x0  }
0x65: {  	s13 =	simm.s32 @!p5 $0x4;
	p3 =	sgt.u32 s6, $0x9C3;
	[sflag:s31] =	ssyncadd.s32 $0xFFFFC000  }
0x66: {  	[spmem:s2] =	stream.indirect.scatter.add.f32 @!p5 [tilespmem:s12], [sflag:$0x4], $0x80, s8, s10, $0xb8;
	[tilespmem:$0x1E800] =	vst v63  }
0x67: {  	s6 =	sadd.s32 $0x2, s6;
	s8 =	sshra.s32 @!p3 s14, $0x2;
	_ =	swait.ge @!p5 [sflag:s13], $0x4000  }
0x68: {  	s15 =	simm.s32 @!p3 $0x1A000;
	s8 =	sadd.s32 @!p3 s8, s18;
	[sflag:s13] =	ssyncset.done @!p5 $0x0  }
0x69: {  	s14 =	simm.s32 @!p3 $0x80;
	s16 =	sadd.s32 @!p3 $0x80, s8;
	[sflag:s13] =	ssyncadd.s32 @!p5 $0xFFFFC000  }
.Ltmp2:
0x6a: {  	s13 =	sadd.s32 $0xFFFFFFFF, s6;
	_ =	swait.ge [sflag:s1], $0x4000;
	(pc) =	sbr.rel @p4 .LBB2_6-.Ltmp2, $4  }
0x6b: {  	p5 =	slt.s32 s13, $0x9C3;
	p6 =	slt.s32 s13, $0x9C2;
	[sflag:s1] =	ssyncset.done $0x0  }
0x6c: {  	s10 =	smov.u32 s13;
	s8 =	smov.u32 s13;
	[sflag:s1] =	ssyncadd.s32 $0xFFFFC000  }
0x6d: {  	s12 =	simm.s32 @!p3 $0x3;
	s10 =	simm.s32 @!p5 $0x9C3;
	s8 =	simm.s32 @!p6 $0x9C2  }
0x6e: {  	[spmem:s2] =	stream.indirect.scatter.add.f32 @!p3 [tilespmem:s15], [sflag:$0x3], $0x80, s16, s14, $0xb8;
	[tilespmem:$0x1E800] =	vst v63  }
0x6f: {  	_ =	swait.ge @!p3 [sflag:s12], $0x4000  }
0x70: {  	s7 =	sshll.u32 s10, $0xB;
	[sflag:s12] =	ssyncset.done @!p3 $0x0  }
0x71: {  	s8 =	sshll.u32 s8, $0xB;
	s7 =	sadd.s32 s9, s7;
	[sflag:s12] =	ssyncadd.s32 @!p3 $0xFFFFC000  }
0x72: {  	[tilespmem:s29], [sflag:$0x1] =	stream.linear.gather [hbm4b:s7+s3], $0x4000, $0x38;
	[tilespmem:$0x1E800] =	vst v63  }
0x73: {  	s16 =	sadd.s32 s8, s11  }
0x74: {  	[tilespmem:s30], [sflag:$0x2] =	stream.linear.gather [hbm4b:s16+s3], $0x4000, $0x38;
	[tilespmem:$0x1E800] =	vst v63  }
0x75: {  	p3 =	sgt.u32 s13, $0x9C3;
	_ =	swait.ge [sflag:s31], $0x4000  }
0x76: {  	s7 =	sshra.s32 @!p3 s5, $0x2;
	s8 =	simm.s32 @!p3 $0x80;
	[sflag:s31] =	ssyncset.done $0x0  }
0x77: {  	s10 =	simm.s32 @!p3 $0x16000;
	s7 =	sadd.s32 @!p3 s7, s18;
	[sflag:s31] =	ssyncadd.s32 $0xFFFFC000  }
0x78: {  	[spmem:s2] =	stream.indirect.scatter.add.f32 @!p3 [tilespmem:s10], [sflag:$0x4], $0x80, s7, s8, $0xb8;
	[tilespmem:$0x1E800] =	vst v63  }
0x79: {  	s7 =	simm.s32 @!p3 $0x4  }
0x7a: {  	_ =	swait.ge @!p3 [sflag:s7], $0x4000  }
0x7b: {  	[sflag:s7] =	ssyncset.done @!p3 $0x0  }
0x7c: {  	p4 =	sgt.u32 s6, $0x9C3;
	[sflag:s7] =	ssyncadd.s32 @!p3 $0xFFFFC000  }
0x7d: {  	s5 =	sshra.s32 @!p4 s5, $0x2;
	_ =	swait.ge [sflag:s1], $0x4000  }
0x7e: {  	s6 =	simm.s32 @!p4 $0x80;
	s5 =	sadd.s32 @!p4 s5, s18;
	[sflag:s1] =	ssyncset.done $0x0  }
0x7f: {  	s5 =	sadd.s32 @!p4 $0x80, s5;
	s7 =	simm.s32 @!p4 $0x1A000;
	[sflag:s1] =	ssyncadd.s32 $0xFFFFC000  }
0x80: {  	[spmem:s2] =	stream.indirect.scatter.add.f32 @!p4 [tilespmem:s7], [sflag:$0x3], $0x80, s5, s6, $0xb8;
	[tilespmem:$0x1E800] =	vst v63  }
0x81: {  	s5 =	simm.s32 @!p4 $0x3  }
0x82: {  	_ =	swait.ge @!p4 [sflag:s5], $0x4000  }
0x83: {  	[sflag:s5] =	ssyncset.done @!p4 $0x0  }
0x84: {  	s7 =	rddreg [dreg:$0xc];
	[sflag:s5] =	ssyncadd.s32 @!p4 $0xFFFFC000  }
0x85: {  	[tilespmem:s29], [sflag:$0x1] =	stream.linear.gather [hbm4b:s7+s3], $0x4000, $0x38;
	[tilespmem:$0x1E800] =	vst v63  }
0x86: {  	s8 =	rddreg [dreg:$0xd]  }
0x87: {  	[tilespmem:s30], [sflag:$0x2] =	stream.linear.gather [hbm4b:s8+s3], $0x4000, $0x38;
	[tilespmem:$0x1E800] =	vst v63  }
0x88: {  	_ =	swait.ge [sflag:s31], $0x4000  }
0x89: {  	s6 =	simm.s32 @!p0 $0x16000;
	[sflag:s31] =	ssyncset.done $0x0  }
0x8a: {  	s5 =	simm.s32 @!p0 $0x80;
	s7 =	rddreg [dreg:$0xe];
	[sflag:s31] =	ssyncadd.s32 $0xFFFFC000  }
0x8b: {  	[spmem:s2] =	stream.indirect.scatter.add.f32 @!p0 [tilespmem:s6], [sflag:$0x4], $0x80, s7, s5, $0xb8;
	[tilespmem:$0x1E800] =	vst v63  }
0x8c: {  	s5 =	simm.s32 @!p0 $0x4  }
0x8d: {  	_ =	swait.ge @!p0 [sflag:s5], $0x4000  }
0x8e: {  	[sflag:s5] =	ssyncset.done @!p0 $0x0  }
0x8f: {  	[sflag:s5] =	ssyncadd.s32 @!p0 $0xFFFFC000  }
0x90: {  	_ =	swait.ge [sflag:s1], $0x4000  }
0x91: {  	[sflag:s1] =	ssyncset.done $0x0  }
0x92: {  	[sflag:s1] =	ssyncadd.s32 $0xFFFFC000  }
0x93: {  	s10 =	sshll.u32 s0, $0x6;
	[bflag:$0x0] =	sbarrier.arrive $0xFFFF  }
0x94: {  	s5 =	sor.u32 $0x1C04, s10;
	s12 =	rddreg [dreg:$0x4]  }
0x95: {  	[hbm:s12], [sflag:s5] =	dma.local [spmem:s20], $0x800  }
0x96: {  	_ =	swait.ge [sflag:s26], $0x800  }
0x97: {  	[sflag:s26] =	ssyncset.done $0x0  }
0x98: {  	s13 =	rddreg [dreg:$0x5];
	[sflag:s26] =	ssyncadd.s32 $0xFFFFF800  }
0x99: {  	[hbm:s13], [sflag:s5] =	dma.local [spmem:s21], $0x800  }
0x9a: {  	_ =	swait.ge [sflag:s26], $0x800  }
0x9b: {  	[sflag:s26] =	ssyncset.done $0x0  }
0x9c: {  	s14 =	rddreg [dreg:$0x6];
	[sflag:s26] =	ssyncadd.s32 $0xFFFFF800  }
0x9d: {  	[hbm:s14], [sflag:s5] =	dma.local [spmem:s22], $0x800  }
0x9e: {  	_ =	swait.ge [sflag:s26], $0x800  }
0x9f: {  	[sflag:s26] =	ssyncset.done $0x0  }
0xa0: {  	s15 =	rddreg [dreg:$0x7];
	[sflag:s26] =	ssyncadd.s32 $0xFFFFF800  }
0xa1: {  	[hbm:s15], [sflag:s5] =	dma.local [spmem:s23], $0x800  }
0xa2: {  	_ =	swait.ge [sflag:s26], $0x800  }
0xa3: {  	[sflag:s26] =	ssyncset.done $0x0  }
0xa4: {  	s6 =	rddreg [dreg:$0x8];
	[sflag:s26] =	ssyncadd.s32 $0xFFFFF800  }
0xa5: {  	[hbm:s6], [sflag:s5] =	dma.local @p1 [spmem:s24], $0x800  }
0xa6: {  	s5 =	simm.s32 @p1 $0x4  }
0xa7: {  	_ =	swait.ge @p1 [sflag:s5], $0x800  }
0xa8: {  	s6 =	sshll.u32 @!p2 s0, $0x6;
	[sflag:s5] =	ssyncset.done @p1 $0x0  }
0xa9: {  	[sflag:s5] =	ssyncadd.s32 @p1 $0xFFFFF800;
	s5 =	sor.u32 @!p2 $0x1C03, s6;
	s6 =	rddreg [dreg:$0xa]  }
0xaa: {  	[hbm:s6], [sflag:s5] =	dma.local @!p2 [spmem:s25], $0x100  }
0xab: {  	s5 =	simm.s32 @!p2 $0x3  }
0xac: {  	_ =	swait.ge @!p2 [sflag:s5], $0x100  }
0xad: {  	s4 =	sadd.s32 $0x1, s4;
	s16 =	rddreg [dreg:$0xb]  }
0xae: {  	p3 =	sne.s32 s4, s16  }
.Ltmp3:
0xaf: {  	_ = 	snop;
	(pc) =	sbr.rel @p3 .LBB2_1-.Ltmp3, $3  }
0xb0: {  	_ =	sdelay $0x1  }
0xb1: {  	[sflag:s5] =	ssyncset.done @!p2 $0x0  }
0xb2: {  	[sflag:s5] =	ssyncadd.s32 @!p2 $0xFFFFFF00  }
0xb3: {  	_ =	sfence.sel $0x180000  }
0xb4: {  	[bflag:$0x0] =	sbarrier.arrive $0xFFFF  }
0xb5: {  	_ =	strace $0x9000004A  }
0xb6: {  	[bflag:$0x2] =	sbarrier.arrive $0xFFFF  }
0xb7: {  	p0 =	sne.s32 s0, $0x0;
	s0 =	rddreg [dreg:$0x3]  }
0xb8: {  	s0 =	sadd.s32 @!p0 $0x100000, s0  }
0xb9: {  	[sflag:s0] =	ssyncadd.tile.s32 @!p0 $0x1;
	_ =	shalt  }
.Lfunc_end2:
_tile_overlayer_lowered:
.L_overlay_start_2:
0xba: {  	(tag) =	ssettag $0x2  }
0xbb: {  	s0 =	rddreg [dreg:$0x0];
	s2 =	stileid.u32  }
0xbc: {  	s1 =	rddreg [dreg:$0x1];
	p0 =	sne.s32 s2, $0x0  }
0xbd: {  	s3 =	rddreg [dreg:$0x2];
	[bflag:$0x3] =	sbarrier.arrive $0xFFFF;
	s2 =	simm.s32 @!p0 $0x1C03  }
0xbe: {  	[timem:s3], [sflag:s2] =	dma.local @!p0 [hbm:s0], s1  }
0xbf: {  	s0 =	simm.s32 @!p0 $0x3  }
0xc0: {  	_ =	swait.ge @!p0 [sflag:s0], s1  }
0xc1: {  	s1 =	ssub.s32 @!p0 $0x0, s1;
	[sflag:s0] =	ssyncset.done @!p0 $0x0  }
0xc2: {  	[sflag:s0] =	ssyncadd.s32 @!p0 s1  }
0xc3: {  	[bflag:$0x3] =	sbarrier.arrive $0xFFFF  }
0xc4: {  	_ =	shalt  }

// kernel: kernel.18.cloned.1.call-start
scs
__scs_entry_jumppad:
0x0: {  	(pc) =	sbr.rel $0x88, $3  }
0x1: {  	(tag) =	ssettag $0x0;
	lr =	simm.s32 $0x1  }
0x2: {  	[smem:$0x3F96] =	sst lr;
	_ =	strace $0xD0000000  }
0x3: {  	_ = 	snop  }
0x4: {  	_ = 	snop  }
0x5: {  	_ = 	snop  }
0x6: {  	_ = 	snop  }
0x7: {  	_ = 	snop  }
__scs_overlays_trampoline_lowered:
0x8: {  	[smem:$0x3FA5] =	sst s0  }
0x9: {  	[smem:$0x3FA6] =	sst s1  }
0xa: {  	[smem:$0x3FA7] =	sst s2  }
0xb: {  	[smem:$0x3FA8] =	sst s3  }
0xc: {  	[smem:$0x3FA9] =	sst s4  }
0xd: {  	[smem:$0x3FAA] =	sst s5  }
0xe: {  	[smem:$0x3FAB] =	sst s6  }
0xf: {  	[smem:$0x3FAC] =	sst s7  }
0x10: {  	[smem:$0x3FAD] =	sst s8  }
0x11: {  	[smem:$0x3FAE] =	sst s9;
	s0 =	simm.s32 @!p0 $0x0  }
0x12: {  	s1 =	sld [smem:$0x3F94];
	s0 =	simm.s32 @p0 $0x1  }
0x13: {  	[smem:$0x3FAF] =	sst s0;
	s0 =	simm.s32 @!p1 $0x0  }
0x14: {  	s2 =	sld [smem:$0x3F93];
	s0 =	simm.s32 @p1 $0x1  }
0x15: {  	[smem:$0x3FB0] =	sst s0;
	s0 =	simm.s32 @!p2 $0x0  }
0x16: {  	s3 =	sld [smem:$0x3FDB];
	s0 =	simm.s32 @p2 $0x1  }
0x17: {  	s4 =	simm.s32 $0x1BF5;
	[smem:$0x3FB2] =	sst s0  }
0x18: {  	s0 =	sld [smem:$0x3F95];
	_ =	swait.ge [sflag:s4], $0x0  }
0x19: {  	s7 =	sld [smem:$0x3F96]  }
0x1a: {  	s8 =	sadd.s32 $0xFFFFE003, lr  }
0x1b: {  	s9 =	sadd.s32 $0xFFFFFEF7, lr;
	s5 =	simm.s32 $0xFFFFFFFF;
	p2 =	slt.u32 s8, $0xFFFFF086  }
0x1c: {  	p1 =	slt.u32 s9, $0xF7A;
	s5 =	simm.s32 @!p2 $0x0  }
0x1d: {  	s5 =	simm.s32 @p1 $0x1;
	p0 =	seq.s32 s7, s2  }
0x1e: {  	s7 =	smul.u32 @!p0 $0xF7A, s2;
	p2 =	seq.s32 @!p0 s5, $0x0  }
0x1f: {  	s9 =	smul.u32 $0xF7A, s1;
	s8 =	simm.s32 @!p0 $0x1BF5;
	p2 =	por !p2, p0  }
0x20: {  	[sflag:s8] =	ssyncset.s32 @!p0 $0xFFFFF086;
	s6 =	sadd.s32 @!p0 s3, s7;
	s7 =	simm.s32 @!p0 $0x108  }
0x21: {  	s3 =	sadd.s32 s3, s9;
	s6 =	sadd.s32 @!p0 $0x88, s6;
	s7 =	simm.s32 @p2 $0x1082  }
0x22: {  	[simem:s7], [sflag:s8] =	dma.local @!p0 [hbm:s6], $0xF7A  }
0x23: {  	s9 =	sor.u32 $0xD0000000, s2;
	s6 =	simm.s32 $0x108;
	_ =	swait.ge @!p0 [sflag:s8], $0x0  }
0x24: {  	s3 =	sadd.s32 $0x88, s3;
	s6 =	simm.s32 @!p1 $0x1082;
	[sflag:s4] =	ssyncset.s32 $0xFFFFF086  }
0x25: {  	[simem:s6], [sflag:s4] =	dma.local [hbm:s3], $0xF7A  }
0x26: {  	[smem:$0x3F96] =	sst s1;
	(tag) =	ssettag s2;
	_ =	strace s9  }
0x27: {  	s1 =	sld [smem:$0x3FA6]  }
0x28: {  	s2 =	sld [smem:$0x3FA7]  }
0x29: {  	s4 =	sld [smem:$0x3FA9]  }
0x2a: {  	p0 =	seq.s32 s5, $0x0;
	s5 =	sld [smem:$0x3FAA]  }
0x2b: {  	s6 =	sld [smem:$0x3FAB]  }
0x2c: {  	s7 =	sld [smem:$0x3FAC]  }
0x2d: {  	s3 =	simm.s32 $0x108;
	s8 =	sld [smem:$0x3FAD]  }
0x2e: {  	s3 =	simm.s32 @!p0 $0x1082;
	s9 =	sld [smem:$0x3FAE]  }
0x2f: {  	lr =	sadd.s32 s0, s3;
	s0 =	sld [smem:$0x3FA5]  }
0x30: {  	s3 =	sld [smem:$0x3FA8]  }
0x31: {  	[smem:$0x3FB1] =	sst s10  }
0x32: {  	s10 =	sld [smem:$0x3FAF];
	_ =	sdelay $0x3  }
0x33: {  	p0 =	seq.s32 s10, $0x1;
	s10 =	sld [smem:$0x3FB1];
	_ =	sdelay $0x3  }
0x34: {  	[smem:$0x3FB1] =	sst s10  }
0x35: {  	s10 =	sld [smem:$0x3FB0];
	_ =	sdelay $0x3  }
0x36: {  	p1 =	seq.s32 s10, $0x1;
	s10 =	sld [smem:$0x3FB1];
	_ =	sdelay $0x3  }
0x37: {  	[smem:$0x3FB1] =	sst s10  }
0x38: {  	s10 =	sld [smem:$0x3FB2]  }
0x39: {  	_ = 	snop;
	(pc) =	sbr.ind lr, $3  }
0x3a: {  	_ = 	snop  }
0x3b: {  	_ = 	snop  }
0x3c: {  	p2 =	seq.s32 s10, $0x1;
	s10 =	sld [smem:$0x3FB1]  }
0x3d: {  	_ =	shalt  }
0x3e: {  	_ =	shalt  }
0x3f: {  	_ =	shalt  }
0x40: {  	_ =	shalt  }
0x41: {  	_ =	shalt  }
0x42: {  	_ =	shalt  }
0x43: {  	_ =	shalt  }
0x44: {  	_ =	shalt  }
0x45: {  	_ =	shalt  }
0x46: {  	_ =	shalt  }
0x47: {  	_ =	shalt  }
0x48: {  	_ =	shalt  }
0x49: {  	_ =	shalt  }
0x4a: {  	_ =	shalt  }
0x4b: {  	_ =	shalt  }
0x4c: {  	_ =	shalt  }
0x4d: {  	_ =	shalt  }
0x4e: {  	_ =	shalt  }
0x4f: {  	_ =	shalt  }
0x50: {  	_ =	shalt  }
0x51: {  	_ =	shalt  }
0x52: {  	_ =	shalt  }
0x53: {  	_ =	shalt  }
0x54: {  	_ =	shalt  }
0x55: {  	_ =	shalt  }
0x56: {  	_ =	shalt  }
0x57: {  	_ =	shalt  }
0x58: {  	_ =	shalt  }
0x59: {  	_ =	shalt  }
0x5a: {  	_ =	shalt  }
0x5b: {  	_ =	shalt  }
0x5c: {  	_ =	shalt  }
0x5d: {  	_ =	shalt  }
0x5e: {  	_ =	shalt  }
0x5f: {  	_ =	shalt  }
0x60: {  	_ =	shalt  }
0x61: {  	_ =	shalt  }
0x62: {  	_ =	shalt  }
0x63: {  	_ =	shalt  }
0x64: {  	_ =	shalt  }
0x65: {  	_ =	shalt  }
0x66: {  	_ =	shalt  }
0x67: {  	_ =	shalt  }
0x68: {  	_ =	shalt  }
0x69: {  	_ =	shalt  }
0x6a: {  	_ =	shalt  }
0x6b: {  	_ =	shalt  }
0x6c: {  	_ =	shalt  }
0x6d: {  	_ =	shalt  }
0x6e: {  	_ =	shalt  }
0x6f: {  	_ =	shalt  }
0x70: {  	_ =	shalt  }
0x71: {  	_ =	shalt  }
0x72: {  	_ =	shalt  }
0x73: {  	_ =	shalt  }
0x74: {  	_ =	shalt  }
0x75: {  	_ =	shalt  }
0x76: {  	_ =	shalt  }
0x77: {  	_ =	shalt  }
0x78: {  	_ =	shalt  }
0x79: {  	_ =	shalt  }
0x7a: {  	_ =	shalt  }
0x7b: {  	_ =	shalt  }
0x7c: {  	_ =	shalt  }
0x7d: {  	_ =	shalt  }
0x7e: {  	_ =	shalt  }
0x7f: {  	_ =	shalt  }
0x80: {  	_ =	shalt  }
0x81: {  	_ =	shalt  }
0x82: {  	_ =	shalt  }
0x83: {  	_ =	shalt  }
0x84: {  	_ =	shalt  }
0x85: {  	_ =	shalt  }
0x86: {  	_ =	shalt  }
0x87: {  	_ =	shalt  }
.Lfunc_end0:
.L_simem_size_0:
called_computation.2_lowered:
.L_overlay_start_0:
0x88: {  	s2 =	sld [smem:$0x3FD9]  }
0x89: {  	s3 =	sld [smem:$0x3FFE];
	_ =	sdelay $0x1  }
0x8a: {  	s1 =	srdreg.scid  }
0x8b: {  	s0 =	sand.u32 $0x1, s1  }
0x8c: {  	s14 =	sshll.u32 s0, $0xA;
	s2 =	sadd.s32 s3, s2  }
0x8d: {  	s2 =	sadd.s32 s2, s14  }
0x8e: {  	[smem:$0x3FBD] =	sst s2  }
0x8f: {  	_ = 	snop  }
0x90: {  	s2 =	sld [smem:$0x3FD0];
	_ =	sdelay $0x2  }
0x91: {  	s15 =	simm.s32 $0xA;
	s4 =	simm.s32 $0x10  }
0x92: {  	[smem:s4], [sflag:s15] =	dma.local [hbm:s2], $0x1  }
0x93: {  	_ =	swait.eq [sflag:s15], $0x1  }
0x94: {  	[sflag:s15] =	ssyncset.done $0x0  }
0x95: {  	[sflag:s15] =	ssyncadd.s32 $0xFFFFFFFF  }
0x96: {  	s16 =	sld [smem:$0x11];
	(tm) =	ssettm $0x1  }
0x97: {  	s17 =	sld [smem:$0x3FFB];
	_ =	sdelay $0x3  }
0x98: {  	_ =	strace s17  }
0x99: {  	s3 =	sld [smem:$0x3FFC];
	_ =	sdelay $0x3  }
0x9a: {  	_ =	strace s3  }
0x9b: {  	s3 =	sld [smem:$0x3FFD];
	_ =	sdelay $0x3  }
0x9c: {  	_ =	strace s3  }
0x9d: {  	_ =	strace $0x8FFFFFFF  }
0x9e: {  	s18 =	sld [smem:$0x3FDB];
	_ =	sdelay $0x1  }
0x9f: {  	s19 =	simm.s32 $_scs_section_size  }
0xa0: {  	s5 =	simm.s32 $_size__tile_overlayer_lowered;
	s6 =	simm.s32 $_tile_overlayer_lowered  }
0xa1: {  	s22 =	simm.s32 $0x1BFF;
	s21 =	sshll.u32 s6, $0x1;
	s3 =	sadd.s32 s19, s18  }
0xa2: {  	s7 =	simm.s32 $0x0;
	s20 =	sshll.u32 s5, $0x1;
	s5 =	sadd.s32 s21, s3  }
0xa3: {  	[timem:s7], [sflag:s22] =	dma.local [hbm:s5], s20  }
0xa4: {  	_ =	swait.ge [sflag:s22], s20  }
0xa5: {  	s4 =	ssub.s32 $0x0, s20;
	[sflag:s22] =	ssyncset.done $0x0  }
0xa6: {  	[sflag:s22] =	ssyncadd.s32 s4;
	_ =	sdelay $0x1  }
0xa7: {  	s23 =	simm.s32 $0x1B8B  }
0xa8: {  	_ =	swait.ge [sflag:s23], $0x1  }
0xa9: {  	[sflag:s23] =	ssyncset.done $0x0  }
0xaa: {  	s25 =	simm.s32 $0x1B8E;
	s24 =	sld [smem:$0x3FFE];
	[sflag:s23] =	ssyncadd.s32 $0xFFFFFFFF  }
0xab: {  	s26 =	simm.s32 $execute0_lowered;
	[smem:$0x3FD2] =	sst s25  }
0xac: {  	s5 =	sshll.u32 s26, $0x1;
	_ =	strace $0x8000004C;
	[dreg:$0x1] =	wrdreg $0xFFFFFFFF  }
0xad: {  	s28 =	simm.s32 $_size_execute0_lowered;
	s3 =	sadd.s32 s3, s5;
	[dreg:$0x0] =	wrdreg $0x0  }
0xae: {  	s5 =	sshll.u32 s28, $0x1;
	[dreg:$0x2] =	wrdreg s3  }
0xaf: {  	[dreg:$0x3] =	wrdreg s5  }
0xb0: {  	[dreg:$0x4] =	wrdreg $0xC0  }
0xb1: {  	_ =	task [dreg:s7], $0x5FFFF  }
0xb2: {  	[dreg:$0x1] =	wrdreg $0xFFFFFFFF  }
0xb3: {  	[dreg:$0x0] =	wrdreg $0x60  }
0xb4: {  	[dreg:$0x2] =	wrdreg s16  }
0xb5: {  	[dreg:$0x3] =	wrdreg s24  }
0xb6: {  	[dreg:$0x4] =	wrdreg $0x0  }
0xb7: {  	[dreg:$0x5] =	wrdreg $0x9  }
0xb8: {  	_ =	task.clear_ibuf [dreg:s7], $0x6FFFF;
	_ =	strace $0x9000004C  }
0xb9: {  	s29 =	simm.s32 $0x9;
	_ =	strace $0x8000004E  }
0xba: {  	_ =	swait.ge [sflag:s29], $0x1  }
0xbb: {  	[sflag:s29] =	ssyncadd.s32 $0xFFFFFFFF  }
0xbc: {  	_ =	strace $0x9000004E  }
0xbd: {  	_ =	sfence  }
0xbe: {  	s30 =	sld [smem:$0x0];
	_ =	sdelay $0x2  }
0xbf: {  	s31 =	sshll.u32 s1, $0xD;
	s1 =	sshrl.u32 s1, $0x2  }
0xc0: {  	s3 =	sand.u32 $0x4000, s31;
	s1 =	sadd.s32 s1, s30  }
0xc1: {  	s0 =	sor.u32 s3, s0;
	s1 =	sshll.u32 s1, $0x11  }
0xc2: {  	s0 =	sor.u32 s1, s0  }
0xc3: {  	s0 =	sadd.s32 $0x8F2B, s0  }
0xc4: {  	[sflag:s0] =	ssyncadd.remote.s32 $0x1  }
0xc5: {  	_ =	sfence.sel $0xFFFF  }
0xc6: {  	[dreg:$0x0] =	wrdreg $0xFFFFFFFF;
	(pc) =	sbr.abs _section_cstart, $3  }
0xc7: {  	[dreg:$0x1] =	wrdreg $0xFFFFFFFF  }
0xc8: {  	_ =	task.clear_ibuf [dreg:s7], $0x2FFFF;
	_ =	strace $0x9FFFFFFF  }
0xc9: {  	(tm) =	ssettm $0x7FFFFFFF  }
tec
execute0_lowered:
.L_overlay_start_1:
0x0: {  	(tag) =	ssettag $0x1  }
0x1: {  	s5 =	rddreg [dreg:$0x0]  }
0x2: {  	s6 =	rddreg [dreg:$0x1]  }
0x3: {  	s2 =	rddreg [dreg:$0x2]  }
0x4: {  	s0 =	rddreg [dreg:$0x3]  }
0x5: {  	s4 =	srdreg.scid;
	s1 =	stileid.u32  }
0x6: {  	s3 =	simm.s32 $0x0;
	s16 =	simm.s32 $0x4;
	s17 =	simm.s32 $0x14C80  }
0x7: {  	s18 =	simm.s32 $0x3;
	s19 =	simm.s32 $0x80;
	s20 =	simm.s32 $0x16080  }
0x8: {  	s21 =	simm.s32 $0x1A080;
	s22 =	simm.s32 $0x1;
	s23 =	simm.s32 $0x2  }
0x9: {  	s7 =	sand.u32 $0x1, s4;
	s8 =	smul.u32 $0x9E, s1;
	[smem:$0x7FF] =	sst s3  }
0xa: {  	s4 =	sadd.s32 $0x525400, s6;
	s10 =	sadd.s32 $0x5400, s6;
	s11 =	smul.u32 $0x280, s1  }
0xb: {  	s24 =	sshll.u32 s1, $0x1;
	s12 =	sadd.s32 $0xF200, s6;
	s9 =	smul.u32 $0x4F, s7  }
0xc: {  	s30 =	sshll.u32 s1, $0x6;
	_ =	strace $0x8000004D;
	s11 =	smin.u32 s11, $0x2490  }
0xd: {  	s8 =	sadd.s32 s9, s8;
	s9 =	sor.u32 s7, s24;
	s7 =	ssub.s32 $0x2, s7  }
0xe: {  	s26 =	sshll.u32 s11, $0x7;
	s29 =	sshll.u32 s11, $0x4;
	s24 =	simm.s32 $0x0  }
0xf: {  	s8 =	smin.u32 s8, $0x974;
	s9 =	smul.u32 $0x4F, s9;
	s25 =	sshrl.u32 s7, $0x1  }
0x10: {  	s15 =	sadd.s32 s26, s2;
	s5 =	sadd.s32 s5, s29;
	s8 =	sshll.u32 s8, $0xB  }
0x11: {  	s14 =	ssub.s32 s7, s25;
	s13 =	sadd.s32 s8, s6;
	s28 =	smin.u32 s9, $0x974  }
0x12: {  	s6 =	sor.u32 $0x1C03, s30;
	s11 =	smax.u32 s14, $0x1;
	s9 =	sshll.u32 s28, $0x4  }
0x13: {  	s14 =	sshrl.u32 s15, $0x3;
	s15 =	simm.s32 $0x13880;
	s31 =	sadd.s32 $0x280, s9  }
0x14: {  	s7 =	sadd.s32 s10, s9;
	s8 =	sadd.s32 s12, s9;
	s9 =	sadd.s32 s10, s31  }
0x15: {  	s10 =	sadd.s32 s12, s31;
	s12 =	sadd.s32 $0x54CE00, s13;
	s13 =	sadd.s32 $0x560E00, s13  }
.LBB2_1:
0x16: {  	[spmem:s14], [sflag:s6] =	dma.local [hbm:s5], $0x2800  }
0x17: {  	[tilespmem:s15], [sflag:$0x4] =	stream.linear.gather [hbm4b:s7+s3], $0x1400, $0x38;
	[tilespmem:$0x1E080] =	vst v63  }
0x18: {  	_ =	swait.ge [sflag:s16], $0x1400  }
0x19: {  	[sflag:s16] =	ssyncset.done $0x0  }
0x1a: {  	[sflag:s16] =	ssyncadd.s32 $0xFFFFEC00  }
0x1b: {  	[tilespmem:s17], [sflag:$0x4] =	stream.linear.gather [hbm4b:s8+s3], $0x1400, $0x38;
	[tilespmem:$0x1E080] =	vst v63  }
0x1c: {  	_ =	swait.ge [sflag:s16], $0x1400  }
0x1d: {  	[sflag:s16] =	ssyncset.done $0x0  }
0x1e: {  	[sflag:s16] =	ssyncadd.s32 $0xFFFFEC00  }
0x1f: {  	_ =	swait.ge [sflag:s18], $0x2800  }
0x20: {  	[sflag:s18] =	ssyncset.done $0x0  }
0x21: {  	[sflag:s18] =	ssyncadd.s32 $0xFFFFD800  }
0x22: {  	s25 =	simm.s32 $0x13880;
	[bflag:$0x0] =	sbarrier.arrive $0xFFFF  }
0x23: {  	[tilespmem:s20], [sflag:$0x4] =	stream.indirect.gather [spmem:s2], $0x80, s25, s19, $0xb8;
	[tilespmem:$0x1E080] =	vst v63  }
0x24: {  	_ =	swait.ge [sflag:s16], $0x4000  }
0x25: {  	[sflag:s16] =	ssyncset.done $0x0  }
0x26: {  	s26 =	simm.s32 $0x14C80;
	[sflag:s16] =	ssyncadd.s32 $0xFFFFC000  }
0x27: {  	[tilespmem:s20], [sflag:$0x1] =	stream.indirect.gather.add.f32 [hbm:s4], $0x80, s26, s19, $0xb8;
	[tilespmem:$0x1E080] =	vst v63  }
0x28: {  	s29 =	simm.s32 $0x13900  }
0x29: {  	[tilespmem:s21], [sflag:$0x4] =	stream.indirect.gather [spmem:s2], $0x80, s29, s19, $0xb8;
	[tilespmem:$0x1E080] =	vst v63  }
0x2a: {  	_ =	swait.ge [sflag:s16], $0x4000  }
0x2b: {  	[sflag:s16] =	ssyncset.done $0x0  }
0x2c: {  	s30 =	simm.s32 $0x14D00;
	[sflag:s16] =	ssyncadd.s32 $0xFFFFC000  }
0x2d: {  	[tilespmem:s21], [sflag:$0x2] =	stream.indirect.gather.add.f32 [hbm:s4], $0x80, s30, s19, $0xb8;
	[tilespmem:$0x1E080] =	vst v63  }
0x2e: {  	_ =	swait.ge [sflag:s22], $0x4000  }
0x2f: {  	[sflag:s22] =	ssyncset.done $0x0  }
0x30: {  	s31 =	sadd.s32 $0xFFFFF800, s12;
	[sflag:s22] =	ssyncadd.s32 $0xFFFFC000  }
0x31: {  	[hbm4b:s31+s3] =	stream.linear.scatter [tilespmem:s20], [sflag:$0x3], $0x4000, $0x38;
	[tilespmem:$0x1E080] =	vst v63  }
0x32: {  	_ =	swait.ge [sflag:s23], $0x4000  }
0x33: {  	[sflag:s23] =	ssyncset.done $0x0  }
0x34: {  	[sflag:s23] =	ssyncadd.s32 $0xFFFFC000  }
0x35: {  	[hbm4b:s12+s3] =	stream.linear.scatter [tilespmem:s21], [sflag:$0x4], $0x4000, $0x38;
	[tilespmem:$0x1E080] =	vst v63  }
0x36: {  	_ =	swait.ge [sflag:s16], $0x4000  }
0x37: {  	[sflag:s16] =	ssyncset.done $0x0  }
0x38: {  	[sflag:s16] =	ssyncadd.s32 $0xFFFFC000  }
0x39: {  	s28 =	simm.s32 $0x800;
	_ =	swait.ge [sflag:s18], $0x4000  }
0x3a: {  	s25 =	sadd.s32 $0x1000, s12;
	s26 =	simm.s32 $0x100;
	[sflag:s18] =	ssyncset.done $0x0  }
.LBB2_2:
0x3b: {  	s29 =	sadd.s32 $0x13880, s26  }
0x3c: {  	[sflag:s18] =	ssyncadd.s32 $0xFFFFC000;
	s30 =	smov.u32 s28;
	s31 =	sadd.s32 $0x400, s28  }
0x3d: {  	[tilespmem:s20], [sflag:$0x4] =	stream.indirect.gather [spmem:s2], $0x80, s29, s19, $0xb8;
	[tilespmem:$0x1E080] =	vst v63  }
0x3e: {  	p0 =	sne.s32 s28, $0x4C00;
	_ =	swait.ge [sflag:s16], $0x4000  }
0x3f: {  	[sflag:s16] =	ssyncset.done $0x0  }
0x40: {  	s28 =	sadd.s32 $0x14C80, s26;
	[sflag:s16] =	ssyncadd.s32 $0xFFFFC000  }
0x41: {  	[tilespmem:s20], [sflag:$0x1] =	stream.indirect.gather.add.f32 [hbm:s4], $0x80, s28, s19, $0xb8;
	[tilespmem:$0x1E080] =	vst v63  }
0x42: {  	s28 =	sadd.s32 $0x13900, s26  }
0x43: {  	[tilespmem:s21], [sflag:$0x4] =	stream.indirect.gather [spmem:s2], $0x80, s28, s19, $0xb8;
	[tilespmem:$0x1E080] =	vst v63  }
0x44: {  	_ =	swait.ge [sflag:s16], $0x4000  }
0x45: {  	[sflag:s16] =	ssyncset.done $0x0  }
0x46: {  	s26 =	sadd.s32 $0x14D00, s26;
	[sflag:s16] =	ssyncadd.s32 $0xFFFFC000  }
0x47: {  	[tilespmem:s21], [sflag:$0x2] =	stream.indirect.gather.add.f32 [hbm:s4], $0x80, s26, s19, $0xb8;
	[tilespmem:$0x1E080] =	vst v63  }
0x48: {  	_ =	swait.ge [sflag:s22], $0x4000  }
0x49: {  	[sflag:s22] =	ssyncset.done $0x0  }
0x4a: {  	s26 =	sadd.s32 $0xFFFFF800, s25;
	[sflag:s22] =	ssyncadd.s32 $0xFFFFC000  }
0x4b: {  	[hbm4b:s26+s3] =	stream.linear.scatter [tilespmem:s20], [sflag:$0x3], $0x4000, $0x38;
	[tilespmem:$0x1E080] =	vst v63  }
0x4c: {  	_ =	swait.ge [sflag:s23], $0x4000  }
0x4d: {  	[sflag:s23] =	ssyncset.done $0x0  }
0x4e: {  	[sflag:s23] =	ssyncadd.s32 $0xFFFFC000  }
0x4f: {  	[hbm4b:s25+s3] =	stream.linear.scatter [tilespmem:s21], [sflag:$0x4], $0x4000, $0x38;
	[tilespmem:$0x1E080] =	vst v63  }
.Ltmp0:
0x50: {  	_ =	swait.ge [sflag:s16], $0x4000;
	(pc) =	sbr.rel @p0 .LBB2_2-.Ltmp0, $4  }
0x51: {  	[sflag:s16] =	ssyncset.done $0x0  }
0x52: {  	[sflag:s16] =	ssyncadd.s32 $0xFFFFC000  }
0x53: {  	s28 =	smov.u32 s31;
	_ =	swait.ge [sflag:s18], $0x4000  }
0x54: {  	s26 =	sshra.s32 s30, $0x2;
	s25 =	sadd.s32 $0x1000, s25;
	[sflag:s18] =	ssyncset.done $0x0  }
0x55: {  	s28 =	sadd.s32 $0x13880, s26;
	[sflag:s18] =	ssyncadd.s32 $0xFFFFC000  }
0x56: {  	[tilespmem:s20], [sflag:$0x4] =	stream.indirect.gather [spmem:s2], $0x80, s28, s19, $0xb8;
	[tilespmem:$0x1E080] =	vst v63  }
0x57: {  	_ =	swait.ge [sflag:s16], $0x4000  }
0x58: {  	[sflag:s16] =	ssyncset.done $0x0  }
0x59: {  	s28 =	sadd.s32 $0x14C80, s26;
	[sflag:s16] =	ssyncadd.s32 $0xFFFFC000  }
0x5a: {  	[tilespmem:s20], [sflag:$0x1] =	stream.indirect.gather.add.f32 [hbm:s4], $0x80, s28, s19, $0xb8;
	[tilespmem:$0x1E080] =	vst v63  }
0x5b: {  	s28 =	sadd.s32 $0x13900, s26  }
0x5c: {  	[tilespmem:s21], [sflag:$0x4] =	stream.indirect.gather [spmem:s2], $0x80, s28, s19, $0xb8;
	[tilespmem:$0x1E080] =	vst v63  }
0x5d: {  	_ =	swait.ge [sflag:s16], $0x4000  }
0x5e: {  	[sflag:s16] =	ssyncset.done $0x0  }
0x5f: {  	s31 =	sadd.s32 $0x14D00, s26;
	[sflag:s16] =	ssyncadd.s32 $0xFFFFC000  }
0x60: {  	[tilespmem:s21], [sflag:$0x2] =	stream.indirect.gather.add.f32 [hbm:s4], $0x80, s31, s19, $0xb8;
	[tilespmem:$0x1E080] =	vst v63  }
0x61: {  	_ =	swait.ge [sflag:s22], $0x4000  }
0x62: {  	[sflag:s22] =	ssyncset.done $0x0  }
0x63: {  	s29 =	sadd.s32 $0xFFFFF800, s25;
	[sflag:s22] =	ssyncadd.s32 $0xFFFFC000  }
0x64: {  	[hbm4b:s29+s3] =	stream.linear.scatter [tilespmem:s20], [sflag:$0x3], $0x4000, $0x38;
	[tilespmem:$0x1E080] =	vst v63  }
0x65: {  	_ =	swait.ge [sflag:s23], $0x4000  }
0x66: {  	[sflag:s23] =	ssyncset.done $0x0  }
0x67: {  	[sflag:s23] =	ssyncadd.s32 $0xFFFFC000  }
0x68: {  	[hbm4b:s25+s3] =	stream.linear.scatter [tilespmem:s21], [sflag:$0x4], $0x4000, $0x38;
	[tilespmem:$0x1E080] =	vst v63  }
0x69: {  	_ =	swait.ge [sflag:s16], $0x4000  }
0x6a: {  	[sflag:s16] =	ssyncset.done $0x0  }
0x6b: {  	[sflag:s16] =	ssyncadd.s32 $0xFFFFC000  }
0x6c: {  	_ =	swait.ge [sflag:s18], $0x4000  }
0x6d: {  	[sflag:s18] =	ssyncset.done $0x0  }
0x6e: {  	s30 =	simm.s32 $0x0;
	[sflag:s18] =	ssyncadd.s32 $0xFFFFC000  }
0x6f: {  	[tilespmem:s15], [sflag:$0x4] =	stream.linear.gather [hbm4b:s9+s30], $0x1400, $0x38;
	[tilespmem:$0x1E080] =	vst v63  }
0x70: {  	_ =	swait.ge [sflag:s16], $0x1400  }
0x71: {  	[sflag:s16] =	ssyncset.done $0x0  }
0x72: {  	[sflag:s16] =	ssyncadd.s32 $0xFFFFEC00  }
0x73: {  	[tilespmem:s17], [sflag:$0x4] =	stream.linear.gather [hbm4b:s10+s30], $0x1400, $0x38;
	[tilespmem:$0x1E080] =	vst v63  }
0x74: {  	_ =	swait.ge [sflag:s16], $0x1400  }
0x75: {  	[sflag:s16] =	ssyncset.done $0x0  }
0x76: {  	s31 =	simm.s32 $0x13880;
	[sflag:s16] =	ssyncadd.s32 $0xFFFFEC00  }
0x77: {  	[tilespmem:s20], [sflag:$0x4] =	stream.indirect.gather [spmem:s2], $0x80, s31, s19, $0xb8;
	[tilespmem:$0x1E080] =	vst v63  }
0x78: {  	_ =	swait.ge [sflag:s16], $0x4000  }
0x79: {  	[sflag:s16] =	ssyncset.done $0x0  }
0x7a: {  	s26 =	simm.s32 $0x14C80;
	[sflag:s16] =	ssyncadd.s32 $0xFFFFC000  }
0x7b: {  	[tilespmem:s20], [sflag:$0x1] =	stream.indirect.gather.add.f32 [hbm:s4], $0x80, s26, s19, $0xb8;
	[tilespmem:$0x1E080] =	vst v63  }
0x7c: {  	s29 =	simm.s32 $0x13900  }
0x7d: {  	[tilespmem:s21], [sflag:$0x4] =	stream.indirect.gather [spmem:s2], $0x80, s29, s19, $0xb8;
	[tilespmem:$0x1E080] =	vst v63  }
0x7e: {  	_ =	swait.ge [sflag:s16], $0x4000  }
0x7f: {  	[sflag:s16] =	ssyncset.done $0x0  }
0x80: {  	s30 =	simm.s32 $0x14D00;
	[sflag:s16] =	ssyncadd.s32 $0xFFFFC000  }
0x81: {  	[tilespmem:s21], [sflag:$0x2] =	stream.indirect.gather.add.f32 [hbm:s4], $0x80, s30, s19, $0xb8;
	[tilespmem:$0x1E080] =	vst v63  }
0x82: {  	_ =	swait.ge [sflag:s22], $0x4000  }
0x83: {  	[sflag:s22] =	ssyncset.done $0x0  }
0x84: {  	s31 =	sadd.s32 $0xFFFFF800, s13;
	[sflag:s22] =	ssyncadd.s32 $0xFFFFC000  }
0x85: {  	[hbm4b:s31+s3] =	stream.linear.scatter [tilespmem:s20], [sflag:$0x3], $0x4000, $0x38;
	[tilespmem:$0x1E080] =	vst v63  }
0x86: {  	_ =	swait.ge [sflag:s23], $0x4000  }
0x87: {  	[sflag:s23] =	ssyncset.done $0x0  }
0x88: {  	[sflag:s23] =	ssyncadd.s32 $0xFFFFC000  }
0x89: {  	[hbm4b:s13+s3] =	stream.linear.scatter [tilespmem:s21], [sflag:$0x4], $0x4000, $0x38;
	[tilespmem:$0x1E080] =	vst v63  }
0x8a: {  	_ =	swait.ge [sflag:s16], $0x4000  }
0x8b: {  	[sflag:s16] =	ssyncset.done $0x0  }
0x8c: {  	[sflag:s16] =	ssyncadd.s32 $0xFFFFC000  }
0x8d: {  	s28 =	simm.s32 $0x800;
	_ =	swait.ge [sflag:s18], $0x4000  }
0x8e: {  	s25 =	sadd.s32 $0x1000, s13;
	s26 =	simm.s32 $0x100;
	[sflag:s18] =	ssyncset.done $0x0  }
.LBB2_4:
0x8f: {  	s29 =	sadd.s32 $0x13880, s26  }
0x90: {  	[sflag:s18] =	ssyncadd.s32 $0xFFFFC000;
	s30 =	smov.u32 s28;
	s31 =	sadd.s32 $0x400, s28  }
0x91: {  	[tilespmem:s20], [sflag:$0x4] =	stream.indirect.gather [spmem:s2], $0x80, s29, s19, $0xb8;
	[tilespmem:$0x1E080] =	vst v63  }
0x92: {  	p0 =	sne.s32 s28, $0x4C00;
	_ =	swait.ge [sflag:s16], $0x4000  }
0x93: {  	[sflag:s16] =	ssyncset.done $0x0  }
0x94: {  	s28 =	sadd.s32 $0x14C80, s26;
	[sflag:s16] =	ssyncadd.s32 $0xFFFFC000  }
0x95: {  	[tilespmem:s20], [sflag:$0x1] =	stream.indirect.gather.add.f32 [hbm:s4], $0x80, s28, s19, $0xb8;
	[tilespmem:$0x1E080] =	vst v63  }
0x96: {  	s28 =	sadd.s32 $0x13900, s26  }
0x97: {  	[tilespmem:s21], [sflag:$0x4] =	stream.indirect.gather [spmem:s2], $0x80, s28, s19, $0xb8;
	[tilespmem:$0x1E080] =	vst v63  }
0x98: {  	_ =	swait.ge [sflag:s16], $0x4000  }
0x99: {  	[sflag:s16] =	ssyncset.done $0x0  }
0x9a: {  	s26 =	sadd.s32 $0x14D00, s26;
	[sflag:s16] =	ssyncadd.s32 $0xFFFFC000  }
0x9b: {  	[tilespmem:s21], [sflag:$0x2] =	stream.indirect.gather.add.f32 [hbm:s4], $0x80, s26, s19, $0xb8;
	[tilespmem:$0x1E080] =	vst v63  }
0x9c: {  	_ =	swait.ge [sflag:s22], $0x4000  }
0x9d: {  	[sflag:s22] =	ssyncset.done $0x0  }
0x9e: {  	s26 =	sadd.s32 $0xFFFFF800, s25;
	[sflag:s22] =	ssyncadd.s32 $0xFFFFC000  }
0x9f: {  	[hbm4b:s26+s3] =	stream.linear.scatter [tilespmem:s20], [sflag:$0x3], $0x4000, $0x38;
	[tilespmem:$0x1E080] =	vst v63  }
0xa0: {  	_ =	swait.ge [sflag:s23], $0x4000  }
0xa1: {  	[sflag:s23] =	ssyncset.done $0x0  }
0xa2: {  	[sflag:s23] =	ssyncadd.s32 $0xFFFFC000  }
0xa3: {  	[hbm4b:s25+s3] =	stream.linear.scatter [tilespmem:s21], [sflag:$0x4], $0x4000, $0x38;
	[tilespmem:$0x1E080] =	vst v63  }
.Ltmp1:
0xa4: {  	_ =	swait.ge [sflag:s16], $0x4000;
	(pc) =	sbr.rel @p0 .LBB2_4-.Ltmp1, $4  }
0xa5: {  	[sflag:s16] =	ssyncset.done $0x0  }
0xa6: {  	[sflag:s16] =	ssyncadd.s32 $0xFFFFC000  }
0xa7: {  	s28 =	smov.u32 s31;
	_ =	swait.ge [sflag:s18], $0x4000  }
0xa8: {  	s26 =	sshra.s32 s30, $0x2;
	s25 =	sadd.s32 $0x1000, s25;
	[sflag:s18] =	ssyncset.done $0x0  }
0xa9: {  	s28 =	sadd.s32 $0x13880, s26;
	[sflag:s18] =	ssyncadd.s32 $0xFFFFC000  }
0xaa: {  	[tilespmem:s20], [sflag:$0x4] =	stream.indirect.gather [spmem:s2], $0x80, s28, s19, $0xb8;
	[tilespmem:$0x1E080] =	vst v63  }
0xab: {  	_ =	swait.ge [sflag:s16], $0x4000  }
0xac: {  	[sflag:s16] =	ssyncset.done $0x0  }
0xad: {  	s31 =	sadd.s32 $0x14C80, s26;
	[sflag:s16] =	ssyncadd.s32 $0xFFFFC000  }
0xae: {  	[tilespmem:s20], [sflag:$0x1] =	stream.indirect.gather.add.f32 [hbm:s4], $0x80, s31, s19, $0xb8;
	[tilespmem:$0x1E080] =	vst v63  }
0xaf: {  	s29 =	sadd.s32 $0x13900, s26  }
0xb0: {  	[tilespmem:s21], [sflag:$0x4] =	stream.indirect.gather [spmem:s2], $0x80, s29, s19, $0xb8;
	[tilespmem:$0x1E080] =	vst v63  }
0xb1: {  	_ =	swait.ge [sflag:s16], $0x4000  }
0xb2: {  	[sflag:s16] =	ssyncset.done $0x0  }
0xb3: {  	s30 =	sadd.s32 $0x14D00, s26;
	[sflag:s16] =	ssyncadd.s32 $0xFFFFC000  }
0xb4: {  	[tilespmem:s21], [sflag:$0x2] =	stream.indirect.gather.add.f32 [hbm:s4], $0x80, s30, s19, $0xb8;
	[tilespmem:$0x1E080] =	vst v63  }
0xb5: {  	_ =	swait.ge [sflag:s22], $0x4000  }
0xb6: {  	[sflag:s22] =	ssyncset.done $0x0  }
0xb7: {  	s31 =	sadd.s32 $0xFFFFF800, s25;
	[sflag:s22] =	ssyncadd.s32 $0xFFFFC000  }
0xb8: {  	[hbm4b:s31+s3] =	stream.linear.scatter [tilespmem:s20], [sflag:$0x3], $0x4000, $0x38;
	[tilespmem:$0x1E080] =	vst v63  }
0xb9: {  	_ =	swait.ge [sflag:s23], $0x4000  }
0xba: {  	[sflag:s23] =	ssyncset.done $0x0  }
0xbb: {  	s24 =	sadd.s32 $0x1, s24;
	[sflag:s23] =	ssyncadd.s32 $0xFFFFC000  }
0xbc: {  	[hbm4b:s25+s3] =	stream.linear.scatter [tilespmem:s21], [sflag:$0x4], $0x4000, $0x38;
	[tilespmem:$0x1E080] =	vst v63  }
0xbd: {  	p0 =	sne.s32 s24, s11;
	_ =	swait.ge [sflag:s16], $0x4000  }
.Ltmp2:
0xbe: {  	[sflag:s16] =	ssyncset.done $0x0;
	(pc) =	sbr.rel @p0 .LBB2_1-.Ltmp2, $4  }
0xbf: {  	[sflag:s16] =	ssyncadd.s32 $0xFFFFC000  }
0xc0: {  	_ =	swait.ge [sflag:s18], $0x4000  }
0xc1: {  	[sflag:s18] =	ssyncset.done $0x0  }
0xc2: {  	[sflag:s18] =	ssyncadd.s32 $0xFFFFC000  }
0xc3: {  	_ =	sfence.sel $0x180000  }
0xc4: {  	[bflag:$0x0] =	sbarrier.arrive $0xFFFF  }
0xc5: {  	p0 =	sne.s32 s1, $0x0;
	_ =	strace $0x9000004D  }
0xc6: {  	s0 =	sadd.s32 @!p0 $0x100000, s0;
	[bflag:$0x2] =	sbarrier.arrive $0xFFFF  }
0xc7: {  	[sflag:s0] =	ssyncadd.tile.s32 @!p0 $0x1;
	_ =	shalt  }
.Lfunc_end2:
_tile_overlayer_lowered:
.L_overlay_start_2:
0xc8: {  	(tag) =	ssettag $0x2  }
0xc9: {  	s0 =	rddreg [dreg:$0x0];
	s2 =	stileid.u32  }
0xca: {  	s1 =	rddreg [dreg:$0x1];
	p0 =	sne.s32 s2, $0x0  }
0xcb: {  	s3 =	rddreg [dreg:$0x2];
	[bflag:$0x3] =	sbarrier.arrive $0xFFFF;
	s2 =	simm.s32 @!p0 $0x1C04  }
0xcc: {  	[timem:s3], [sflag:s2] =	dma.local @!p0 [hbm:s0], s1  }
0xcd: {  	s0 =	simm.s32 @!p0 $0x4  }
0xce: {  	_ =	swait.ge @!p0 [sflag:s0], s1  }
0xcf: {  	s1 =	ssub.s32 @!p0 $0x0, s1;
	[sflag:s0] =	ssyncset.done @!p0 $0x0  }
0xd0: {  	[sflag:s0] =	ssyncadd.s32 @!p0 s1  }
0xd1: {  	[bflag:$0x3] =	sbarrier.arrive $0xFFFF  }
0xd2: {  	_ =	shalt  }

// kernel: kernel.21.cloned.1.call-start
scs
__scs_entry_jumppad:
0x0: {  	(pc) =	sbr.rel $0x88, $3  }
0x1: {  	(tag) =	ssettag $0x0;
	lr =	simm.s32 $0x1  }
0x2: {  	[smem:$0x3F96] =	sst lr;
	_ =	strace $0xD0000000  }
0x3: {  	_ = 	snop  }
0x4: {  	_ = 	snop  }
0x5: {  	_ = 	snop  }
0x6: {  	_ = 	snop  }
0x7: {  	_ = 	snop  }
__scs_overlays_trampoline_lowered:
0x8: {  	[smem:$0x3FA5] =	sst s0  }
0x9: {  	[smem:$0x3FA6] =	sst s1  }
0xa: {  	[smem:$0x3FA7] =	sst s2  }
0xb: {  	[smem:$0x3FA8] =	sst s3  }
0xc: {  	[smem:$0x3FA9] =	sst s4  }
0xd: {  	[smem:$0x3FAA] =	sst s5  }
0xe: {  	[smem:$0x3FAB] =	sst s6  }
0xf: {  	[smem:$0x3FAC] =	sst s7  }
0x10: {  	[smem:$0x3FAD] =	sst s8  }
0x11: {  	[smem:$0x3FAE] =	sst s9;
	s0 =	simm.s32 @!p0 $0x0  }
0x12: {  	s1 =	sld [smem:$0x3F94];
	s0 =	simm.s32 @p0 $0x1  }
0x13: {  	[smem:$0x3FAF] =	sst s0;
	s0 =	simm.s32 @!p1 $0x0  }
0x14: {  	s2 =	sld [smem:$0x3F93];
	s0 =	simm.s32 @p1 $0x1  }
0x15: {  	[smem:$0x3FB0] =	sst s0;
	s0 =	simm.s32 @!p2 $0x0  }
0x16: {  	s3 =	sld [smem:$0x3FDB];
	s0 =	simm.s32 @p2 $0x1  }
0x17: {  	s4 =	simm.s32 $0x1BF5;
	[smem:$0x3FB2] =	sst s0  }
0x18: {  	s0 =	sld [smem:$0x3F95];
	_ =	swait.ge [sflag:s4], $0x0  }
0x19: {  	s7 =	sld [smem:$0x3F96]  }
0x1a: {  	s8 =	sadd.s32 $0xFFFFE003, lr  }
0x1b: {  	s9 =	sadd.s32 $0xFFFFFEF7, lr;
	s5 =	simm.s32 $0xFFFFFFFF;
	p2 =	slt.u32 s8, $0xFFFFF086  }
0x1c: {  	p1 =	slt.u32 s9, $0xF7A;
	s5 =	simm.s32 @!p2 $0x0  }
0x1d: {  	s5 =	simm.s32 @p1 $0x1;
	p0 =	seq.s32 s7, s2  }
0x1e: {  	s7 =	smul.u32 @!p0 $0xF7A, s2;
	p2 =	seq.s32 @!p0 s5, $0x0  }
0x1f: {  	s9 =	smul.u32 $0xF7A, s1;
	s8 =	simm.s32 @!p0 $0x1BF5;
	p2 =	por !p2, p0  }
0x20: {  	[sflag:s8] =	ssyncset.s32 @!p0 $0xFFFFF086;
	s6 =	sadd.s32 @!p0 s3, s7;
	s7 =	simm.s32 @!p0 $0x108  }
0x21: {  	s3 =	sadd.s32 s3, s9;
	s6 =	sadd.s32 @!p0 $0x88, s6;
	s7 =	simm.s32 @p2 $0x1082  }
0x22: {  	[simem:s7], [sflag:s8] =	dma.local @!p0 [hbm:s6], $0xF7A  }
0x23: {  	s9 =	sor.u32 $0xD0000000, s2;
	s6 =	simm.s32 $0x108;
	_ =	swait.ge @!p0 [sflag:s8], $0x0  }
0x24: {  	s3 =	sadd.s32 $0x88, s3;
	s6 =	simm.s32 @!p1 $0x1082;
	[sflag:s4] =	ssyncset.s32 $0xFFFFF086  }
0x25: {  	[simem:s6], [sflag:s4] =	dma.local [hbm:s3], $0xF7A  }
0x26: {  	[smem:$0x3F96] =	sst s1;
	(tag) =	ssettag s2;
	_ =	strace s9  }
0x27: {  	s1 =	sld [smem:$0x3FA6]  }
0x28: {  	s2 =	sld [smem:$0x3FA7]  }
0x29: {  	s4 =	sld [smem:$0x3FA9]  }
0x2a: {  	p0 =	seq.s32 s5, $0x0;
	s5 =	sld [smem:$0x3FAA]  }
0x2b: {  	s6 =	sld [smem:$0x3FAB]  }
0x2c: {  	s7 =	sld [smem:$0x3FAC]  }
0x2d: {  	s3 =	simm.s32 $0x108;
	s8 =	sld [smem:$0x3FAD]  }
0x2e: {  	s3 =	simm.s32 @!p0 $0x1082;
	s9 =	sld [smem:$0x3FAE]  }
0x2f: {  	lr =	sadd.s32 s0, s3;
	s0 =	sld [smem:$0x3FA5]  }
0x30: {  	s3 =	sld [smem:$0x3FA8]  }
0x31: {  	[smem:$0x3FB1] =	sst s10  }
0x32: {  	s10 =	sld [smem:$0x3FAF];
	_ =	sdelay $0x3  }
0x33: {  	p0 =	seq.s32 s10, $0x1;
	s10 =	sld [smem:$0x3FB1];
	_ =	sdelay $0x3  }
0x34: {  	[smem:$0x3FB1] =	sst s10  }
0x35: {  	s10 =	sld [smem:$0x3FB0];
	_ =	sdelay $0x3  }
0x36: {  	p1 =	seq.s32 s10, $0x1;
	s10 =	sld [smem:$0x3FB1];
	_ =	sdelay $0x3  }
0x37: {  	[smem:$0x3FB1] =	sst s10  }
0x38: {  	s10 =	sld [smem:$0x3FB2]  }
0x39: {  	_ = 	snop;
	(pc) =	sbr.ind lr, $3  }
0x3a: {  	_ = 	snop  }
0x3b: {  	_ = 	snop  }
0x3c: {  	p2 =	seq.s32 s10, $0x1;
	s10 =	sld [smem:$0x3FB1]  }
0x3d: {  	_ =	shalt  }
0x3e: {  	_ =	shalt  }
0x3f: {  	_ =	shalt  }
0x40: {  	_ =	shalt  }
0x41: {  	_ =	shalt  }
0x42: {  	_ =	shalt  }
0x43: {  	_ =	shalt  }
0x44: {  	_ =	shalt  }
0x45: {  	_ =	shalt  }
0x46: {  	_ =	shalt  }
0x47: {  	_ =	shalt  }
0x48: {  	_ =	shalt  }
0x49: {  	_ =	shalt  }
0x4a: {  	_ =	shalt  }
0x4b: {  	_ =	shalt  }
0x4c: {  	_ =	shalt  }
0x4d: {  	_ =	shalt  }
0x4e: {  	_ =	shalt  }
0x4f: {  	_ =	shalt  }
0x50: {  	_ =	shalt  }
0x51: {  	_ =	shalt  }
0x52: {  	_ =	shalt  }
0x53: {  	_ =	shalt  }
0x54: {  	_ =	shalt  }
0x55: {  	_ =	shalt  }
0x56: {  	_ =	shalt  }
0x57: {  	_ =	shalt  }
0x58: {  	_ =	shalt  }
0x59: {  	_ =	shalt  }
0x5a: {  	_ =	shalt  }
0x5b: {  	_ =	shalt  }
0x5c: {  	_ =	shalt  }
0x5d: {  	_ =	shalt  }
0x5e: {  	_ =	shalt  }
0x5f: {  	_ =	shalt  }
0x60: {  	_ =	shalt  }
0x61: {  	_ =	shalt  }
0x62: {  	_ =	shalt  }
0x63: {  	_ =	shalt  }
0x64: {  	_ =	shalt  }
0x65: {  	_ =	shalt  }
0x66: {  	_ =	shalt  }
0x67: {  	_ =	shalt  }
0x68: {  	_ =	shalt  }
0x69: {  	_ =	shalt  }
0x6a: {  	_ =	shalt  }
0x6b: {  	_ =	shalt  }
0x6c: {  	_ =	shalt  }
0x6d: {  	_ =	shalt  }
0x6e: {  	_ =	shalt  }
0x6f: {  	_ =	shalt  }
0x70: {  	_ =	shalt  }
0x71: {  	_ =	shalt  }
0x72: {  	_ =	shalt  }
0x73: {  	_ =	shalt  }
0x74: {  	_ =	shalt  }
0x75: {  	_ =	shalt  }
0x76: {  	_ =	shalt  }
0x77: {  	_ =	shalt  }
0x78: {  	_ =	shalt  }
0x79: {  	_ =	shalt  }
0x7a: {  	_ =	shalt  }
0x7b: {  	_ =	shalt  }
0x7c: {  	_ =	shalt  }
0x7d: {  	_ =	shalt  }
0x7e: {  	_ =	shalt  }
0x7f: {  	_ =	shalt  }
0x80: {  	_ =	shalt  }
0x81: {  	_ =	shalt  }
0x82: {  	_ =	shalt  }
0x83: {  	_ =	shalt  }
0x84: {  	_ =	shalt  }
0x85: {  	_ =	shalt  }
0x86: {  	_ =	shalt  }
0x87: {  	_ =	shalt  }
.Lfunc_end0:
.L_simem_size_0:
called_computation.3_lowered:
.L_overlay_start_0:
0x88: {  	s2 =	sld [smem:$0x3FD9]  }
0x89: {  	s3 =	sld [smem:$0x3FFE];
	_ =	sdelay $0x1  }
0x8a: {  	s1 =	srdreg.scid  }
0x8b: {  	s0 =	sand.u32 $0x1, s1  }
0x8c: {  	s14 =	sshll.u32 s0, $0xA;
	s2 =	sadd.s32 s3, s2  }
0x8d: {  	s2 =	sadd.s32 s2, s14  }
0x8e: {  	[smem:$0x3FBD] =	sst s2  }
0x8f: {  	_ = 	snop  }
0x90: {  	s2 =	sld [smem:$0x3FD0];
	_ =	sdelay $0x2  }
0x91: {  	s15 =	simm.s32 $0xA;
	s4 =	simm.s32 $0x10  }
0x92: {  	[smem:s4], [sflag:s15] =	dma.local [hbm:s2], $0x1  }
0x93: {  	_ =	swait.eq [sflag:s15], $0x1  }
0x94: {  	[sflag:s15] =	ssyncset.done $0x0  }
0x95: {  	[sflag:s15] =	ssyncadd.s32 $0xFFFFFFFF  }
0x96: {  	s16 =	sld [smem:$0x11];
	(tm) =	ssettm $0x1  }
0x97: {  	s17 =	sld [smem:$0x3FFB];
	_ =	sdelay $0x3  }
0x98: {  	_ =	strace s17  }
0x99: {  	s3 =	sld [smem:$0x3FFC];
	_ =	sdelay $0x3  }
0x9a: {  	_ =	strace s3  }
0x9b: {  	s3 =	sld [smem:$0x3FFD];
	_ =	sdelay $0x3  }
0x9c: {  	_ =	strace s3  }
0x9d: {  	_ =	strace $0x8FFFFFFF  }
0x9e: {  	s18 =	sld [smem:$0x3FDB];
	_ =	sdelay $0x1  }
0x9f: {  	s19 =	simm.s32 $_scs_section_size  }
0xa0: {  	s5 =	simm.s32 $_size__tile_overlayer_lowered;
	s6 =	simm.s32 $_tile_overlayer_lowered  }
0xa1: {  	s22 =	simm.s32 $0x1BFF;
	s21 =	sshll.u32 s6, $0x1;
	s3 =	sadd.s32 s19, s18  }
0xa2: {  	s7 =	simm.s32 $0x0;
	s20 =	sshll.u32 s5, $0x1;
	s5 =	sadd.s32 s21, s3  }
0xa3: {  	[timem:s7], [sflag:s22] =	dma.local [hbm:s5], s20  }
0xa4: {  	_ =	swait.ge [sflag:s22], s20  }
0xa5: {  	s4 =	ssub.s32 $0x0, s20;
	[sflag:s22] =	ssyncset.done $0x0  }
0xa6: {  	[sflag:s22] =	ssyncadd.s32 s4;
	_ =	sdelay $0x1  }
0xa7: {  	s23 =	simm.s32 $0x1B8B  }
0xa8: {  	_ =	swait.ge [sflag:s23], $0x1  }
0xa9: {  	[sflag:s23] =	ssyncset.done $0x0  }
0xaa: {  	s25 =	simm.s32 $0x1B8E;
	s24 =	sld [smem:$0x3FFE];
	[sflag:s23] =	ssyncadd.s32 $0xFFFFFFFF  }
0xab: {  	s26 =	simm.s32 $execute0_lowered;
	[smem:$0x3FD2] =	sst s25  }
0xac: {  	s5 =	sshll.u32 s26, $0x1;
	_ =	strace $0x8000004F;
	[dreg:$0x1] =	wrdreg $0xFFFFFFFF  }
0xad: {  	s28 =	simm.s32 $_size_execute0_lowered;
	s3 =	sadd.s32 s3, s5;
	[dreg:$0x0] =	wrdreg $0x0  }
0xae: {  	s5 =	sshll.u32 s28, $0x1;
	[dreg:$0x2] =	wrdreg s3  }
0xaf: {  	[dreg:$0x3] =	wrdreg s5  }
0xb0: {  	[dreg:$0x4] =	wrdreg $0xC0  }
0xb1: {  	_ =	task [dreg:s7], $0x5FFFF  }
0xb2: {  	[dreg:$0x1] =	wrdreg $0xFFFFFFFF  }
0xb3: {  	[dreg:$0x0] =	wrdreg $0x60  }
0xb4: {  	[dreg:$0x2] =	wrdreg s16  }
0xb5: {  	[dreg:$0x3] =	wrdreg s24  }
0xb6: {  	[dreg:$0x4] =	wrdreg $0x0  }
0xb7: {  	[dreg:$0x5] =	wrdreg $0x9  }
0xb8: {  	_ =	task.clear_ibuf [dreg:s7], $0x6FFFF;
	_ =	strace $0x9000004F  }
0xb9: {  	s29 =	simm.s32 $0x9;
	_ =	strace $0x80000051  }
0xba: {  	_ =	swait.ge [sflag:s29], $0x1  }
0xbb: {  	[sflag:s29] =	ssyncadd.s32 $0xFFFFFFFF  }
0xbc: {  	_ =	strace $0x90000051  }
0xbd: {  	_ =	sfence  }
0xbe: {  	s30 =	sld [smem:$0x0];
	_ =	sdelay $0x2  }
0xbf: {  	s31 =	sshll.u32 s1, $0xD;
	s1 =	sshrl.u32 s1, $0x2  }
0xc0: {  	s3 =	sand.u32 $0x4000, s31;
	s1 =	sadd.s32 s1, s30  }
0xc1: {  	s0 =	sor.u32 s3, s0;
	s1 =	sshll.u32 s1, $0x11  }
0xc2: {  	s0 =	sor.u32 s1, s0  }
0xc3: {  	s0 =	sadd.s32 $0x8F2B, s0  }
0xc4: {  	[sflag:s0] =	ssyncadd.remote.s32 $0x1  }
0xc5: {  	_ =	sfence.sel $0xFFFF  }
0xc6: {  	[dreg:$0x0] =	wrdreg $0xFFFFFFFF;
	(pc) =	sbr.abs _section_cstart, $3  }
0xc7: {  	[dreg:$0x1] =	wrdreg $0xFFFFFFFF  }
0xc8: {  	_ =	task.clear_ibuf [dreg:s7], $0x2FFFF;
	_ =	strace $0x9FFFFFFF  }
0xc9: {  	(tm) =	ssettm $0x7FFFFFFF  }
tec
execute0_lowered:
.L_overlay_start_1:
0x0: {  	(tag) =	ssettag $0x1  }
0x1: {  	s2 =	srdreg.scid;
	s1 =	rddreg [dreg:$0x0]  }
0x2: {  	s0 =	stileid.u32;
	s5 =	rddreg [dreg:$0x1]  }
0x3: {  	s4 =	simm.s32 $0x0;
	s28 =	simm.s32 $0x3;
	s29 =	simm.s32 $0x16000  }
0x4: {  	s30 =	simm.s32 $0x1A000;
	s31 =	simm.s32 $0x1;
	s23 =	smul.u32 $0x9E, s0  }
0x5: {  	s2 =	sand.u32 $0x1, s2;
	s3 =	sshll.u32 s0, $0x1;
	s25 =	smul.u32 $0x13C00, s0  }
0x6: {  	[smem:$0x7FF] =	sst s4;
	s13 =	sshll.u32 s0, $0xE;
	s12 =	smul.u32 $0x138800, s2  }
0x7: {  	s6 =	sor.u32 s2, s3;
	s3 =	rddreg [dreg:$0x2];
	s15 =	smul.u32 $0x4F, s2  }
0x8: {  	_ =	strace $0x80000050;
	s10 =	ssub.s32 $0x2, s2;
	s2 =	smul.u32 $0x9E00, s2  }
0x9: {  	s17 =	sor.u32 $0x40000, s13;
	s7 =	smul.u32 $0x4F, s6;
	s11 =	sshrl.u32 s10, $0x1  }
0xa: {  	p0 =	seq.s32 s6, $0x1F;
	s16 =	sadd.s32 s13, s3;
	s10 =	ssub.s32 s10, s11  }
0xb: {  	s18 =	sshrl.u32 s12, $0x3;
	s19 =	sadd.s32 s12, s13;
	s14 =	sadd.s32 s12, s17  }
0xc: {  	s2 =	sadd.s32 s2, s25;
	s8 =	smin.u32 s7, $0x975;
	s11 =	sshrl.u32 s19, $0x3  }
0xd: {  	s20 =	sshrl.u32 s14, $0x3;
	s19 =	sor.u32 $0xC0000, s13;
	s10 =	smax.u32 s10, $0x1  }
0xe: {  	s9 =	sshll.u32 s8, $0x4;
	s8 =	ssub.s32 s7, s8;
	s24 =	sadd.s32 s12, s19  }
0xf: {  	[dreg:$0xb] =	wrdreg s10;
	s7 =	sadd.s32 $0x4E, s7;
	s25 =	sadd.s32 s19, s3  }
0x10: {  	s9 =	sadd.s32 s9, s5;
	s5 =	sadd.s32 $0x1D000, s5;
	s8 =	sshll.u32 s8, $0x9  }
0x11: {  	s9 =	sadd.s32 $0xF200, s9;
	s11 =	sadd.s32 s5, s11;
	s8 =	sshra.s32 s8, $0x2  }
0x12: {  	[dreg:$0x4] =	wrdreg s9;
	s9 =	sadd.s32 s5, s18;
	s18 =	sor.u32 $0x80000, s13  }
0x13: {  	[dreg:$0x5] =	wrdreg s11;
	s11 =	sadd.s32 s5, s20;
	s20 =	sor.u32 $0x40, s0  }
0x14: {  	s21 =	sadd.s32 s12, s18;
	[dreg:$0x6] =	wrdreg s11;
	s9 =	sadd.s32 $0x27000, s9  }
0x15: {  	p1 =	slt.u32 s20, $0x4E;
	s22 =	sshrl.u32 s21, $0x3;
	s21 =	sshll.u32 s20, $0xE  }
0x16: {  	[dreg:$0xa] =	wrdreg s9;
	s20 =	sshrl.u32 s16, $0x3;
	p2 =	sne.s32 @!p1 s0, $0xE  }
0x17: {  	s11 =	sadd.s32 s5, s22;
	s12 =	sadd.s32 s12, s21;
	s22 =	sadd.s32 s15, s23  }
0x18: {  	s15 =	sadd.s32 $0x15F80, s8;
	s23 =	sadd.s32 s17, s3;
	p2 =	por p2, p1  }
0x19: {  	[dreg:$0x7] =	wrdreg s11;
	s11 =	sshrl.u32 s24, $0x3;
	s12 =	sshrl.u32 s12, $0x3  }
0x1a: {  	s26 =	smin.u32 s22, $0x975;
	[dreg:$0xe] =	wrdreg s15;
	s24 =	sadd.s32 s18, s3  }
0x1b: {  	s19 =	sadd.s32 $0x1, s22;
	s11 =	sadd.s32 s5, s11;
	s5 =	sadd.s32 s5, s12  }
0x1c: {  	s12 =	smin.u32 s7, $0x9C3;
	s7 =	smin.u32 s7, $0x9C2;
	[dreg:$0x8] =	wrdreg s11  }
0x1d: {  	s22 =	sshrl.u32 s24, $0x3;
	[dreg:$0x9] =	wrdreg s5;
	s11 =	sadd.s32 $0x800, s1  }
0x1e: {  	s5 =	sshll.u32 s26, $0x9;
	s6 =	sshll.u32 s12, $0xB;
	s7 =	sshll.u32 s7, $0xB  }
0x1f: {  	s26 =	sshll.u32 s0, $0xB;
	s12 =	sadd.s32 s21, s3;
	s21 =	sshrl.u32 s23, $0x3  }
0x20: {  	s23 =	sshrl.u32 s25, $0x3;
	s2 =	ssub.s32 s2, s5;
	s5 =	sadd.s32 $0x138000, s3  }
0x21: {  	s6 =	sadd.s32 s1, s6;
	s14 =	sadd.s32 s7, s11;
	s17 =	sadd.s32 s26, s3  }
0x22: {  	s24 =	sshrl.u32 @p1 s12, $0x3;
	s26 =	simm.s32 $0x4;
	[dreg:$0xc] =	wrdreg s6  }
0x23: {  	[dreg:$0xd] =	wrdreg s14;
	s2 =	sshra.s32 s2, $0x2;
	s25 =	sshrl.u32 @!p2 s5, $0x3  }
0x24: {  	v0 =	vimm.f32 $0.0e+00;
	s5 =	simm.s32 $0x0;
	s18 =	sadd.s32 $0x13880, s2;
	s2 =	simm.s32 $0x2  }
.LBB2_1:
0x25: {  	s6 =	simm.s32 $0x0;
	s7 =	simm.s32 $0x200  }
.LBB2_2:
0x26: {  	p3 =	sne.s32 s7, $0x1E00;
	[tilespmem:s6+$0x1E070] =	vst v0  }
0x27: {  	[tilespmem:s6+$0x1E000] =	vst v0  }
0x28: {  	[tilespmem:s6+$0x1E010] =	vst v0  }
.Ltmp0:
0x29: {  	[tilespmem:s6+$0x1E020] =	vst v0;
	(pc) =	sbr.rel @p3 .LBB2_2-.Ltmp0, $4  }
0x2a: {  	[tilespmem:s6+$0x1E030] =	vst v0  }
0x2b: {  	[tilespmem:s6+$0x1E040] =	vst v0  }
0x2c: {  	[tilespmem:s6+$0x1E050] =	vst v0  }
0x2d: {  	[tilespmem:s6+$0x1E060] =	vst v0;
	s6 =	sshra.s32 s7, $0x2;
	s7 =	sadd.s32 $0x200, s7  }
0x2e: {  	[tilespmem:s6+$0x1E070] =	vst v0  }
0x2f: {  	[tilespmem:s6+$0x1E000] =	vst v0  }
0x30: {  	[tilespmem:s6+$0x1E010] =	vst v0  }
0x31: {  	[tilespmem:s6+$0x1E020] =	vst v0  }
0x32: {  	[tilespmem:s6+$0x1E030] =	vst v0  }
0x33: {  	[tilespmem:s6+$0x1E040] =	vst v0;
	s7 =	sadd.s32 $0x0, s0  }
0x34: {  	[tilespmem:s6+$0x1E050] =	vst v0;
	p3 =	sgt.u32 s7, $0x270  }
0x35: {  	[tilespmem:s6+$0x1E060] =	vst v0;
	s6 =	simm.s32 @!p3 $0x1E000;
	s9 =	simm.s32 @!p3 $0x3  }
0x36: {  	[spmem:s17] =	stream.linear.scatter @!p3 [tilespmem:s6], [sflag:$0x3], $0x800, $0x38;
	[tilespmem:$0x1E800] =	vst v63  }
0x37: {  	s8 =	simm.s32 $0x20;
	_ =	swait.ge @!p3 [sflag:s9], $0x800  }
0x38: {  	s7 =	simm.s32 $0x10;
	s6 =	sadd.s32 $0x8000, s17;
	[sflag:s9] =	ssyncset.done @!p3 $0x0  }
.LBB2_4:
0x39: {  	s10 =	sadd.s32 s7, s0;
	s7 =	smov.u32 s8;
	s8 =	sadd.s32 $0x10, s8  }
0x3a: {  	[sflag:s9] =	ssyncadd.s32 @!p3 $0xFFFFF800;
	p4 =	sne.s32 s8, $0x280  }
.Ltmp1:
0x3b: {  	p3 =	sgt.u32 s10, $0x270;
	(pc) =	sbr.rel @p4 .LBB2_4-.Ltmp1, $4  }
0x3c: {  	s10 =	simm.s32 @!p3 $0x1E000;
	s9 =	simm.s32 @!p3 $0x3  }
0x3d: {  	[spmem:s6] =	stream.linear.scatter @!p3 [tilespmem:s10], [sflag:$0x3], $0x800, $0x38;
	[tilespmem:$0x1E800] =	vst v63  }
0x3e: {  	_ =	swait.ge @!p3 [sflag:s9], $0x800  }
0x3f: {  	s6 =	sadd.s32 $0x8000, s6;
	[sflag:s9] =	ssyncset.done @!p3 $0x0  }
0x40: {  	s7 =	sadd.s32 s7, s0  }
0x41: {  	p4 =	sgt.u32 s7, $0x270  }
0x42: {  	[sflag:s9] =	ssyncadd.s32 @!p3 $0xFFFFF800;
	s7 =	simm.s32 @!p4 $0x1E000;
	s8 =	simm.s32 @!p4 $0x3  }
0x43: {  	[spmem:s6] =	stream.linear.scatter @!p4 [tilespmem:s7], [sflag:$0x3], $0x800, $0x38;
	[tilespmem:$0x1E800] =	vst v63  }
0x44: {  	s14 =	simm.s32 $0x0;
	_ =	swait.ge @!p4 [sflag:s8], $0x800  }
0x45: {  	s16 =	simm.s32 $0x13880;
	s6 =	sadd.s32 $0xFFFFFFFF, s19;
	[sflag:s8] =	ssyncset.done @!p4 $0x0  }
0x46: {  	p3 =	slt.s32 s6, $0x9C3;
	s15 =	rddreg [dreg:$0x4];
	[sflag:s8] =	ssyncadd.s32 @!p4 $0xFFFFF800  }
0x47: {  	[tilespmem:s16], [sflag:$0x3] =	stream.linear.gather [hbm4b:s15+s14], $0x2780, $0x38;
	[tilespmem:$0x1E800] =	vst v63  }
0x48: {  	s7 =	smov.u32 s6;
	p5 =	slt.s32 s6, $0x9C2;
	_ =	swait.ge [sflag:s28], $0x2780  }
0x49: {  	s7 =	simm.s32 @!p3 $0x9C3;
	p4 =	sgt.u32 s6, $0x9C3;
	[sflag:s28] =	ssyncset.done $0x0  }
0x4a: {  	s6 =	simm.s32 @!p5 $0x9C2;
	s7 =	sshll.u32 s7, $0xB;
	[sflag:s28] =	ssyncadd.s32 $0xFFFFD880  }
0x4b: {  	s7 =	sadd.s32 s1, s7;
	s6 =	sshll.u32 s6, $0xB;
	[bflag:$0x0] =	sbarrier.arrive $0xFFFF  }
0x4c: {  	[tilespmem:s29], [sflag:$0x1] =	stream.linear.gather [hbm4b:s7+s4], $0x4000, $0x38;
	[tilespmem:$0x1E800] =	vst v63  }
0x4d: {  	s6 =	sadd.s32 s6, s11  }
0x4e: {  	[tilespmem:s30], [sflag:$0x2] =	stream.linear.gather [hbm4b:s6+s4], $0x4000, $0x38;
	[tilespmem:$0x1E800] =	vst v63  }
0x4f: {  	_ =	swait.ge [sflag:s31], $0x4000  }
0x50: {  	s8 =	simm.s32 @!p4 $0x16000;
	s9 =	simm.s32 @!p4 $0x4;
	[sflag:s31] =	ssyncset.done $0x0  }
0x51: {  	s7 =	sadd.s32 @!p4 $0x0, s18;
	s6 =	simm.s32 @!p4 $0x80;
	[sflag:s31] =	ssyncadd.s32 $0xFFFFC000  }
0x52: {  	[spmem:s3] =	stream.indirect.scatter.add.f32 @!p4 [tilespmem:s8], [sflag:$0x4], $0x80, s7, s6, $0xb8;
	[tilespmem:$0x1E800] =	vst v63  }
0x53: {  	p3 =	sgt.u32 s19, $0x9C3;
	_ =	swait.ge @!p4 [sflag:s9], $0x4000  }
0x54: {  	s10 =	simm.s32 @!p3 $0x1A000;
	[sflag:s9] =	ssyncset.done @!p4 $0x0  }
0x55: {  	s12 =	simm.s32 @!p3 $0x3;
	s6 =	simm.s32 $0x400;
	[sflag:s9] =	ssyncadd.s32 @!p4 $0xFFFFC000  }
0x56: {  	s7 =	sadd.s32 $0x2, s19;
	s8 =	simm.s32 @!p3 $0x80;
	_ =	swait.ge [sflag:s2], $0x4000  }
0x57: {  	s13 =	sadd.s32 $0xFFFFFFFF, s7;
	s9 =	sadd.s32 @!p3 $0x0, s18;
	[sflag:s2] =	ssyncset.done $0x0  }
0x58: {  	p5 =	slt.s32 s13, $0x9C2;
	s9 =	sadd.s32 @!p3 $0x80, s9;
	[sflag:s2] =	ssyncadd.s32 $0xFFFFC000  }
0x59: {  	[spmem:s3] =	stream.indirect.scatter.add.f32 @!p3 [tilespmem:s10], [sflag:$0x3], $0x80, s9, s8, $0xb8;
	[tilespmem:$0x1E800] =	vst v63  }
0x5a: {  	p4 =	slt.s32 s13, $0x9C3;
	s10 =	smov.u32 s13;
	s9 =	smov.u32 s13  }
0x5b: {  	s8 =	simm.s32 $0x800;
	s10 =	simm.s32 @!p4 $0x9C3;
	s9 =	simm.s32 @!p5 $0x9C2  }
.LBB2_6:
0x5c: {  	s10 =	sshll.u32 s10, $0xB;
	_ =	swait.ge @!p3 [sflag:s12], $0x4000  }
0x5d: {  	s14 =	smov.u32 s6;
	s6 =	smov.u32 s8;
	s8 =	sadd.s32 $0x400, s8  }
0x5e: {  	s9 =	sshll.u32 s9, $0xB;
	s10 =	sadd.s32 s1, s10;
	[sflag:s12] =	ssyncset.done @!p3 $0x0  }
0x5f: {  	p4 =	sne.s32 s8, $0x9C00;
	[sflag:s12] =	ssyncadd.s32 @!p3 $0xFFFFC000  }
0x60: {  	[tilespmem:s29], [sflag:$0x1] =	stream.linear.gather [hbm4b:s10+s4], $0x4000, $0x38;
	[tilespmem:$0x1E800] =	vst v63  }
0x61: {  	p5 =	sgt.u32 s13, $0x9C3;
	s9 =	sadd.s32 s9, s11  }
0x62: {  	[tilespmem:s30], [sflag:$0x2] =	stream.linear.gather [hbm4b:s9+s4], $0x4000, $0x38;
	[tilespmem:$0x1E800] =	vst v63  }
0x63: {  	s10 =	simm.s32 @!p5 $0x80;
	s9 =	sshra.s32 @!p5 s14, $0x2;
	_ =	swait.ge [sflag:s31], $0x4000  }
0x64: {  	s12 =	simm.s32 @!p5 $0x16000;
	s9 =	sadd.s32 @!p5 s9, s18;
	[sflag:s31] =	ssyncset.done $0x0  }
0x65: {  	s13 =	simm.s32 @!p5 $0x4;
	p3 =	sgt.u32 s7, $0x9C3;
	[sflag:s31] =	ssyncadd.s32 $0xFFFFC000  }
0x66: {  	[spmem:s3] =	stream.indirect.scatter.add.f32 @!p5 [tilespmem:s12], [sflag:$0x4], $0x80, s9, s10, $0xb8;
	[tilespmem:$0x1E800] =	vst v63  }
0x67: {  	s7 =	sadd.s32 $0x2, s7;
	s9 =	sshra.s32 @!p3 s14, $0x2;
	_ =	swait.ge @!p5 [sflag:s13], $0x4000  }
0x68: {  	s15 =	simm.s32 @!p3 $0x1A000;
	s9 =	sadd.s32 @!p3 s9, s18;
	[sflag:s13] =	ssyncset.done @!p5 $0x0  }
0x69: {  	s14 =	simm.s32 @!p3 $0x80;
	s16 =	sadd.s32 @!p3 $0x80, s9;
	[sflag:s13] =	ssyncadd.s32 @!p5 $0xFFFFC000  }
.Ltmp2:
0x6a: {  	s13 =	sadd.s32 $0xFFFFFFFF, s7;
	_ =	swait.ge [sflag:s2], $0x4000;
	(pc) =	sbr.rel @p4 .LBB2_6-.Ltmp2, $4  }
0x6b: {  	p5 =	slt.s32 s13, $0x9C3;
	p6 =	slt.s32 s13, $0x9C2;
	[sflag:s2] =	ssyncset.done $0x0  }
0x6c: {  	s10 =	smov.u32 s13;
	s9 =	smov.u32 s13;
	[sflag:s2] =	ssyncadd.s32 $0xFFFFC000  }
0x6d: {  	s12 =	simm.s32 @!p3 $0x3;
	s10 =	simm.s32 @!p5 $0x9C3;
	s9 =	simm.s32 @!p6 $0x9C2  }
0x6e: {  	[spmem:s3] =	stream.indirect.scatter.add.f32 @!p3 [tilespmem:s15], [sflag:$0x3], $0x80, s16, s14, $0xb8;
	[tilespmem:$0x1E800] =	vst v63  }
0x6f: {  	_ =	swait.ge @!p3 [sflag:s12], $0x4000  }
0x70: {  	s8 =	sshll.u32 s10, $0xB;
	[sflag:s12] =	ssyncset.done @!p3 $0x0  }
0x71: {  	s9 =	sshll.u32 s9, $0xB;
	s8 =	sadd.s32 s1, s8;
	[sflag:s12] =	ssyncadd.s32 @!p3 $0xFFFFC000  }
0x72: {  	[tilespmem:s29], [sflag:$0x1] =	stream.linear.gather [hbm4b:s8+s4], $0x4000, $0x38;
	[tilespmem:$0x1E800] =	vst v63  }
0x73: {  	s16 =	sadd.s32 s9, s11  }
0x74: {  	[tilespmem:s30], [sflag:$0x2] =	stream.linear.gather [hbm4b:s16+s4], $0x4000, $0x38;
	[tilespmem:$0x1E800] =	vst v63  }
0x75: {  	p3 =	sgt.u32 s13, $0x9C3;
	_ =	swait.ge [sflag:s31], $0x4000  }
0x76: {  	s8 =	sshra.s32 @!p3 s6, $0x2;
	s9 =	simm.s32 @!p3 $0x80;
	[sflag:s31] =	ssyncset.done $0x0  }
0x77: {  	s10 =	simm.s32 @!p3 $0x16000;
	s8 =	sadd.s32 @!p3 s8, s18;
	[sflag:s31] =	ssyncadd.s32 $0xFFFFC000  }
0x78: {  	[spmem:s3] =	stream.indirect.scatter.add.f32 @!p3 [tilespmem:s10], [sflag:$0x4], $0x80, s8, s9, $0xb8;
	[tilespmem:$0x1E800] =	vst v63  }
0x79: {  	s8 =	simm.s32 @!p3 $0x4  }
0x7a: {  	_ =	swait.ge @!p3 [sflag:s8], $0x4000  }
0x7b: {  	[sflag:s8] =	ssyncset.done @!p3 $0x0  }
0x7c: {  	p4 =	sgt.u32 s7, $0x9C3;
	[sflag:s8] =	ssyncadd.s32 @!p3 $0xFFFFC000  }
0x7d: {  	s6 =	sshra.s32 @!p4 s6, $0x2;
	_ =	swait.ge [sflag:s2], $0x4000  }
0x7e: {  	s7 =	simm.s32 @!p4 $0x80;
	s6 =	sadd.s32 @!p4 s6, s18;
	[sflag:s2] =	ssyncset.done $0x0  }
0x7f: {  	s6 =	sadd.s32 @!p4 $0x80, s6;
	s8 =	simm.s32 @!p4 $0x1A000;
	[sflag:s2] =	ssyncadd.s32 $0xFFFFC000  }
0x80: {  	[spmem:s3] =	stream.indirect.scatter.add.f32 @!p4 [tilespmem:s8], [sflag:$0x3], $0x80, s6, s7, $0xb8;
	[tilespmem:$0x1E800] =	vst v63  }
0x81: {  	s6 =	simm.s32 @!p4 $0x3  }
0x82: {  	_ =	swait.ge @!p4 [sflag:s6], $0x4000  }
0x83: {  	[sflag:s6] =	ssyncset.done @!p4 $0x0  }
0x84: {  	s8 =	rddreg [dreg:$0xc];
	[sflag:s6] =	ssyncadd.s32 @!p4 $0xFFFFC000  }
0x85: {  	[tilespmem:s29], [sflag:$0x1] =	stream.linear.gather [hbm4b:s8+s4], $0x4000, $0x38;
	[tilespmem:$0x1E800] =	vst v63  }
0x86: {  	s9 =	rddreg [dreg:$0xd]  }
0x87: {  	[tilespmem:s30], [sflag:$0x2] =	stream.linear.gather [hbm4b:s9+s4], $0x4000, $0x38;
	[tilespmem:$0x1E800] =	vst v63  }
0x88: {  	_ =	swait.ge [sflag:s31], $0x4000  }
0x89: {  	s7 =	simm.s32 @!p0 $0x16000;
	[sflag:s31] =	ssyncset.done $0x0  }
0x8a: {  	s6 =	simm.s32 @!p0 $0x80;
	s8 =	rddreg [dreg:$0xe];
	[sflag:s31] =	ssyncadd.s32 $0xFFFFC000  }
0x8b: {  	[spmem:s3] =	stream.indirect.scatter.add.f32 @!p0 [tilespmem:s7], [sflag:$0x4], $0x80, s8, s6, $0xb8;
	[tilespmem:$0x1E800] =	vst v63  }
0x8c: {  	s6 =	simm.s32 @!p0 $0x4  }
0x8d: {  	_ =	swait.ge @!p0 [sflag:s6], $0x4000  }
0x8e: {  	[sflag:s6] =	ssyncset.done @!p0 $0x0  }
0x8f: {  	[sflag:s6] =	ssyncadd.s32 @!p0 $0xFFFFC000  }
0x90: {  	_ =	swait.ge [sflag:s2], $0x4000  }
0x91: {  	[sflag:s2] =	ssyncset.done $0x0  }
0x92: {  	[sflag:s2] =	ssyncadd.s32 $0xFFFFC000  }
0x93: {  	s10 =	sshll.u32 s0, $0x6;
	[bflag:$0x0] =	sbarrier.arrive $0xFFFF  }
0x94: {  	s6 =	sor.u32 $0x1C04, s10;
	s12 =	rddreg [dreg:$0x5]  }
0x95: {  	[hbm:s12], [sflag:s6] =	dma.local [spmem:s20], $0x800  }
0x96: {  	_ =	swait.ge [sflag:s26], $0x800  }
0x97: {  	[sflag:s26] =	ssyncset.done $0x0  }
0x98: {  	s13 =	rddreg [dreg:$0x6];
	[sflag:s26] =	ssyncadd.s32 $0xFFFFF800  }
0x99: {  	[hbm:s13], [sflag:s6] =	dma.local [spmem:s21], $0x800  }
0x9a: {  	_ =	swait.ge [sflag:s26], $0x800  }
0x9b: {  	[sflag:s26] =	ssyncset.done $0x0  }
0x9c: {  	s14 =	rddreg [dreg:$0x7];
	[sflag:s26] =	ssyncadd.s32 $0xFFFFF800  }
0x9d: {  	[hbm:s14], [sflag:s6] =	dma.local [spmem:s22], $0x800  }
0x9e: {  	_ =	swait.ge [sflag:s26], $0x800  }
0x9f: {  	[sflag:s26] =	ssyncset.done $0x0  }
0xa0: {  	s15 =	rddreg [dreg:$0x8];
	[sflag:s26] =	ssyncadd.s32 $0xFFFFF800  }
0xa1: {  	[hbm:s15], [sflag:s6] =	dma.local [spmem:s23], $0x800  }
0xa2: {  	_ =	swait.ge [sflag:s26], $0x800  }
0xa3: {  	[sflag:s26] =	ssyncset.done $0x0  }
0xa4: {  	s7 =	rddreg [dreg:$0x9];
	[sflag:s26] =	ssyncadd.s32 $0xFFFFF800  }
0xa5: {  	[hbm:s7], [sflag:s6] =	dma.local @p1 [spmem:s24], $0x800  }
0xa6: {  	s6 =	simm.s32 @p1 $0x4  }
0xa7: {  	_ =	swait.ge @p1 [sflag:s6], $0x800  }
0xa8: {  	s7 =	sshll.u32 @!p2 s0, $0x6;
	[sflag:s6] =	ssyncset.done @p1 $0x0  }
0xa9: {  	[sflag:s6] =	ssyncadd.s32 @p1 $0xFFFFF800;
	s6 =	sor.u32 @!p2 $0x1C03, s7;
	s7 =	rddreg [dreg:$0xa]  }
0xaa: {  	[hbm:s7], [sflag:s6] =	dma.local @!p2 [spmem:s25], $0x100  }
0xab: {  	s6 =	simm.s32 @!p2 $0x3  }
0xac: {  	_ =	swait.ge @!p2 [sflag:s6], $0x100  }
0xad: {  	s5 =	sadd.s32 $0x1, s5;
	s16 =	rddreg [dreg:$0xb]  }
0xae: {  	p3 =	sne.s32 s5, s16  }
.Ltmp3:
0xaf: {  	_ = 	snop;
	(pc) =	sbr.rel @p3 .LBB2_1-.Ltmp3, $3  }
0xb0: {  	_ =	sdelay $0x1  }
0xb1: {  	[sflag:s6] =	ssyncset.done @!p2 $0x0  }
0xb2: {  	[sflag:s6] =	ssyncadd.s32 @!p2 $0xFFFFFF00  }
0xb3: {  	_ =	sfence.sel $0x180000  }
0xb4: {  	[bflag:$0x0] =	sbarrier.arrive $0xFFFF  }
0xb5: {  	_ =	strace $0x90000050  }
0xb6: {  	[bflag:$0x2] =	sbarrier.arrive $0xFFFF  }
0xb7: {  	p0 =	sne.s32 s0, $0x0;
	s0 =	rddreg [dreg:$0x3]  }
0xb8: {  	s0 =	sadd.s32 @!p0 $0x100000, s0  }
0xb9: {  	[sflag:s0] =	ssyncadd.tile.s32 @!p0 $0x1;
	_ =	shalt  }
.Lfunc_end2:
_tile_overlayer_lowered:
.L_overlay_start_2:
0xba: {  	(tag) =	ssettag $0x2  }
0xbb: {  	s0 =	rddreg [dreg:$0x0];
	s2 =	stileid.u32  }
0xbc: {  	s1 =	rddreg [dreg:$0x1];
	p0 =	sne.s32 s2, $0x0  }
0xbd: {  	s3 =	rddreg [dreg:$0x2];
	[bflag:$0x3] =	sbarrier.arrive $0xFFFF;
	s2 =	simm.s32 @!p0 $0x1C03  }
0xbe: {  	[timem:s3], [sflag:s2] =	dma.local @!p0 [hbm:s0], s1  }
0xbf: {  	s0 =	simm.s32 @!p0 $0x3  }
0xc0: {  	_ =	swait.ge @!p0 [sflag:s0], s1  }
0xc1: {  	s1 =	ssub.s32 @!p0 $0x0, s1;
	[sflag:s0] =	ssyncset.done @!p0 $0x0  }
0xc2: {  	[sflag:s0] =	ssyncadd.s32 @!p0 s1  }
0xc3: {  	[bflag:$0x3] =	sbarrier.arrive $0xFFFF  }
0xc4: {  	_ =	shalt  }

</sc_bundles>
